<compile_context>
chip_gen: v7x
topology: tpu7x:2x2x1
jax: 0.10.2.dev20260603
libtpu: 0.0.44.dev20260713+nightly
codegen_flags: <defaults>
</compile_context>

<pallas_src>
import functools

import jax
import jax.numpy as jnp
from jax import lax
from jax.experimental import pallas as pl
from jax.experimental.pallas import tpu as pltpu
from jax.experimental.pallas import tpu_sc as plsc

BATCH = 16384
FEAT = 64
NCLS = 100000
NC = 2
NS = 16
NW = NC * NS
BPW = BATCH // NW
HSLICE = 6256
HIST = NS * HSLICE


def _rsqrt(x):
    i = lax.bitcast_convert_type(x, jnp.int32)
    i = jnp.int32(0x5F3759DF) - (i >> 1)
    y = lax.bitcast_convert_type(i, jnp.float32)
    for _ in range(4):
        y = y * (1.5 - 0.5 * x * y * y)
    return y


@functools.partial(
    pl.kernel,
    out_type=jax.ShapeDtypeStruct((NW, 16), jnp.float32),
    mesh=plsc.VectorSubcoreMesh(core_axis_name="c", subcore_axis_name="s"),
    scratch_types=[
        pltpu.VMEM((4, 128), jnp.int32),
        pltpu.VMEM((8, 128), jnp.int32),
        pltpu.VMEM((128,), jnp.float32),
        pltpu.VMEM((BPW,), jnp.float32),
        pltpu.VMEM((BPW, FEAT), jnp.float32),
        pltpu.VMEM((BPW, FEAT), jnp.float32),
        pltpu.VMEM((16,), jnp.float32),
        pltpu.VMEM_SHARED((HIST,), jnp.float32),
        pltpu.SemaphoreType.DMA,
        pltpu.SemaphoreType.DMA,
    ],
    compiler_params=pltpu.CompilerParams(
        needs_layout_passes=False, use_tc_tiling_on_sc=False),
)
def _center_loss_sc(xs_hbm, ys2_hbm, zeros_hbm, center_hbm, out_hbm,
                    idx_out_v, idx_hist_v, ones_v, counts_v,
                    rows_v, xs_v, acc_v, hist_sp, sem_g, sem_x):
    cid = lax.axis_index("c")
    sid = lax.axis_index("s")
    wid = cid * NS + sid

    pltpu.sync_copy(ys2_hbm.at[pl.ds(wid * 4, 4)], idx_out_v)
    pltpu.sync_copy(ys2_hbm.at[pl.ds(sid * 8, 8)], idx_hist_v)

    gh = [
        pltpu.async_copy(center_hbm.at[idx_out_v.at[j]],
                         rows_v.at[pl.ds(j * 128, 128)], sem_g)
        for j in range(4)
    ]
    xh = pltpu.async_copy(xs_hbm.at[pl.ds(wid * BPW, BPW)], xs_v, sem_x)

    for j in range(8):
        ones_v[pl.ds(j * 16, 16)] = jnp.ones((16,), jnp.float32)

    pltpu.sync_copy(zeros_hbm, hist_sp.at[pl.ds(sid * HSLICE, HSLICE)])
    plsc.subcore_barrier()
    for j in range(8):
        pltpu.sync_copy(ones_v, hist_sp.at[idx_hist_v.at[j]], add=True)
    plsc.subcore_barrier()
    for j in range(4):
        pltpu.sync_copy(hist_sp.at[idx_out_v.at[j]],
                        counts_v.at[pl.ds(j * 128, 128)])

    xh.wait()
    for h in gh:
        h.wait()

    lane = jnp.arange(16, dtype=jnp.int32)

    def _block(b, acc):
        rl = b * 16 + lane
        s = jnp.zeros((16,), jnp.float32)
        p = jnp.zeros((16,), jnp.float32)
        q = jnp.zeros((16,), jnp.float32)
        for d in range(FEAT):
            dc = jnp.full((16,), d, dtype=jnp.int32)
            x = plsc.load_gather(xs_v, [rl, dc])
            c = plsc.load_gather(rows_v, [rl, dc])
            s = s + x * x
            p = p + x * c
            q = q + c * c
        inv = jnp.where(s >= 1e-24, _rsqrt(s), jnp.float32(1e12))
        d2 = jnp.maximum(inv * (inv * s - 2.0 * p) + q, 0.0)
        dist = jnp.where(d2 >= 1e-30, d2 * _rsqrt(d2), 0.0)
        cnt = counts_v[pl.ds(b * 16, 16)]
        return acc + dist / cnt

    acc = lax.fori_loop(0, BPW // 16, _block, jnp.zeros((16,), jnp.float32))
    acc_v[...] = acc
    pltpu.sync_copy(acc_v, out_hbm.at[wid])


@jax.jit
def kernel(xs, ys, center):
    ys2 = ys.astype(jnp.int32).reshape(NW * 4, 128)
    zeros = jnp.zeros((HSLICE,), jnp.float32)
    out = _center_loss_sc(xs, ys2, zeros, center)
    return jnp.sum(out)

# --- scband reference (transcript-rebuilt; emitter-appended) ---
"""Pipeline reference for scband-center-loss-35399120453644 (READ-ONLY COPY).

The authoritative reference and input builder live on the scoring server;
editing this copy changes nothing except your own understanding.
"""

import jax, jax.numpy as jnp
import numpy as np

CLS_NUM = 100000
FEATURE_NUM = 64
BATCH = 16384

def setup_inputs(seed: int = 0) -> dict:
    key = jax.random.key(seed)
    k1, k2, k3 = jax.random.split(key, 3)
    xs = jax.random.normal(k1, (BATCH, FEATURE_NUM), dtype=jnp.float32)
    ys = jax.random.randint(k2, (BATCH,), 0, CLS_NUM).astype(jnp.float32)
    center = jax.random.normal(k3, (CLS_NUM, FEATURE_NUM), dtype=jnp.float32)
    return {"xs": xs, "ys": ys, "center": center}

def reference(xs, ys, center):
    # torch F.normalize(xs): x / max(||x||_2, eps), eps=1e-12, dim=1
    norm = jnp.linalg.norm(xs, axis=1, keepdims=True)
    xs_n = xs / jnp.maximum(norm, 1e-12)
    ys_i = ys.astype(jnp.int32)
    # center.index_select(0, ys.long()) -> gather
    center_exp = jnp.take(center, ys_i, axis=0)
    # torch.histc(ys, bins=cls_num, min=0, max=cls_num-1): for integer-valued
    # labels in [0, cls_num-1] this equals bincount with length=cls_num
    count = jnp.bincount(ys_i, length=CLS_NUM).astype(xs.dtype)
    count_dis = jnp.take(count, ys_i, axis=0)
    dist = jnp.sqrt(jnp.sum((xs_n - center_exp) ** 2, axis=1))
    return jnp.sum(dist / count_dis)

if __name__ == "__main__":
    import jax
    _d = setup_inputs()
    print(jax.jit(kernel)(*tuple(_d.values())))

</pallas_src>

<mosaic_0001>
#map = affine_map<(d0, d1) -> (0, 0)>
#map1 = affine_map<(d0, d1) -> (0)>
module attributes {stable_mosaic.version = 14 : i64} {
  func.func @_center_loss_sc(%arg0: i32, %arg1: i32, %arg2: memref<16384x64xf32, #tpu.memory_space<hbm>>, %arg3: memref<128x128xi32, #tpu.memory_space<hbm>>, %arg4: memref<6256xf32, #tpu.memory_space<hbm>>, %arg5: memref<100000x64xf32, #tpu.memory_space<hbm>>, %arg6: memref<32x16xf32, #tpu.memory_space<hbm>>, %arg7: memref<4x128xi32, #tpu.memory_space<vmem>>, %arg8: memref<8x128xi32, #tpu.memory_space<vmem>>, %arg9: memref<128xf32, #tpu.memory_space<vmem>>, %arg10: memref<512xf32, #tpu.memory_space<vmem>>, %arg11: memref<512x64xf32, #tpu.memory_space<vmem>>, %arg12: memref<512x64xf32, #tpu.memory_space<vmem>>, %arg13: memref<16xf32, #tpu.memory_space<vmem>>, %arg14: memref<100096xf32, #tpu.memory_space<vmem_shared>>, %arg15: memref<!tpu.dma_semaphore, #tpu.memory_space<semaphore_mem>>, %arg16: memref<!tpu.dma_semaphore, #tpu.memory_space<semaphore_mem>>) attributes {dimension_semantics = [#tpu.dimension_semantics<core_parallel>, #tpu.dimension_semantics<subcore_parallel>], iteration_bounds = array<i64: 2, 16>, scalar_prefetch = 0 : i64, scratch_operands = 10 : i64, tpu.core_type = #tpu.core_type<sc_vector_subcore>, window_params = [{transform_indices = #map}, {transform_indices = #map}, {transform_indices = #map1}, {transform_indices = #map}, {transform_indices = #map}]} {
    %mul3A = arith.constant 16 : i32
    %mul3A_0 = arith.muli %arg0, %mul3A : i32
    %add3A = arith.addi %mul3A_0, %arg1 : i32
    %mul3A_1 = arith.constant 4 : i32
    %mul3A_2 = arith.muli %add3A, %mul3A_1 : i32
    "tpu.region"() ({
      %run_scoped3A_146 = tpu.sem_alloc : memref<!tpu.dma_semaphore, #tpu.memory_space<semaphore_mem>>
      %dma_start3A_147 = arith.constant 0 : i32
      %dma_start3A_148 = tpu.memref_slice %arg3[%mul3A_2, %dma_start3A_147] : memref<128x128xi32, #tpu.memory_space<hbm>> -> memref<4x128xi32, #tpu.memory_space<hbm>>
      %dma_start3A_149 = arith.constant 0 : i32
      %dma_start3A_150 = tpu.memref_slice %arg3[%mul3A_2, %dma_start3A_149] : memref<128x128xi32, #tpu.memory_space<hbm>> -> memref<4x128xi32, #tpu.memory_space<hbm>>
      tpu.enqueue_dma source(%dma_start3A_150 : memref<4x128xi32, #tpu.memory_space<hbm>>) target(%arg7 : memref<4x128xi32, #tpu.memory_space<vmem>>) target_semaphore(%run_scoped3A_146 : memref<!tpu.dma_semaphore, #tpu.memory_space<semaphore_mem>>)
      %dma_wait3A_151 = arith.constant 0 : i32
      %dma_wait3A_152 = tpu.memref_slice %arg3[%mul3A_2, %dma_wait3A_151] : memref<128x128xi32, #tpu.memory_space<hbm>> -> memref<4x128xi32, #tpu.memory_space<hbm>>
      %dma_wait3A_153 = arith.constant 0 : i32
      %dma_wait3A_154 = tpu.memref_slice %arg3[%mul3A_2, %dma_wait3A_153] : memref<128x128xi32, #tpu.memory_space<hbm>> -> memref<4x128xi32, #tpu.memory_space<hbm>>
      tpu.wait_dma2 semaphore(%run_scoped3A_146 : memref<!tpu.dma_semaphore, #tpu.memory_space<semaphore_mem>>) src(%dma_wait3A_154 : memref<4x128xi32, #tpu.memory_space<hbm>>) dst(%arg7 : memref<4x128xi32, #tpu.memory_space<vmem>>)
      tpu.yield
    }) : () -> ()
    %mul3A_3 = arith.constant 8 : i32
    %mul3A_4 = arith.muli %arg1, %mul3A_3 : i32
    "tpu.region"() ({
      %run_scoped3A_146 = tpu.sem_alloc : memref<!tpu.dma_semaphore, #tpu.memory_space<semaphore_mem>>
      %dma_start3A_147 = arith.constant 0 : i32
      %dma_start3A_148 = tpu.memref_slice %arg3[%mul3A_4, %dma_start3A_147] : memref<128x128xi32, #tpu.memory_space<hbm>> -> memref<8x128xi32, #tpu.memory_space<hbm>>
      %dma_start3A_149 = arith.constant 0 : i32
      %dma_start3A_150 = tpu.memref_slice %arg3[%mul3A_4, %dma_start3A_149] : memref<128x128xi32, #tpu.memory_space<hbm>> -> memref<8x128xi32, #tpu.memory_space<hbm>>
      tpu.enqueue_dma source(%dma_start3A_150 : memref<8x128xi32, #tpu.memory_space<hbm>>) target(%arg8 : memref<8x128xi32, #tpu.memory_space<vmem>>) target_semaphore(%run_scoped3A_146 : memref<!tpu.dma_semaphore, #tpu.memory_space<semaphore_mem>>)
      %dma_wait3A_151 = arith.constant 0 : i32
      %dma_wait3A_152 = tpu.memref_slice %arg3[%mul3A_4, %dma_wait3A_151] : memref<128x128xi32, #tpu.memory_space<hbm>> -> memref<8x128xi32, #tpu.memory_space<hbm>>
      %dma_wait3A_153 = arith.constant 0 : i32
      %dma_wait3A_154 = tpu.memref_slice %arg3[%mul3A_4, %dma_wait3A_153] : memref<128x128xi32, #tpu.memory_space<hbm>> -> memref<8x128xi32, #tpu.memory_space<hbm>>
      tpu.wait_dma2 semaphore(%run_scoped3A_146 : memref<!tpu.dma_semaphore, #tpu.memory_space<semaphore_mem>>) src(%dma_wait3A_154 : memref<8x128xi32, #tpu.memory_space<hbm>>) dst(%arg8 : memref<8x128xi32, #tpu.memory_space<vmem>>)
      tpu.yield
    }) : () -> ()
    %dma_start3A = arith.constant 0 : i32
    %dma_start3A_5 = arith.constant 0 : i32
    %dma_start3A_6 = arith.constant 0 : i32
    %dma_start3A_7 = tpu.memref_slice %arg11[%dma_start3A_5, %dma_start3A_6] : memref<512x64xf32, #tpu.memory_space<vmem>> -> memref<128x64xf32, #tpu.memory_space<vmem>>
    %dma_start3A_8 = arith.constant 0 : i32
    %dma_start3A_9 = tpu.memref_slice %arg7[%dma_start3A, %dma_start3A_8] : memref<4x128xi32, #tpu.memory_space<vmem>> -> memref<1x128xi32, #tpu.memory_space<vmem>>
    %dma_start3A_10 = tpu.memref_squeeze %dma_start3A_9 : memref<1x128xi32, #tpu.memory_space<vmem>> -> memref<128xi32, #tpu.memory_space<vmem>>
    %dma_start3A_11 = arith.constant 0 : i32
    %dma_start3A_12 = arith.constant 0 : i32
    %dma_start3A_13 = tpu.memref_slice %arg5[%dma_start3A_11, %dma_start3A_12] : memref<100000x64xf32, #tpu.memory_space<hbm>> -> memref<100000x64xf32, #tpu.memory_space<hbm>>
    tpu.enqueue_indirect_dma source(%dma_start3A_13 : memref<100000x64xf32, #tpu.memory_space<hbm>>) target(%dma_start3A_7 : memref<128x64xf32, #tpu.memory_space<vmem>>) offsets(%dma_start3A_10 : memref<128xi32, #tpu.memory_space<vmem>>) semaphore(%arg15 : memref<!tpu.dma_semaphore, #tpu.memory_space<semaphore_mem>>)
    %dma_start3A_14 = arith.constant 1 : i32
    %dma_start3A_15 = arith.constant 128 : i32
    %dma_start3A_16 = arith.constant 0 : i32
    %dma_start3A_17 = tpu.memref_slice %arg11[%dma_start3A_15, %dma_start3A_16] : memref<512x64xf32, #tpu.memory_space<vmem>> -> memref<128x64xf32, #tpu.memory_space<vmem>>
    %dma_start3A_18 = arith.constant 0 : i32
    %dma_start3A_19 = tpu.memref_slice %arg7[%dma_start3A_14, %dma_start3A_18] : memref<4x128xi32, #tpu.memory_space<vmem>> -> memref<1x128xi32, #tpu.memory_space<vmem>>
    %dma_start3A_20 = tpu.memref_squeeze %dma_start3A_19 : memref<1x128xi32, #tpu.memory_space<vmem>> -> memref<128xi32, #tpu.memory_space<vmem>>
    %dma_start3A_21 = arith.constant 0 : i32
    %dma_start3A_22 = arith.constant 0 : i32
    %dma_start3A_23 = tpu.memref_slice %arg5[%dma_start3A_21, %dma_start3A_22] : memref<100000x64xf32, #tpu.memory_space<hbm>> -> memref<100000x64xf32, #tpu.memory_space<hbm>>
    tpu.enqueue_indirect_dma source(%dma_start3A_23 : memref<100000x64xf32, #tpu.memory_space<hbm>>) target(%dma_start3A_17 : memref<128x64xf32, #tpu.memory_space<vmem>>) offsets(%dma_start3A_20 : memref<128xi32, #tpu.memory_space<vmem>>) semaphore(%arg15 : memref<!tpu.dma_semaphore, #tpu.memory_space<semaphore_mem>>)
    %dma_start3A_24 = arith.constant 2 : i32
    %dma_start3A_25 = arith.constant 256 : i32
    %dma_start3A_26 = arith.constant 0 : i32
    %dma_start3A_27 = tpu.memref_slice %arg11[%dma_start3A_25, %dma_start3A_26] : memref<512x64xf32, #tpu.memory_space<vmem>> -> memref<128x64xf32, #tpu.memory_space<vmem>>
    %dma_start3A_28 = arith.constant 0 : i32
    %dma_start3A_29 = tpu.memref_slice %arg7[%dma_start3A_24, %dma_start3A_28] : memref<4x128xi32, #tpu.memory_space<vmem>> -> memref<1x128xi32, #tpu.memory_space<vmem>>
    %dma_start3A_30 = tpu.memref_squeeze %dma_start3A_29 : memref<1x128xi32, #tpu.memory_space<vmem>> -> memref<128xi32, #tpu.memory_space<vmem>>
    %dma_start3A_31 = arith.constant 0 : i32
    %dma_start3A_32 = arith.constant 0 : i32
    %dma_start3A_33 = tpu.memref_slice %arg5[%dma_start3A_31, %dma_start3A_32] : memref<100000x64xf32, #tpu.memory_space<hbm>> -> memref<100000x64xf32, #tpu.memory_space<hbm>>
    tpu.enqueue_indirect_dma source(%dma_start3A_33 : memref<100000x64xf32, #tpu.memory_space<hbm>>) target(%dma_start3A_27 : memref<128x64xf32, #tpu.memory_space<vmem>>) offsets(%dma_start3A_30 : memref<128xi32, #tpu.memory_space<vmem>>) semaphore(%arg15 : memref<!tpu.dma_semaphore, #tpu.memory_space<semaphore_mem>>)
    %dma_start3A_34 = arith.constant 3 : i32
    %dma_start3A_35 = arith.constant 384 : i32
    %dma_start3A_36 = arith.constant 0 : i32
    %dma_start3A_37 = tpu.memref_slice %arg11[%dma_start3A_35, %dma_start3A_36] : memref<512x64xf32, #tpu.memory_space<vmem>> -> memref<128x64xf32, #tpu.memory_space<vmem>>
    %dma_start3A_38 = arith.constant 0 : i32
    %dma_start3A_39 = tpu.memref_slice %arg7[%dma_start3A_34, %dma_start3A_38] : memref<4x128xi32, #tpu.memory_space<vmem>> -> memref<1x128xi32, #tpu.memory_space<vmem>>
    %dma_start3A_40 = tpu.memref_squeeze %dma_start3A_39 : memref<1x128xi32, #tpu.memory_space<vmem>> -> memref<128xi32, #tpu.memory_space<vmem>>
    %dma_start3A_41 = arith.constant 0 : i32
    %dma_start3A_42 = arith.constant 0 : i32
    %dma_start3A_43 = tpu.memref_slice %arg5[%dma_start3A_41, %dma_start3A_42] : memref<100000x64xf32, #tpu.memory_space<hbm>> -> memref<100000x64xf32, #tpu.memory_space<hbm>>
    tpu.enqueue_indirect_dma source(%dma_start3A_43 : memref<100000x64xf32, #tpu.memory_space<hbm>>) target(%dma_start3A_37 : memref<128x64xf32, #tpu.memory_space<vmem>>) offsets(%dma_start3A_40 : memref<128xi32, #tpu.memory_space<vmem>>) semaphore(%arg15 : memref<!tpu.dma_semaphore, #tpu.memory_space<semaphore_mem>>)
    %mul3A_44 = arith.constant 512 : i32
    %mul3A_45 = arith.muli %add3A, %mul3A_44 : i32
    %dma_start3A_46 = arith.constant 0 : i32
    %dma_start3A_47 = tpu.memref_slice %arg2[%mul3A_45, %dma_start3A_46] : memref<16384x64xf32, #tpu.memory_space<hbm>> -> memref<512x64xf32, #tpu.memory_space<hbm>>
    %dma_start3A_48 = arith.constant 0 : i32
    %dma_start3A_49 = tpu.memref_slice %arg2[%mul3A_45, %dma_start3A_48] : memref<16384x64xf32, #tpu.memory_space<hbm>> -> memref<512x64xf32, #tpu.memory_space<hbm>>
    tpu.enqueue_dma source(%dma_start3A_49 : memref<512x64xf32, #tpu.memory_space<hbm>>) target(%arg12 : memref<512x64xf32, #tpu.memory_space<vmem>>) target_semaphore(%arg16 : memref<!tpu.dma_semaphore, #tpu.memory_space<semaphore_mem>>)
    %broadcast_in_dim3A = arith.constant 1.000000e+00 : f32
    %broadcast_in_dim3A_50 = vector.broadcast %broadcast_in_dim3A : f32 to vector<16xf32>
    %swap3A = arith.constant 0 : index
    %swap3A_51 = tpu.vector_load %arg9[%swap3A] {strides = array<i32>} : memref<128xf32, #tpu.memory_space<vmem>>, vector<16xf32>,
    tpu.vector_store %arg9[%swap3A], %broadcast_in_dim3A_50 {strides = array<i32>} : memref<128xf32, #tpu.memory_space<vmem>>, vector<16xf32>,
    %broadcast_in_dim3A_52 = arith.constant 1.000000e+00 : f32
    %broadcast_in_dim3A_53 = vector.broadcast %broadcast_in_dim3A_52 : f32 to vector<16xf32>
    %swap3A_54 = arith.constant 16 : index
    %swap3A_55 = tpu.vector_load %arg9[%swap3A_54] {strides = array<i32>} : memref<128xf32, #tpu.memory_space<vmem>>, vector<16xf32>,
    tpu.vector_store %arg9[%swap3A_54], %broadcast_in_dim3A_53 {strides = array<i32>} : memref<128xf32, #tpu.memory_space<vmem>>, vector<16xf32>,
    %broadcast_in_dim3A_56 = arith.constant 1.000000e+00 : f32
    %broadcast_in_dim3A_57 = vector.broadcast %broadcast_in_dim3A_56 : f32 to vector<16xf32>
    %swap3A_58 = arith.constant 32 : index
    %swap3A_59 = tpu.vector_load %arg9[%swap3A_58] {strides = array<i32>} : memref<128xf32, #tpu.memory_space<vmem>>, vector<16xf32>,
    tpu.vector_store %arg9[%swap3A_58], %broadcast_in_dim3A_57 {strides = array<i32>} : memref<128xf32, #tpu.memory_space<vmem>>, vector<16xf32>,
    %broadcast_in_dim3A_60 = arith.constant 1.000000e+00 : f32
    %broadcast_in_dim3A_61 = vector.broadcast %broadcast_in_dim3A_60 : f32 to vector<16xf32>
    %swap3A_62 = arith.constant 48 : index
    %swap3A_63 = tpu.vector_load %arg9[%swap3A_62] {strides = array<i32>} : memref<128xf32, #tpu.memory_space<vmem>>, vector<16xf32>,
    tpu.vector_store %arg9[%swap3A_62], %broadcast_in_dim3A_61 {strides = array<i32>} : memref<128xf32, #tpu.memory_space<vmem>>, vector<16xf32>,
    %broadcast_in_dim3A_64 = arith.constant 1.000000e+00 : f32
    %broadcast_in_dim3A_65 = vector.broadcast %broadcast_in_dim3A_64 : f32 to vector<16xf32>
    %swap3A_66 = arith.constant 64 : index
    %swap3A_67 = tpu.vector_load %arg9[%swap3A_66] {strides = array<i32>} : memref<128xf32, #tpu.memory_space<vmem>>, vector<16xf32>,
    tpu.vector_store %arg9[%swap3A_66], %broadcast_in_dim3A_65 {strides = array<i32>} : memref<128xf32, #tpu.memory_space<vmem>>, vector<16xf32>,
    %broadcast_in_dim3A_68 = arith.constant 1.000000e+00 : f32
    %broadcast_in_dim3A_69 = vector.broadcast %broadcast_in_dim3A_68 : f32 to vector<16xf32>
    %swap3A_70 = arith.constant 80 : index
    %swap3A_71 = tpu.vector_load %arg9[%swap3A_70] {strides = array<i32>} : memref<128xf32, #tpu.memory_space<vmem>>, vector<16xf32>,
    tpu.vector_store %arg9[%swap3A_70], %broadcast_in_dim3A_69 {strides = array<i32>} : memref<128xf32, #tpu.memory_space<vmem>>, vector<16xf32>,
    %broadcast_in_dim3A_72 = arith.constant 1.000000e+00 : f32
    %broadcast_in_dim3A_73 = vector.broadcast %broadcast_in_dim3A_72 : f32 to vector<16xf32>
    %swap3A_74 = arith.constant 96 : index
    %swap3A_75 = tpu.vector_load %arg9[%swap3A_74] {strides = array<i32>} : memref<128xf32, #tpu.memory_space<vmem>>, vector<16xf32>,
    tpu.vector_store %arg9[%swap3A_74], %broadcast_in_dim3A_73 {strides = array<i32>} : memref<128xf32, #tpu.memory_space<vmem>>, vector<16xf32>,
    %broadcast_in_dim3A_76 = arith.constant 1.000000e+00 : f32
    %broadcast_in_dim3A_77 = vector.broadcast %broadcast_in_dim3A_76 : f32 to vector<16xf32>
    %swap3A_78 = arith.constant 112 : index
    %swap3A_79 = tpu.vector_load %arg9[%swap3A_78] {strides = array<i32>} : memref<128xf32, #tpu.memory_space<vmem>>, vector<16xf32>,
    tpu.vector_store %arg9[%swap3A_78], %broadcast_in_dim3A_77 {strides = array<i32>} : memref<128xf32, #tpu.memory_space<vmem>>, vector<16xf32>,
    %mul3A_80 = arith.constant 6256 : i32
    %mul3A_81 = arith.muli %arg1, %mul3A_80 : i32
    "tpu.region"() ({
      %run_scoped3A_146 = tpu.sem_alloc : memref<!tpu.dma_semaphore, #tpu.memory_space<semaphore_mem>>
      %dma_start3A_147 = tpu.memref_slice %arg14[%mul3A_81] : memref<100096xf32, #tpu.memory_space<vmem_shared>> -> memref<6256xf32, #tpu.memory_space<vmem_shared>>
      tpu.enqueue_dma source(%arg4 : memref<6256xf32, #tpu.memory_space<hbm>>) target(%dma_start3A_147 : memref<6256xf32, #tpu.memory_space<vmem_shared>>) target_semaphore(%run_scoped3A_146 : memref<!tpu.dma_semaphore, #tpu.memory_space<semaphore_mem>>)
      %dma_wait3A_148 = tpu.memref_slice %arg14[%mul3A_81] : memref<100096xf32, #tpu.memory_space<vmem_shared>> -> memref<6256xf32, #tpu.memory_space<vmem_shared>>
      tpu.wait_dma2 semaphore(%run_scoped3A_146 : memref<!tpu.dma_semaphore, #tpu.memory_space<semaphore_mem>>) src(%arg4 : memref<6256xf32, #tpu.memory_space<hbm>>) dst(%dma_wait3A_148 : memref<6256xf32, #tpu.memory_space<vmem_shared>>)
      tpu.yield
    }) : () -> ()
    %barrier3A = arith.constant 0 : index
    tpu.barrier barrier_id(%barrier3A)
    %run_scoped3A = arith.constant 0 : i32
    "tpu.region"() ({
      %run_scoped3A_146 = tpu.sem_alloc : memref<!tpu.dma_semaphore, #tpu.memory_space<semaphore_mem>>
      %dma_start3A_147 = arith.constant 0 : i32
      %dma_start3A_148 = tpu.memref_slice %arg8[%run_scoped3A, %dma_start3A_147] : memref<8x128xi32, #tpu.memory_space<vmem>> -> memref<1x128xi32, #tpu.memory_space<vmem>>
      %dma_start3A_149 = tpu.memref_squeeze %dma_start3A_148 : memref<1x128xi32, #tpu.memory_space<vmem>> -> memref<128xi32, #tpu.memory_space<vmem>>
      %dma_start3A_150 = arith.constant 0 : i32
      %dma_start3A_151 = tpu.memref_slice %arg14[%dma_start3A_150] : memref<100096xf32, #tpu.memory_space<vmem_shared>> -> memref<100096xf32, #tpu.memory_space<vmem_shared>>
      tpu.enqueue_indirect_dma source(%arg9 : memref<128xf32, #tpu.memory_space<vmem>>) target(%dma_start3A_151 : memref<100096xf32, #tpu.memory_space<vmem_shared>>) offsets(%dma_start3A_149 : memref<128xi32, #tpu.memory_space<vmem>>) semaphore(%run_scoped3A_146 : memref<!tpu.dma_semaphore, #tpu.memory_space<semaphore_mem>>) {add = true}
      %dma_wait3A_152 = arith.constant 0 : i32
      %dma_wait3A_153 = tpu.memref_slice %arg8[%run_scoped3A, %dma_wait3A_152] : memref<8x128xi32, #tpu.memory_space<vmem>> -> memref<1x128xi32, #tpu.memory_space<vmem>>
      %dma_wait3A_154 = tpu.memref_squeeze %dma_wait3A_153 : memref<1x128xi32, #tpu.memory_space<vmem>> -> memref<128xi32, #tpu.memory_space<vmem>>
      %dma_wait3A_155 = arith.constant 0 : i32
      %dma_wait3A_156 = tpu.memref_slice %arg14[%dma_wait3A_155] : memref<100096xf32, #tpu.memory_space<vmem_shared>> -> memref<100096xf32, #tpu.memory_space<vmem_shared>>
      tpu.wait_indirect_dma semaphore(%run_scoped3A_146 : memref<!tpu.dma_semaphore, #tpu.memory_space<semaphore_mem>>) src(%arg9 : memref<128xf32, #tpu.memory_space<vmem>>) dst(%dma_wait3A_156 : memref<100096xf32, #tpu.memory_space<vmem_shared>>)
      tpu.yield
    }) : () -> ()
    %run_scoped3A_82 = arith.constant 1 : i32
    "tpu.region"() ({
      %run_scoped3A_146 = tpu.sem_alloc : memref<!tpu.dma_semaphore, #tpu.memory_space<semaphore_mem>>
      %dma_start3A_147 = arith.constant 0 : i32
      %dma_start3A_148 = tpu.memref_slice %arg8[%run_scoped3A_82, %dma_start3A_147] : memref<8x128xi32, #tpu.memory_space<vmem>> -> memref<1x128xi32, #tpu.memory_space<vmem>>
      %dma_start3A_149 = tpu.memref_squeeze %dma_start3A_148 : memref<1x128xi32, #tpu.memory_space<vmem>> -> memref<128xi32, #tpu.memory_space<vmem>>
      %dma_start3A_150 = arith.constant 0 : i32
      %dma_start3A_151 = tpu.memref_slice %arg14[%dma_start3A_150] : memref<100096xf32, #tpu.memory_space<vmem_shared>> -> memref<100096xf32, #tpu.memory_space<vmem_shared>>
      tpu.enqueue_indirect_dma source(%arg9 : memref<128xf32, #tpu.memory_space<vmem>>) target(%dma_start3A_151 : memref<100096xf32, #tpu.memory_space<vmem_shared>>) offsets(%dma_start3A_149 : memref<128xi32, #tpu.memory_space<vmem>>) semaphore(%run_scoped3A_146 : memref<!tpu.dma_semaphore, #tpu.memory_space<semaphore_mem>>) {add = true}
      %dma_wait3A_152 = arith.constant 0 : i32
      %dma_wait3A_153 = tpu.memref_slice %arg8[%run_scoped3A_82, %dma_wait3A_152] : memref<8x128xi32, #tpu.memory_space<vmem>> -> memref<1x128xi32, #tpu.memory_space<vmem>>
      %dma_wait3A_154 = tpu.memref_squeeze %dma_wait3A_153 : memref<1x128xi32, #tpu.memory_space<vmem>> -> memref<128xi32, #tpu.memory_space<vmem>>
      %dma_wait3A_155 = arith.constant 0 : i32
      %dma_wait3A_156 = tpu.memref_slice %arg14[%dma_wait3A_155] : memref<100096xf32, #tpu.memory_space<vmem_shared>> -> memref<100096xf32, #tpu.memory_space<vmem_shared>>
      tpu.wait_indirect_dma semaphore(%run_scoped3A_146 : memref<!tpu.dma_semaphore, #tpu.memory_space<semaphore_mem>>) src(%arg9 : memref<128xf32, #tpu.memory_space<vmem>>) dst(%dma_wait3A_156 : memref<100096xf32, #tpu.memory_space<vmem_shared>>)
      tpu.yield
    }) : () -> ()
    %run_scoped3A_83 = arith.constant 2 : i32
    "tpu.region"() ({
      %run_scoped3A_146 = tpu.sem_alloc : memref<!tpu.dma_semaphore, #tpu.memory_space<semaphore_mem>>
      %dma_start3A_147 = arith.constant 0 : i32
      %dma_start3A_148 = tpu.memref_slice %arg8[%run_scoped3A_83, %dma_start3A_147] : memref<8x128xi32, #tpu.memory_space<vmem>> -> memref<1x128xi32, #tpu.memory_space<vmem>>
      %dma_start3A_149 = tpu.memref_squeeze %dma_start3A_148 : memref<1x128xi32, #tpu.memory_space<vmem>> -> memref<128xi32, #tpu.memory_space<vmem>>
      %dma_start3A_150 = arith.constant 0 : i32
      %dma_start3A_151 = tpu.memref_slice %arg14[%dma_start3A_150] : memref<100096xf32, #tpu.memory_space<vmem_shared>> -> memref<100096xf32, #tpu.memory_space<vmem_shared>>
      tpu.enqueue_indirect_dma source(%arg9 : memref<128xf32, #tpu.memory_space<vmem>>) target(%dma_start3A_151 : memref<100096xf32, #tpu.memory_space<vmem_shared>>) offsets(%dma_start3A_149 : memref<128xi32, #tpu.memory_space<vmem>>) semaphore(%run_scoped3A_146 : memref<!tpu.dma_semaphore, #tpu.memory_space<semaphore_mem>>) {add = true}
      %dma_wait3A_152 = arith.constant 0 : i32
      %dma_wait3A_153 = tpu.memref_slice %arg8[%run_scoped3A_83, %dma_wait3A_152] : memref<8x128xi32, #tpu.memory_space<vmem>> -> memref<1x128xi32, #tpu.memory_space<vmem>>
      %dma_wait3A_154 = tpu.memref_squeeze %dma_wait3A_153 : memref<1x128xi32, #tpu.memory_space<vmem>> -> memref<128xi32, #tpu.memory_space<vmem>>
      %dma_wait3A_155 = arith.constant 0 : i32
      %dma_wait3A_156 = tpu.memref_slice %arg14[%dma_wait3A_155] : memref<100096xf32, #tpu.memory_space<vmem_shared>> -> memref<100096xf32, #tpu.memory_space<vmem_shared>>
      tpu.wait_indirect_dma semaphore(%run_scoped3A_146 : memref<!tpu.dma_semaphore, #tpu.memory_space<semaphore_mem>>) src(%arg9 : memref<128xf32, #tpu.memory_space<vmem>>) dst(%dma_wait3A_156 : memref<100096xf32, #tpu.memory_space<vmem_shared>>)
      tpu.yield
    }) : () -> ()
    %run_scoped3A_84 = arith.constant 3 : i32
    "tpu.region"() ({
      %run_scoped3A_146 = tpu.sem_alloc : memref<!tpu.dma_semaphore, #tpu.memory_space<semaphore_mem>>
      %dma_start3A_147 = arith.constant 0 : i32
      %dma_start3A_148 = tpu.memref_slice %arg8[%run_scoped3A_84, %dma_start3A_147] : memref<8x128xi32, #tpu.memory_space<vmem>> -> memref<1x128xi32, #tpu.memory_space<vmem>>
      %dma_start3A_149 = tpu.memref_squeeze %dma_start3A_148 : memref<1x128xi32, #tpu.memory_space<vmem>> -> memref<128xi32, #tpu.memory_space<vmem>>
      %dma_start3A_150 = arith.constant 0 : i32
      %dma_start3A_151 = tpu.memref_slice %arg14[%dma_start3A_150] : memref<100096xf32, #tpu.memory_space<vmem_shared>> -> memref<100096xf32, #tpu.memory_space<vmem_shared>>
      tpu.enqueue_indirect_dma source(%arg9 : memref<128xf32, #tpu.memory_space<vmem>>) target(%dma_start3A_151 : memref<100096xf32, #tpu.memory_space<vmem_shared>>) offsets(%dma_start3A_149 : memref<128xi32, #tpu.memory_space<vmem>>) semaphore(%run_scoped3A_146 : memref<!tpu.dma_semaphore, #tpu.memory_space<semaphore_mem>>) {add = true}
      %dma_wait3A_152 = arith.constant 0 : i32
      %dma_wait3A_153 = tpu.memref_slice %arg8[%run_scoped3A_84, %dma_wait3A_152] : memref<8x128xi32, #tpu.memory_space<vmem>> -> memref<1x128xi32, #tpu.memory_space<vmem>>
      %dma_wait3A_154 = tpu.memref_squeeze %dma_wait3A_153 : memref<1x128xi32, #tpu.memory_space<vmem>> -> memref<128xi32, #tpu.memory_space<vmem>>
      %dma_wait3A_155 = arith.constant 0 : i32
      %dma_wait3A_156 = tpu.memref_slice %arg14[%dma_wait3A_155] : memref<100096xf32, #tpu.memory_space<vmem_shared>> -> memref<100096xf32, #tpu.memory_space<vmem_shared>>
      tpu.wait_indirect_dma semaphore(%run_scoped3A_146 : memref<!tpu.dma_semaphore, #tpu.memory_space<semaphore_mem>>) src(%arg9 : memref<128xf32, #tpu.memory_space<vmem>>) dst(%dma_wait3A_156 : memref<100096xf32, #tpu.memory_space<vmem_shared>>)
      tpu.yield
    }) : () -> ()
    %run_scoped3A_85 = arith.constant 4 : i32
    "tpu.region"() ({
      %run_scoped3A_146 = tpu.sem_alloc : memref<!tpu.dma_semaphore, #tpu.memory_space<semaphore_mem>>
      %dma_start3A_147 = arith.constant 0 : i32
      %dma_start3A_148 = tpu.memref_slice %arg8[%run_scoped3A_85, %dma_start3A_147] : memref<8x128xi32, #tpu.memory_space<vmem>> -> memref<1x128xi32, #tpu.memory_space<vmem>>
      %dma_start3A_149 = tpu.memref_squeeze %dma_start3A_148 : memref<1x128xi32, #tpu.memory_space<vmem>> -> memref<128xi32, #tpu.memory_space<vmem>>
      %dma_start3A_150 = arith.constant 0 : i32
      %dma_start3A_151 = tpu.memref_slice %arg14[%dma_start3A_150] : memref<100096xf32, #tpu.memory_space<vmem_shared>> -> memref<100096xf32, #tpu.memory_space<vmem_shared>>
      tpu.enqueue_indirect_dma source(%arg9 : memref<128xf32, #tpu.memory_space<vmem>>) target(%dma_start3A_151 : memref<100096xf32, #tpu.memory_space<vmem_shared>>) offsets(%dma_start3A_149 : memref<128xi32, #tpu.memory_space<vmem>>) semaphore(%run_scoped3A_146 : memref<!tpu.dma_semaphore, #tpu.memory_space<semaphore_mem>>) {add = true}
      %dma_wait3A_152 = arith.constant 0 : i32
      %dma_wait3A_153 = tpu.memref_slice %arg8[%run_scoped3A_85, %dma_wait3A_152] : memref<8x128xi32, #tpu.memory_space<vmem>> -> memref<1x128xi32, #tpu.memory_space<vmem>>
      %dma_wait3A_154 = tpu.memref_squeeze %dma_wait3A_153 : memref<1x128xi32, #tpu.memory_space<vmem>> -> memref<128xi32, #tpu.memory_space<vmem>>
      %dma_wait3A_155 = arith.constant 0 : i32
      %dma_wait3A_156 = tpu.memref_slice %arg14[%dma_wait3A_155] : memref<100096xf32, #tpu.memory_space<vmem_shared>> -> memref<100096xf32, #tpu.memory_space<vmem_shared>>
      tpu.wait_indirect_dma semaphore(%run_scoped3A_146 : memref<!tpu.dma_semaphore, #tpu.memory_space<semaphore_mem>>) src(%arg9 : memref<128xf32, #tpu.memory_space<vmem>>) dst(%dma_wait3A_156 : memref<100096xf32, #tpu.memory_space<vmem_shared>>)
      tpu.yield
    }) : () -> ()
    %run_scoped3A_86 = arith.constant 5 : i32
    "tpu.region"() ({
      %run_scoped3A_146 = tpu.sem_alloc : memref<!tpu.dma_semaphore, #tpu.memory_space<semaphore_mem>>
      %dma_start3A_147 = arith.constant 0 : i32
      %dma_start3A_148 = tpu.memref_slice %arg8[%run_scoped3A_86, %dma_start3A_147] : memref<8x128xi32, #tpu.memory_space<vmem>> -> memref<1x128xi32, #tpu.memory_space<vmem>>
      %dma_start3A_149 = tpu.memref_squeeze %dma_start3A_148 : memref<1x128xi32, #tpu.memory_space<vmem>> -> memref<128xi32, #tpu.memory_space<vmem>>
      %dma_start3A_150 = arith.constant 0 : i32
      %dma_start3A_151 = tpu.memref_slice %arg14[%dma_start3A_150] : memref<100096xf32, #tpu.memory_space<vmem_shared>> -> memref<100096xf32, #tpu.memory_space<vmem_shared>>
      tpu.enqueue_indirect_dma source(%arg9 : memref<128xf32, #tpu.memory_space<vmem>>) target(%dma_start3A_151 : memref<100096xf32, #tpu.memory_space<vmem_shared>>) offsets(%dma_start3A_149 : memref<128xi32, #tpu.memory_space<vmem>>) semaphore(%run_scoped3A_146 : memref<!tpu.dma_semaphore, #tpu.memory_space<semaphore_mem>>) {add = true}
      %dma_wait3A_152 = arith.constant 0 : i32
      %dma_wait3A_153 = tpu.memref_slice %arg8[%run_scoped3A_86, %dma_wait3A_152] : memref<8x128xi32, #tpu.memory_space<vmem>> -> memref<1x128xi32, #tpu.memory_space<vmem>>
      %dma_wait3A_154 = tpu.memref_squeeze %dma_wait3A_153 : memref<1x128xi32, #tpu.memory_space<vmem>> -> memref<128xi32, #tpu.memory_space<vmem>>
      %dma_wait3A_155 = arith.constant 0 : i32
      %dma_wait3A_156 = tpu.memref_slice %arg14[%dma_wait3A_155] : memref<100096xf32, #tpu.memory_space<vmem_shared>> -> memref<100096xf32, #tpu.memory_space<vmem_shared>>
      tpu.wait_indirect_dma semaphore(%run_scoped3A_146 : memref<!tpu.dma_semaphore, #tpu.memory_space<semaphore_mem>>) src(%arg9 : memref<128xf32, #tpu.memory_space<vmem>>) dst(%dma_wait3A_156 : memref<100096xf32, #tpu.memory_space<vmem_shared>>)
      tpu.yield
    }) : () -> ()
    %run_scoped3A_87 = arith.constant 6 : i32
    "tpu.region"() ({
      %run_scoped3A_146 = tpu.sem_alloc : memref<!tpu.dma_semaphore, #tpu.memory_space<semaphore_mem>>
      %dma_start3A_147 = arith.constant 0 : i32
      %dma_start3A_148 = tpu.memref_slice %arg8[%run_scoped3A_87, %dma_start3A_147] : memref<8x128xi32, #tpu.memory_space<vmem>> -> memref<1x128xi32, #tpu.memory_space<vmem>>
      %dma_start3A_149 = tpu.memref_squeeze %dma_start3A_148 : memref<1x128xi32, #tpu.memory_space<vmem>> -> memref<128xi32, #tpu.memory_space<vmem>>
      %dma_start3A_150 = arith.constant 0 : i32
      %dma_start3A_151 = tpu.memref_slice %arg14[%dma_start3A_150] : memref<100096xf32, #tpu.memory_space<vmem_shared>> -> memref<100096xf32, #tpu.memory_space<vmem_shared>>
      tpu.enqueue_indirect_dma source(%arg9 : memref<128xf32, #tpu.memory_space<vmem>>) target(%dma_start3A_151 : memref<100096xf32, #tpu.memory_space<vmem_shared>>) offsets(%dma_start3A_149 : memref<128xi32, #tpu.memory_space<vmem>>) semaphore(%run_scoped3A_146 : memref<!tpu.dma_semaphore, #tpu.memory_space<semaphore_mem>>) {add = true}
      %dma_wait3A_152 = arith.constant 0 : i32
      %dma_wait3A_153 = tpu.memref_slice %arg8[%run_scoped3A_87, %dma_wait3A_152] : memref<8x128xi32, #tpu.memory_space<vmem>> -> memref<1x128xi32, #tpu.memory_space<vmem>>
      %dma_wait3A_154 = tpu.memref_squeeze %dma_wait3A_153 : memref<1x128xi32, #tpu.memory_space<vmem>> -> memref<128xi32, #tpu.memory_space<vmem>>
      %dma_wait3A_155 = arith.constant 0 : i32
      %dma_wait3A_156 = tpu.memref_slice %arg14[%dma_wait3A_155] : memref<100096xf32, #tpu.memory_space<vmem_shared>> -> memref<100096xf32, #tpu.memory_space<vmem_shared>>
      tpu.wait_indirect_dma semaphore(%run_scoped3A_146 : memref<!tpu.dma_semaphore, #tpu.memory_space<semaphore_mem>>) src(%arg9 : memref<128xf32, #tpu.memory_space<vmem>>) dst(%dma_wait3A_156 : memref<100096xf32, #tpu.memory_space<vmem_shared>>)
      tpu.yield
    }) : () -> ()
    %run_scoped3A_88 = arith.constant 7 : i32
    "tpu.region"() ({
      %run_scoped3A_146 = tpu.sem_alloc : memref<!tpu.dma_semaphore, #tpu.memory_space<semaphore_mem>>
      %dma_start3A_147 = arith.constant 0 : i32
      %dma_start3A_148 = tpu.memref_slice %arg8[%run_scoped3A_88, %dma_start3A_147] : memref<8x128xi32, #tpu.memory_space<vmem>> -> memref<1x128xi32, #tpu.memory_space<vmem>>
      %dma_start3A_149 = tpu.memref_squeeze %dma_start3A_148 : memref<1x128xi32, #tpu.memory_space<vmem>> -> memref<128xi32, #tpu.memory_space<vmem>>
      %dma_start3A_150 = arith.constant 0 : i32
      %dma_start3A_151 = tpu.memref_slice %arg14[%dma_start3A_150] : memref<100096xf32, #tpu.memory_space<vmem_shared>> -> memref<100096xf32, #tpu.memory_space<vmem_shared>>
      tpu.enqueue_indirect_dma source(%arg9 : memref<128xf32, #tpu.memory_space<vmem>>) target(%dma_start3A_151 : memref<100096xf32, #tpu.memory_space<vmem_shared>>) offsets(%dma_start3A_149 : memref<128xi32, #tpu.memory_space<vmem>>) semaphore(%run_scoped3A_146 : memref<!tpu.dma_semaphore, #tpu.memory_space<semaphore_mem>>) {add = true}
      %dma_wait3A_152 = arith.constant 0 : i32
      %dma_wait3A_153 = tpu.memref_slice %arg8[%run_scoped3A_88, %dma_wait3A_152] : memref<8x128xi32, #tpu.memory_space<vmem>> -> memref<1x128xi32, #tpu.memory_space<vmem>>
      %dma_wait3A_154 = tpu.memref_squeeze %dma_wait3A_153 : memref<1x128xi32, #tpu.memory_space<vmem>> -> memref<128xi32, #tpu.memory_space<vmem>>
      %dma_wait3A_155 = arith.constant 0 : i32
      %dma_wait3A_156 = tpu.memref_slice %arg14[%dma_wait3A_155] : memref<100096xf32, #tpu.memory_space<vmem_shared>> -> memref<100096xf32, #tpu.memory_space<vmem_shared>>
      tpu.wait_indirect_dma semaphore(%run_scoped3A_146 : memref<!tpu.dma_semaphore, #tpu.memory_space<semaphore_mem>>) src(%arg9 : memref<128xf32, #tpu.memory_space<vmem>>) dst(%dma_wait3A_156 : memref<100096xf32, #tpu.memory_space<vmem_shared>>)
      tpu.yield
    }) : () -> ()
    %barrier3A_89 = arith.constant 0 : index
    tpu.barrier barrier_id(%barrier3A_89)
    %run_scoped3A_90 = arith.constant 0 : i32
    "tpu.region"() ({
      %run_scoped3A_146 = tpu.sem_alloc : memref<!tpu.dma_semaphore, #tpu.memory_space<semaphore_mem>>
      %dma_start3A_147 = arith.constant 0 : i32
      %dma_start3A_148 = tpu.memref_slice %arg10[%dma_start3A_147] : memref<512xf32, #tpu.memory_space<vmem>> -> memref<128xf32, #tpu.memory_space<vmem>>
      %dma_start3A_149 = arith.constant 0 : i32
      %dma_start3A_150 = tpu.memref_slice %arg7[%run_scoped3A_90, %dma_start3A_149] : memref<4x128xi32, #tpu.memory_space<vmem>> -> memref<1x128xi32, #tpu.memory_space<vmem>>
      %dma_start3A_151 = tpu.memref_squeeze %dma_start3A_150 : memref<1x128xi32, #tpu.memory_space<vmem>> -> memref<128xi32, #tpu.memory_space<vmem>>
      %dma_start3A_152 = arith.constant 0 : i32
      %dma_start3A_153 = tpu.memref_slice %arg14[%dma_start3A_152] : memref<100096xf32, #tpu.memory_space<vmem_shared>> -> memref<100096xf32, #tpu.memory_space<vmem_shared>>
      tpu.enqueue_indirect_dma source(%dma_start3A_153 : memref<100096xf32, #tpu.memory_space<vmem_shared>>) target(%dma_start3A_148 : memref<128xf32, #tpu.memory_space<vmem>>) offsets(%dma_start3A_151 : memref<128xi32, #tpu.memory_space<vmem>>) semaphore(%run_scoped3A_146 : memref<!tpu.dma_semaphore, #tpu.memory_space<semaphore_mem>>)
      %dma_wait3A_154 = arith.constant 0 : i32
      %dma_wait3A_155 = tpu.memref_slice %arg10[%dma_wait3A_154] : memref<512xf32, #tpu.memory_space<vmem>> -> memref<128xf32, #tpu.memory_space<vmem>>
      %dma_wait3A_156 = arith.constant 0 : i32
      %dma_wait3A_157 = tpu.memref_slice %arg7[%run_scoped3A_90, %dma_wait3A_156] : memref<4x128xi32, #tpu.memory_space<vmem>> -> memref<1x128xi32, #tpu.memory_space<vmem>>
      %dma_wait3A_158 = tpu.memref_squeeze %dma_wait3A_157 : memref<1x128xi32, #tpu.memory_space<vmem>> -> memref<128xi32, #tpu.memory_space<vmem>>
      %dma_wait3A_159 = arith.constant 0 : i32
      %dma_wait3A_160 = tpu.memref_slice %arg14[%dma_wait3A_159] : memref<100096xf32, #tpu.memory_space<vmem_shared>> -> memref<100096xf32, #tpu.memory_space<vmem_shared>>
      tpu.wait_indirect_dma semaphore(%run_scoped3A_146 : memref<!tpu.dma_semaphore, #tpu.memory_space<semaphore_mem>>) src(%dma_wait3A_160 : memref<100096xf32, #tpu.memory_space<vmem_shared>>) dst(%dma_wait3A_155 : memref<128xf32, #tpu.memory_space<vmem>>)
      tpu.yield
    }) : () -> ()
    %run_scoped3A_91 = arith.constant 1 : i32
    "tpu.region"() ({
      %run_scoped3A_146 = tpu.sem_alloc : memref<!tpu.dma_semaphore, #tpu.memory_space<semaphore_mem>>
      %dma_start3A_147 = arith.constant 128 : i32
      %dma_start3A_148 = tpu.memref_slice %arg10[%dma_start3A_147] : memref<512xf32, #tpu.memory_space<vmem>> -> memref<128xf32, #tpu.memory_space<vmem>>
      %dma_start3A_149 = arith.constant 0 : i32
      %dma_start3A_150 = tpu.memref_slice %arg7[%run_scoped3A_91, %dma_start3A_149] : memref<4x128xi32, #tpu.memory_space<vmem>> -> memref<1x128xi32, #tpu.memory_space<vmem>>
      %dma_start3A_151 = tpu.memref_squeeze %dma_start3A_150 : memref<1x128xi32, #tpu.memory_space<vmem>> -> memref<128xi32, #tpu.memory_space<vmem>>
      %dma_start3A_152 = arith.constant 0 : i32
      %dma_start3A_153 = tpu.memref_slice %arg14[%dma_start3A_152] : memref<100096xf32, #tpu.memory_space<vmem_shared>> -> memref<100096xf32, #tpu.memory_space<vmem_shared>>
      tpu.enqueue_indirect_dma source(%dma_start3A_153 : memref<100096xf32, #tpu.memory_space<vmem_shared>>) target(%dma_start3A_148 : memref<128xf32, #tpu.memory_space<vmem>>) offsets(%dma_start3A_151 : memref<128xi32, #tpu.memory_space<vmem>>) semaphore(%run_scoped3A_146 : memref<!tpu.dma_semaphore, #tpu.memory_space<semaphore_mem>>)
      %dma_wait3A_154 = arith.constant 128 : i32
      %dma_wait3A_155 = tpu.memref_slice %arg10[%dma_wait3A_154] : memref<512xf32, #tpu.memory_space<vmem>> -> memref<128xf32, #tpu.memory_space<vmem>>
      %dma_wait3A_156 = arith.constant 0 : i32
      %dma_wait3A_157 = tpu.memref_slice %arg7[%run_scoped3A_91, %dma_wait3A_156] : memref<4x128xi32, #tpu.memory_space<vmem>> -> memref<1x128xi32, #tpu.memory_space<vmem>>
      %dma_wait3A_158 = tpu.memref_squeeze %dma_wait3A_157 : memref<1x128xi32, #tpu.memory_space<vmem>> -> memref<128xi32, #tpu.memory_space<vmem>>
      %dma_wait3A_159 = arith.constant 0 : i32
      %dma_wait3A_160 = tpu.memref_slice %arg14[%dma_wait3A_159] : memref<100096xf32, #tpu.memory_space<vmem_shared>> -> memref<100096xf32, #tpu.memory_space<vmem_shared>>
      tpu.wait_indirect_dma semaphore(%run_scoped3A_146 : memref<!tpu.dma_semaphore, #tpu.memory_space<semaphore_mem>>) src(%dma_wait3A_160 : memref<100096xf32, #tpu.memory_space<vmem_shared>>) dst(%dma_wait3A_155 : memref<128xf32, #tpu.memory_space<vmem>>)
      tpu.yield
    }) : () -> ()
    %run_scoped3A_92 = arith.constant 2 : i32
    "tpu.region"() ({
      %run_scoped3A_146 = tpu.sem_alloc : memref<!tpu.dma_semaphore, #tpu.memory_space<semaphore_mem>>
      %dma_start3A_147 = arith.constant 256 : i32
      %dma_start3A_148 = tpu.memref_slice %arg10[%dma_start3A_147] : memref<512xf32, #tpu.memory_space<vmem>> -> memref<128xf32, #tpu.memory_space<vmem>>
      %dma_start3A_149 = arith.constant 0 : i32
      %dma_start3A_150 = tpu.memref_slice %arg7[%run_scoped3A_92, %dma_start3A_149] : memref<4x128xi32, #tpu.memory_space<vmem>> -> memref<1x128xi32, #tpu.memory_space<vmem>>
      %dma_start3A_151 = tpu.memref_squeeze %dma_start3A_150 : memref<1x128xi32, #tpu.memory_space<vmem>> -> memref<128xi32, #tpu.memory_space<vmem>>
      %dma_start3A_152 = arith.constant 0 : i32
      %dma_start3A_153 = tpu.memref_slice %arg14[%dma_start3A_152] : memref<100096xf32, #tpu.memory_space<vmem_shared>> -> memref<100096xf32, #tpu.memory_space<vmem_shared>>
      tpu.enqueue_indirect_dma source(%dma_start3A_153 : memref<100096xf32, #tpu.memory_space<vmem_shared>>) target(%dma_start3A_148 : memref<128xf32, #tpu.memory_space<vmem>>) offsets(%dma_start3A_151 : memref<128xi32, #tpu.memory_space<vmem>>) semaphore(%run_scoped3A_146 : memref<!tpu.dma_semaphore, #tpu.memory_space<semaphore_mem>>)
      %dma_wait3A_154 = arith.constant 256 : i32
      %dma_wait3A_155 = tpu.memref_slice %arg10[%dma_wait3A_154] : memref<512xf32, #tpu.memory_space<vmem>> -> memref<128xf32, #tpu.memory_space<vmem>>
      %dma_wait3A_156 = arith.constant 0 : i32
      %dma_wait3A_157 = tpu.memref_slice %arg7[%run_scoped3A_92, %dma_wait3A_156] : memref<4x128xi32, #tpu.memory_space<vmem>> -> memref<1x128xi32, #tpu.memory_space<vmem>>
      %dma_wait3A_158 = tpu.memref_squeeze %dma_wait3A_157 : memref<1x128xi32, #tpu.memory_space<vmem>> -> memref<128xi32, #tpu.memory_space<vmem>>
      %dma_wait3A_159 = arith.constant 0 : i32
      %dma_wait3A_160 = tpu.memref_slice %arg14[%dma_wait3A_159] : memref<100096xf32, #tpu.memory_space<vmem_shared>> -> memref<100096xf32, #tpu.memory_space<vmem_shared>>
      tpu.wait_indirect_dma semaphore(%run_scoped3A_146 : memref<!tpu.dma_semaphore, #tpu.memory_space<semaphore_mem>>) src(%dma_wait3A_160 : memref<100096xf32, #tpu.memory_space<vmem_shared>>) dst(%dma_wait3A_155 : memref<128xf32, #tpu.memory_space<vmem>>)
      tpu.yield
    }) : () -> ()
    %run_scoped3A_93 = arith.constant 3 : i32
    "tpu.region"() ({
      %run_scoped3A_146 = tpu.sem_alloc : memref<!tpu.dma_semaphore, #tpu.memory_space<semaphore_mem>>
      %dma_start3A_147 = arith.constant 384 : i32
      %dma_start3A_148 = tpu.memref_slice %arg10[%dma_start3A_147] : memref<512xf32, #tpu.memory_space<vmem>> -> memref<128xf32, #tpu.memory_space<vmem>>
      %dma_start3A_149 = arith.constant 0 : i32
      %dma_start3A_150 = tpu.memref_slice %arg7[%run_scoped3A_93, %dma_start3A_149] : memref<4x128xi32, #tpu.memory_space<vmem>> -> memref<1x128xi32, #tpu.memory_space<vmem>>
      %dma_start3A_151 = tpu.memref_squeeze %dma_start3A_150 : memref<1x128xi32, #tpu.memory_space<vmem>> -> memref<128xi32, #tpu.memory_space<vmem>>
      %dma_start3A_152 = arith.constant 0 : i32
      %dma_start3A_153 = tpu.memref_slice %arg14[%dma_start3A_152] : memref<100096xf32, #tpu.memory_space<vmem_shared>> -> memref<100096xf32, #tpu.memory_space<vmem_shared>>
      tpu.enqueue_indirect_dma source(%dma_start3A_153 : memref<100096xf32, #tpu.memory_space<vmem_shared>>) target(%dma_start3A_148 : memref<128xf32, #tpu.memory_space<vmem>>) offsets(%dma_start3A_151 : memref<128xi32, #tpu.memory_space<vmem>>) semaphore(%run_scoped3A_146 : memref<!tpu.dma_semaphore, #tpu.memory_space<semaphore_mem>>)
      %dma_wait3A_154 = arith.constant 384 : i32
      %dma_wait3A_155 = tpu.memref_slice %arg10[%dma_wait3A_154] : memref<512xf32, #tpu.memory_space<vmem>> -> memref<128xf32, #tpu.memory_space<vmem>>
      %dma_wait3A_156 = arith.constant 0 : i32
      %dma_wait3A_157 = tpu.memref_slice %arg7[%run_scoped3A_93, %dma_wait3A_156] : memref<4x128xi32, #tpu.memory_space<vmem>> -> memref<1x128xi32, #tpu.memory_space<vmem>>
      %dma_wait3A_158 = tpu.memref_squeeze %dma_wait3A_157 : memref<1x128xi32, #tpu.memory_space<vmem>> -> memref<128xi32, #tpu.memory_space<vmem>>
      %dma_wait3A_159 = arith.constant 0 : i32
      %dma_wait3A_160 = tpu.memref_slice %arg14[%dma_wait3A_159] : memref<100096xf32, #tpu.memory_space<vmem_shared>> -> memref<100096xf32, #tpu.memory_space<vmem_shared>>
      tpu.wait_indirect_dma semaphore(%run_scoped3A_146 : memref<!tpu.dma_semaphore, #tpu.memory_space<semaphore_mem>>) src(%dma_wait3A_160 : memref<100096xf32, #tpu.memory_space<vmem_shared>>) dst(%dma_wait3A_155 : memref<128xf32, #tpu.memory_space<vmem>>)
      tpu.yield
    }) : () -> ()
    %dma_wait3A = arith.constant 0 : i32
    %dma_wait3A_94 = tpu.memref_slice %arg2[%mul3A_45, %dma_wait3A] : memref<16384x64xf32, #tpu.memory_space<hbm>> -> memref<512x64xf32, #tpu.memory_space<hbm>>
    %dma_wait3A_95 = arith.constant 0 : i32
    %dma_wait3A_96 = tpu.memref_slice %arg2[%mul3A_45, %dma_wait3A_95] : memref<16384x64xf32, #tpu.memory_space<hbm>> -> memref<512x64xf32, #tpu.memory_space<hbm>>
    tpu.wait_dma2 semaphore(%arg16 : memref<!tpu.dma_semaphore, #tpu.memory_space<semaphore_mem>>) src(%dma_wait3A_96 : memref<512x64xf32, #tpu.memory_space<hbm>>) dst(%arg12 : memref<512x64xf32, #tpu.memory_space<vmem>>)
    %dma_wait3A_97 = arith.constant 0 : i32
    %dma_wait3A_98 = arith.constant 0 : i32
    %dma_wait3A_99 = arith.constant 0 : i32
    %dma_wait3A_100 = tpu.memref_slice %arg11[%dma_wait3A_98, %dma_wait3A_99] : memref<512x64xf32, #tpu.memory_space<vmem>> -> memref<128x64xf32, #tpu.memory_space<vmem>>
    %dma_wait3A_101 = arith.constant 0 : i32
    %dma_wait3A_102 = tpu.memref_slice %arg7[%dma_wait3A_97, %dma_wait3A_101] : memref<4x128xi32, #tpu.memory_space<vmem>> -> memref<1x128xi32, #tpu.memory_space<vmem>>
    %dma_wait3A_103 = tpu.memref_squeeze %dma_wait3A_102 : memref<1x128xi32, #tpu.memory_space<vmem>> -> memref<128xi32, #tpu.memory_space<vmem>>
    %dma_wait3A_104 = arith.constant 0 : i32
    %dma_wait3A_105 = arith.constant 0 : i32
    %dma_wait3A_106 = tpu.memref_slice %arg5[%dma_wait3A_104, %dma_wait3A_105] : memref<100000x64xf32, #tpu.memory_space<hbm>> -> memref<100000x64xf32, #tpu.memory_space<hbm>>
    tpu.wait_indirect_dma semaphore(%arg15 : memref<!tpu.dma_semaphore, #tpu.memory_space<semaphore_mem>>) src(%dma_wait3A_106 : memref<100000x64xf32, #tpu.memory_space<hbm>>) dst(%dma_wait3A_100 : memref<128x64xf32, #tpu.memory_space<vmem>>)
    %dma_wait3A_107 = arith.constant 1 : i32
    %dma_wait3A_108 = arith.constant 128 : i32
    %dma_wait3A_109 = arith.constant 0 : i32
    %dma_wait3A_110 = tpu.memref_slice %arg11[%dma_wait3A_108, %dma_wait3A_109] : memref<512x64xf32, #tpu.memory_space<vmem>> -> memref<128x64xf32, #tpu.memory_space<vmem>>
    %dma_wait3A_111 = arith.constant 0 : i32
    %dma_wait3A_112 = tpu.memref_slice %arg7[%dma_wait3A_107, %dma_wait3A_111] : memref<4x128xi32, #tpu.memory_space<vmem>> -> memref<1x128xi32, #tpu.memory_space<vmem>>
    %dma_wait3A_113 = tpu.memref_squeeze %dma_wait3A_112 : memref<1x128xi32, #tpu.memory_space<vmem>> -> memref<128xi32, #tpu.memory_space<vmem>>
    %dma_wait3A_114 = arith.constant 0 : i32
    %dma_wait3A_115 = arith.constant 0 : i32
    %dma_wait3A_116 = tpu.memref_slice %arg5[%dma_wait3A_114, %dma_wait3A_115] : memref<100000x64xf32, #tpu.memory_space<hbm>> -> memref<100000x64xf32, #tpu.memory_space<hbm>>
    tpu.wait_indirect_dma semaphore(%arg15 : memref<!tpu.dma_semaphore, #tpu.memory_space<semaphore_mem>>) src(%dma_wait3A_116 : memref<100000x64xf32, #tpu.memory_space<hbm>>) dst(%dma_wait3A_110 : memref<128x64xf32, #tpu.memory_space<vmem>>)
    %dma_wait3A_117 = arith.constant 2 : i32
    %dma_wait3A_118 = arith.constant 256 : i32
    %dma_wait3A_119 = arith.constant 0 : i32
    %dma_wait3A_120 = tpu.memref_slice %arg11[%dma_wait3A_118, %dma_wait3A_119] : memref<512x64xf32, #tpu.memory_space<vmem>> -> memref<128x64xf32, #tpu.memory_space<vmem>>
    %dma_wait3A_121 = arith.constant 0 : i32
    %dma_wait3A_122 = tpu.memref_slice %arg7[%dma_wait3A_117, %dma_wait3A_121] : memref<4x128xi32, #tpu.memory_space<vmem>> -> memref<1x128xi32, #tpu.memory_space<vmem>>
    %dma_wait3A_123 = tpu.memref_squeeze %dma_wait3A_122 : memref<1x128xi32, #tpu.memory_space<vmem>> -> memref<128xi32, #tpu.memory_space<vmem>>
    %dma_wait3A_124 = arith.constant 0 : i32
    %dma_wait3A_125 = arith.constant 0 : i32
    %dma_wait3A_126 = tpu.memref_slice %arg5[%dma_wait3A_124, %dma_wait3A_125] : memref<100000x64xf32, #tpu.memory_space<hbm>> -> memref<100000x64xf32, #tpu.memory_space<hbm>>
    tpu.wait_indirect_dma semaphore(%arg15 : memref<!tpu.dma_semaphore, #tpu.memory_space<semaphore_mem>>) src(%dma_wait3A_126 : memref<100000x64xf32, #tpu.memory_space<hbm>>) dst(%dma_wait3A_120 : memref<128x64xf32, #tpu.memory_space<vmem>>)
    %dma_wait3A_127 = arith.constant 3 : i32
    %dma_wait3A_128 = arith.constant 384 : i32
    %dma_wait3A_129 = arith.constant 0 : i32
    %dma_wait3A_130 = tpu.memref_slice %arg11[%dma_wait3A_128, %dma_wait3A_129] : memref<512x64xf32, #tpu.memory_space<vmem>> -> memref<128x64xf32, #tpu.memory_space<vmem>>
    %dma_wait3A_131 = arith.constant 0 : i32
    %dma_wait3A_132 = tpu.memref_slice %arg7[%dma_wait3A_127, %dma_wait3A_131] : memref<4x128xi32, #tpu.memory_space<vmem>> -> memref<1x128xi32, #tpu.memory_space<vmem>>
    %dma_wait3A_133 = tpu.memref_squeeze %dma_wait3A_132 : memref<1x128xi32, #tpu.memory_space<vmem>> -> memref<128xi32, #tpu.memory_space<vmem>>
    %dma_wait3A_134 = arith.constant 0 : i32
    %dma_wait3A_135 = arith.constant 0 : i32
    %dma_wait3A_136 = tpu.memref_slice %arg5[%dma_wait3A_134, %dma_wait3A_135] : memref<100000x64xf32, #tpu.memory_space<hbm>> -> memref<100000x64xf32, #tpu.memory_space<hbm>>
    tpu.wait_indirect_dma semaphore(%arg15 : memref<!tpu.dma_semaphore, #tpu.memory_space<semaphore_mem>>) src(%dma_wait3A_136 : memref<100000x64xf32, #tpu.memory_space<hbm>>) dst(%dma_wait3A_130 : memref<128x64xf32, #tpu.memory_space<vmem>>)
    %iota3A = tpu.iota {dimensions = array<i32: 0>} : vector<16xi32>
    %broadcast_in_dim3A_137 = arith.constant 0.000000e+00 : f32
    %broadcast_in_dim3A_138 = vector.broadcast %broadcast_in_dim3A_137 : f32 to vector<16xf32>
    %scan3A = arith.constant 0 : i32
    %scan3A_139 = arith.constant 32 : i32
    %scan3A_140 = arith.addi %scan3A, %scan3A_139 : i32
    %scan3A_141 = arith.constant 1 : i32
    %scan3A_142 = scf.for %scan3A_146 = %scan3A to %scan3A_140 step %scan3A_141 iter_args(%scan3A_147 = %broadcast_in_dim3A_138) -> (vector<16xf32>)  : i32 {
      %mul3A_148 = arith.constant 16 : i32
      %mul3A_149 = arith.muli %scan3A_146, %mul3A_148 : i32
      %add3A_150 = vector.broadcast %mul3A_149 : i32 to vector<16xi32>
      %add3A_151 = arith.addi %add3A_150, %iota3A : vector<16xi32>
      %broadcast_in_dim3A_152 = arith.constant 0.000000e+00 : f32
      %broadcast_in_dim3A_153 = vector.broadcast %broadcast_in_dim3A_152 : f32 to vector<16xf32>
      %broadcast_in_dim3A_154 = arith.constant 0.000000e+00 : f32
      %broadcast_in_dim3A_155 = vector.broadcast %broadcast_in_dim3A_154 : f32 to vector<16xf32>
      %broadcast_in_dim3A_156 = arith.constant 0.000000e+00 : f32
      %broadcast_in_dim3A_157 = vector.broadcast %broadcast_in_dim3A_156 : f32 to vector<16xf32>
      %broadcast_in_dim3A_158 = arith.constant 0 : i32
      %broadcast_in_dim3A_159 = vector.broadcast %broadcast_in_dim3A_158 : i32 to vector<16xi32>
      %gather3A = tpu.vector_load_idx %arg12[%add3A_151, %broadcast_in_dim3A_159] : memref<512x64xf32, #tpu.memory_space<vmem>>[vector<16xi32>, vector<16xi32>], vector<16xf32>,
      %gather3A_160 = tpu.vector_load_idx %arg11[%add3A_151, %broadcast_in_dim3A_159] : memref<512x64xf32, #tpu.memory_space<vmem>>[vector<16xi32>, vector<16xi32>], vector<16xf32>,
      %mul3A_161 = arith.mulf %gather3A, %gather3A : vector<16xf32>
      %add3A_162 = arith.addf %broadcast_in_dim3A_153, %mul3A_161 : vector<16xf32>
      %mul3A_163 = arith.mulf %gather3A, %gather3A_160 : vector<16xf32>
      %add3A_164 = arith.addf %broadcast_in_dim3A_155, %mul3A_163 : vector<16xf32>
      %mul3A_165 = arith.mulf %gather3A_160, %gather3A_160 : vector<16xf32>
      %add3A_166 = arith.addf %broadcast_in_dim3A_157, %mul3A_165 : vector<16xf32>
      %broadcast_in_dim3A_167 = arith.constant 1 : i32
      %broadcast_in_dim3A_168 = vector.broadcast %broadcast_in_dim3A_167 : i32 to vector<16xi32>
      %gather3A_169 = tpu.vector_load_idx %arg12[%add3A_151, %broadcast_in_dim3A_168] : memref<512x64xf32, #tpu.memory_space<vmem>>[vector<16xi32>, vector<16xi32>], vector<16xf32>,
      %gather3A_170 = tpu.vector_load_idx %arg11[%add3A_151, %broadcast_in_dim3A_168] : memref<512x64xf32, #tpu.memory_space<vmem>>[vector<16xi32>, vector<16xi32>], vector<16xf32>,
      %mul3A_171 = arith.mulf %gather3A_169, %gather3A_169 : vector<16xf32>
      %add3A_172 = arith.addf %add3A_162, %mul3A_171 : vector<16xf32>
      %mul3A_173 = arith.mulf %gather3A_169, %gather3A_170 : vector<16xf32>
      %add3A_174 = arith.addf %add3A_164, %mul3A_173 : vector<16xf32>
      %mul3A_175 = arith.mulf %gather3A_170, %gather3A_170 : vector<16xf32>
      %add3A_176 = arith.addf %add3A_166, %mul3A_175 : vector<16xf32>
      %broadcast_in_dim3A_177 = arith.constant 2 : i32
      %broadcast_in_dim3A_178 = vector.broadcast %broadcast_in_dim3A_177 : i32 to vector<16xi32>
      %gather3A_179 = tpu.vector_load_idx %arg12[%add3A_151, %broadcast_in_dim3A_178] : memref<512x64xf32, #tpu.memory_space<vmem>>[vector<16xi32>, vector<16xi32>], vector<16xf32>,
      %gather3A_180 = tpu.vector_load_idx %arg11[%add3A_151, %broadcast_in_dim3A_178] : memref<512x64xf32, #tpu.memory_space<vmem>>[vector<16xi32>, vector<16xi32>], vector<16xf32>,
      %mul3A_181 = arith.mulf %gather3A_179, %gather3A_179 : vector<16xf32>
      %add3A_182 = arith.addf %add3A_172, %mul3A_181 : vector<16xf32>
      %mul3A_183 = arith.mulf %gather3A_179, %gather3A_180 : vector<16xf32>
      %add3A_184 = arith.addf %add3A_174, %mul3A_183 : vector<16xf32>
      %mul3A_185 = arith.mulf %gather3A_180, %gather3A_180 : vector<16xf32>
      %add3A_186 = arith.addf %add3A_176, %mul3A_185 : vector<16xf32>
      %broadcast_in_dim3A_187 = arith.constant 3 : i32
      %broadcast_in_dim3A_188 = vector.broadcast %broadcast_in_dim3A_187 : i32 to vector<16xi32>
      %gather3A_189 = tpu.vector_load_idx %arg12[%add3A_151, %broadcast_in_dim3A_188] : memref<512x64xf32, #tpu.memory_space<vmem>>[vector<16xi32>, vector<16xi32>], vector<16xf32>,
      %gather3A_190 = tpu.vector_load_idx %arg11[%add3A_151, %broadcast_in_dim3A_188] : memref<512x64xf32, #tpu.memory_space<vmem>>[vector<16xi32>, vector<16xi32>], vector<16xf32>,
      %mul3A_191 = arith.mulf %gather3A_189, %gather3A_189 : vector<16xf32>
      %add3A_192 = arith.addf %add3A_182, %mul3A_191 : vector<16xf32>
      %mul3A_193 = arith.mulf %gather3A_189, %gather3A_190 : vector<16xf32>
      %add3A_194 = arith.addf %add3A_184, %mul3A_193 : vector<16xf32>
      %mul3A_195 = arith.mulf %gather3A_190, %gather3A_190 : vector<16xf32>
      %add3A_196 = arith.addf %add3A_186, %mul3A_195 : vector<16xf32>
      %broadcast_in_dim3A_197 = arith.constant 4 : i32
      %broadcast_in_dim3A_198 = vector.broadcast %broadcast_in_dim3A_197 : i32 to vector<16xi32>
      %gather3A_199 = tpu.vector_load_idx %arg12[%add3A_151, %broadcast_in_dim3A_198] : memref<512x64xf32, #tpu.memory_space<vmem>>[vector<16xi32>, vector<16xi32>], vector<16xf32>,
      %gather3A_200 = tpu.vector_load_idx %arg11[%add3A_151, %broadcast_in_dim3A_198] : memref<512x64xf32, #tpu.memory_space<vmem>>[vector<16xi32>, vector<16xi32>], vector<16xf32>,
      %mul3A_201 = arith.mulf %gather3A_199, %gather3A_199 : vector<16xf32>
      %add3A_202 = arith.addf %add3A_192, %mul3A_201 : vector<16xf32>
      %mul3A_203 = arith.mulf %gather3A_199, %gather3A_200 : vector<16xf32>
      %add3A_204 = arith.addf %add3A_194, %mul3A_203 : vector<16xf32>
      %mul3A_205 = arith.mulf %gather3A_200, %gather3A_200 : vector<16xf32>
      %add3A_206 = arith.addf %add3A_196, %mul3A_205 : vector<16xf32>
      %broadcast_in_dim3A_207 = arith.constant 5 : i32
      %broadcast_in_dim3A_208 = vector.broadcast %broadcast_in_dim3A_207 : i32 to vector<16xi32>
      %gather3A_209 = tpu.vector_load_idx %arg12[%add3A_151, %broadcast_in_dim3A_208] : memref<512x64xf32, #tpu.memory_space<vmem>>[vector<16xi32>, vector<16xi32>], vector<16xf32>,
      %gather3A_210 = tpu.vector_load_idx %arg11[%add3A_151, %broadcast_in_dim3A_208] : memref<512x64xf32, #tpu.memory_space<vmem>>[vector<16xi32>, vector<16xi32>], vector<16xf32>,
      %mul3A_211 = arith.mulf %gather3A_209, %gather3A_209 : vector<16xf32>
      %add3A_212 = arith.addf %add3A_202, %mul3A_211 : vector<16xf32>
      %mul3A_213 = arith.mulf %gather3A_209, %gather3A_210 : vector<16xf32>
      %add3A_214 = arith.addf %add3A_204, %mul3A_213 : vector<16xf32>
      %mul3A_215 = arith.mulf %gather3A_210, %gather3A_210 : vector<16xf32>
      %add3A_216 = arith.addf %add3A_206, %mul3A_215 : vector<16xf32>
      %broadcast_in_dim3A_217 = arith.constant 6 : i32
      %broadcast_in_dim3A_218 = vector.broadcast %broadcast_in_dim3A_217 : i32 to vector<16xi32>
      %gather3A_219 = tpu.vector_load_idx %arg12[%add3A_151, %broadcast_in_dim3A_218] : memref<512x64xf32, #tpu.memory_space<vmem>>[vector<16xi32>, vector<16xi32>], vector<16xf32>,
      %gather3A_220 = tpu.vector_load_idx %arg11[%add3A_151, %broadcast_in_dim3A_218] : memref<512x64xf32, #tpu.memory_space<vmem>>[vector<16xi32>, vector<16xi32>], vector<16xf32>,
      %mul3A_221 = arith.mulf %gather3A_219, %gather3A_219 : vector<16xf32>
      %add3A_222 = arith.addf %add3A_212, %mul3A_221 : vector<16xf32>
      %mul3A_223 = arith.mulf %gather3A_219, %gather3A_220 : vector<16xf32>
      %add3A_224 = arith.addf %add3A_214, %mul3A_223 : vector<16xf32>
      %mul3A_225 = arith.mulf %gather3A_220, %gather3A_220 : vector<16xf32>
      %add3A_226 = arith.addf %add3A_216, %mul3A_225 : vector<16xf32>
      %broadcast_in_dim3A_227 = arith.constant 7 : i32
      %broadcast_in_dim3A_228 = vector.broadcast %broadcast_in_dim3A_227 : i32 to vector<16xi32>
      %gather3A_229 = tpu.vector_load_idx %arg12[%add3A_151, %broadcast_in_dim3A_228] : memref<512x64xf32, #tpu.memory_space<vmem>>[vector<16xi32>, vector<16xi32>], vector<16xf32>,
      %gather3A_230 = tpu.vector_load_idx %arg11[%add3A_151, %broadcast_in_dim3A_228] : memref<512x64xf32, #tpu.memory_space<vmem>>[vector<16xi32>, vector<16xi32>], vector<16xf32>,
      %mul3A_231 = arith.mulf %gather3A_229, %gather3A_229 : vector<16xf32>
      %add3A_232 = arith.addf %add3A_222, %mul3A_231 : vector<16xf32>
      %mul3A_233 = arith.mulf %gather3A_229, %gather3A_230 : vector<16xf32>
      %add3A_234 = arith.addf %add3A_224, %mul3A_233 : vector<16xf32>
      %mul3A_235 = arith.mulf %gather3A_230, %gather3A_230 : vector<16xf32>
      %add3A_236 = arith.addf %add3A_226, %mul3A_235 : vector<16xf32>
      %broadcast_in_dim3A_237 = arith.constant 8 : i32
      %broadcast_in_dim3A_238 = vector.broadcast %broadcast_in_dim3A_237 : i32 to vector<16xi32>
      %gather3A_239 = tpu.vector_load_idx %arg12[%add3A_151, %broadcast_in_dim3A_238] : memref<512x64xf32, #tpu.memory_space<vmem>>[vector<16xi32>, vector<16xi32>], vector<16xf32>,
      %gather3A_240 = tpu.vector_load_idx %arg11[%add3A_151, %broadcast_in_dim3A_238] : memref<512x64xf32, #tpu.memory_space<vmem>>[vector<16xi32>, vector<16xi32>], vector<16xf32>,
      %mul3A_241 = arith.mulf %gather3A_239, %gather3A_239 : vector<16xf32>
      %add3A_242 = arith.addf %add3A_232, %mul3A_241 : vector<16xf32>
      %mul3A_243 = arith.mulf %gather3A_239, %gather3A_240 : vector<16xf32>
      %add3A_244 = arith.addf %add3A_234, %mul3A_243 : vector<16xf32>
      %mul3A_245 = arith.mulf %gather3A_240, %gather3A_240 : vector<16xf32>
      %add3A_246 = arith.addf %add3A_236, %mul3A_245 : vector<16xf32>
      %broadcast_in_dim3A_247 = arith.constant 9 : i32
      %broadcast_in_dim3A_248 = vector.broadcast %broadcast_in_dim3A_247 : i32 to vector<16xi32>
      %gather3A_249 = tpu.vector_load_idx %arg12[%add3A_151, %broadcast_in_dim3A_248] : memref<512x64xf32, #tpu.memory_space<vmem>>[vector<16xi32>, vector<16xi32>], vector<16xf32>,
      %gather3A_250 = tpu.vector_load_idx %arg11[%add3A_151, %broadcast_in_dim3A_248] : memref<512x64xf32, #tpu.memory_space<vmem>>[vector<16xi32>, vector<16xi32>], vector<16xf32>,
      %mul3A_251 = arith.mulf %gather3A_249, %gather3A_249 : vector<16xf32>
      %add3A_252 = arith.addf %add3A_242, %mul3A_251 : vector<16xf32>
      %mul3A_253 = arith.mulf %gather3A_249, %gather3A_250 : vector<16xf32>
      %add3A_254 = arith.addf %add3A_244, %mul3A_253 : vector<16xf32>
      %mul3A_255 = arith.mulf %gather3A_250, %gather3A_250 : vector<16xf32>
      %add3A_256 = arith.addf %add3A_246, %mul3A_255 : vector<16xf32>
      %broadcast_in_dim3A_257 = arith.constant 10 : i32
      %broadcast_in_dim3A_258 = vector.broadcast %broadcast_in_dim3A_257 : i32 to vector<16xi32>
      %gather3A_259 = tpu.vector_load_idx %arg12[%add3A_151, %broadcast_in_dim3A_258] : memref<512x64xf32, #tpu.memory_space<vmem>>[vector<16xi32>, vector<16xi32>], vector<16xf32>,
      %gather3A_260 = tpu.vector_load_idx %arg11[%add3A_151, %broadcast_in_dim3A_258] : memref<512x64xf32, #tpu.memory_space<vmem>>[vector<16xi32>, vector<16xi32>], vector<16xf32>,
      %mul3A_261 = arith.mulf %gather3A_259, %gather3A_259 : vector<16xf32>
      %add3A_262 = arith.addf %add3A_252, %mul3A_261 : vector<16xf32>
      %mul3A_263 = arith.mulf %gather3A_259, %gather3A_260 : vector<16xf32>
      %add3A_264 = arith.addf %add3A_254, %mul3A_263 : vector<16xf32>
      %mul3A_265 = arith.mulf %gather3A_260, %gather3A_260 : vector<16xf32>
      %add3A_266 = arith.addf %add3A_256, %mul3A_265 : vector<16xf32>
      %broadcast_in_dim3A_267 = arith.constant 11 : i32
      %broadcast_in_dim3A_268 = vector.broadcast %broadcast_in_dim3A_267 : i32 to vector<16xi32>
      %gather3A_269 = tpu.vector_load_idx %arg12[%add3A_151, %broadcast_in_dim3A_268] : memref<512x64xf32, #tpu.memory_space<vmem>>[vector<16xi32>, vector<16xi32>], vector<16xf32>,
      %gather3A_270 = tpu.vector_load_idx %arg11[%add3A_151, %broadcast_in_dim3A_268] : memref<512x64xf32, #tpu.memory_space<vmem>>[vector<16xi32>, vector<16xi32>], vector<16xf32>,
      %mul3A_271 = arith.mulf %gather3A_269, %gather3A_269 : vector<16xf32>
      %add3A_272 = arith.addf %add3A_262, %mul3A_271 : vector<16xf32>
      %mul3A_273 = arith.mulf %gather3A_269, %gather3A_270 : vector<16xf32>
      %add3A_274 = arith.addf %add3A_264, %mul3A_273 : vector<16xf32>
      %mul3A_275 = arith.mulf %gather3A_270, %gather3A_270 : vector<16xf32>
      %add3A_276 = arith.addf %add3A_266, %mul3A_275 : vector<16xf32>
      %broadcast_in_dim3A_277 = arith.constant 12 : i32
      %broadcast_in_dim3A_278 = vector.broadcast %broadcast_in_dim3A_277 : i32 to vector<16xi32>
      %gather3A_279 = tpu.vector_load_idx %arg12[%add3A_151, %broadcast_in_dim3A_278] : memref<512x64xf32, #tpu.memory_space<vmem>>[vector<16xi32>, vector<16xi32>], vector<16xf32>,
      %gather3A_280 = tpu.vector_load_idx %arg11[%add3A_151, %broadcast_in_dim3A_278] : memref<512x64xf32, #tpu.memory_space<vmem>>[vector<16xi32>, vector<16xi32>], vector<16xf32>,
      %mul3A_281 = arith.mulf %gather3A_279, %gather3A_279 : vector<16xf32>
      %add3A_282 = arith.addf %add3A_272, %mul3A_281 : vector<16xf32>
      %mul3A_283 = arith.mulf %gather3A_279, %gather3A_280 : vector<16xf32>
      %add3A_284 = arith.addf %add3A_274, %mul3A_283 : vector<16xf32>
      %mul3A_285 = arith.mulf %gather3A_280, %gather3A_280 : vector<16xf32>
      %add3A_286 = arith.addf %add3A_276, %mul3A_285 : vector<16xf32>
      %broadcast_in_dim3A_287 = arith.constant 13 : i32
      %broadcast_in_dim3A_288 = vector.broadcast %broadcast_in_dim3A_287 : i32 to vector<16xi32>
      %gather3A_289 = tpu.vector_load_idx %arg12[%add3A_151, %broadcast_in_dim3A_288] : memref<512x64xf32, #tpu.memory_space<vmem>>[vector<16xi32>, vector<16xi32>], vector<16xf32>,
      %gather3A_290 = tpu.vector_load_idx %arg11[%add3A_151, %broadcast_in_dim3A_288] : memref<512x64xf32, #tpu.memory_space<vmem>>[vector<16xi32>, vector<16xi32>], vector<16xf32>,
      %mul3A_291 = arith.mulf %gather3A_289, %gather3A_289 : vector<16xf32>
      %add3A_292 = arith.addf %add3A_282, %mul3A_291 : vector<16xf32>
      %mul3A_293 = arith.mulf %gather3A_289, %gather3A_290 : vector<16xf32>
      %add3A_294 = arith.addf %add3A_284, %mul3A_293 : vector<16xf32>
      %mul3A_295 = arith.mulf %gather3A_290, %gather3A_290 : vector<16xf32>
      %add3A_296 = arith.addf %add3A_286, %mul3A_295 : vector<16xf32>
      %broadcast_in_dim3A_297 = arith.constant 14 : i32
      %broadcast_in_dim3A_298 = vector.broadcast %broadcast_in_dim3A_297 : i32 to vector<16xi32>
      %gather3A_299 = tpu.vector_load_idx %arg12[%add3A_151, %broadcast_in_dim3A_298] : memref<512x64xf32, #tpu.memory_space<vmem>>[vector<16xi32>, vector<16xi32>], vector<16xf32>,
      %gather3A_300 = tpu.vector_load_idx %arg11[%add3A_151, %broadcast_in_dim3A_298] : memref<512x64xf32, #tpu.memory_space<vmem>>[vector<16xi32>, vector<16xi32>], vector<16xf32>,
      %mul3A_301 = arith.mulf %gather3A_299, %gather3A_299 : vector<16xf32>
      %add3A_302 = arith.addf %add3A_292, %mul3A_301 : vector<16xf32>
      %mul3A_303 = arith.mulf %gather3A_299, %gather3A_300 : vector<16xf32>
      %add3A_304 = arith.addf %add3A_294, %mul3A_303 : vector<16xf32>
      %mul3A_305 = arith.mulf %gather3A_300, %gather3A_300 : vector<16xf32>
      %add3A_306 = arith.addf %add3A_296, %mul3A_305 : vector<16xf32>
      %broadcast_in_dim3A_307 = arith.constant 15 : i32
      %broadcast_in_dim3A_308 = vector.broadcast %broadcast_in_dim3A_307 : i32 to vector<16xi32>
      %gather3A_309 = tpu.vector_load_idx %arg12[%add3A_151, %broadcast_in_dim3A_308] : memref<512x64xf32, #tpu.memory_space<vmem>>[vector<16xi32>, vector<16xi32>], vector<16xf32>,
      %gather3A_310 = tpu.vector_load_idx %arg11[%add3A_151, %broadcast_in_dim3A_308] : memref<512x64xf32, #tpu.memory_space<vmem>>[vector<16xi32>, vector<16xi32>], vector<16xf32>,
      %mul3A_311 = arith.mulf %gather3A_309, %gather3A_309 : vector<16xf32>
      %add3A_312 = arith.addf %add3A_302, %mul3A_311 : vector<16xf32>
      %mul3A_313 = arith.mulf %gather3A_309, %gather3A_310 : vector<16xf32>
      %add3A_314 = arith.addf %add3A_304, %mul3A_313 : vector<16xf32>
      %mul3A_315 = arith.mulf %gather3A_310, %gather3A_310 : vector<16xf32>
      %add3A_316 = arith.addf %add3A_306, %mul3A_315 : vector<16xf32>
      %broadcast_in_dim3A_317 = arith.constant 16 : i32
      %broadcast_in_dim3A_318 = vector.broadcast %broadcast_in_dim3A_317 : i32 to vector<16xi32>
      %gather3A_319 = tpu.vector_load_idx %arg12[%add3A_151, %broadcast_in_dim3A_318] : memref<512x64xf32, #tpu.memory_space<vmem>>[vector<16xi32>, vector<16xi32>], vector<16xf32>,
      %gather3A_320 = tpu.vector_load_idx %arg11[%add3A_151, %broadcast_in_dim3A_318] : memref<512x64xf32, #tpu.memory_space<vmem>>[vector<16xi32>, vector<16xi32>], vector<16xf32>,
      %mul3A_321 = arith.mulf %gather3A_319, %gather3A_319 : vector<16xf32>
      %add3A_322 = arith.addf %add3A_312, %mul3A_321 : vector<16xf32>
      %mul3A_323 = arith.mulf %gather3A_319, %gather3A_320 : vector<16xf32>
      %add3A_324 = arith.addf %add3A_314, %mul3A_323 : vector<16xf32>
      %mul3A_325 = arith.mulf %gather3A_320, %gather3A_320 : vector<16xf32>
      %add3A_326 = arith.addf %add3A_316, %mul3A_325 : vector<16xf32>
      %broadcast_in_dim3A_327 = arith.constant 17 : i32
      %broadcast_in_dim3A_328 = vector.broadcast %broadcast_in_dim3A_327 : i32 to vector<16xi32>
      %gather3A_329 = tpu.vector_load_idx %arg12[%add3A_151, %broadcast_in_dim3A_328] : memref<512x64xf32, #tpu.memory_space<vmem>>[vector<16xi32>, vector<16xi32>], vector<16xf32>,
      %gather3A_330 = tpu.vector_load_idx %arg11[%add3A_151, %broadcast_in_dim3A_328] : memref<512x64xf32, #tpu.memory_space<vmem>>[vector<16xi32>, vector<16xi32>], vector<16xf32>,
      %mul3A_331 = arith.mulf %gather3A_329, %gather3A_329 : vector<16xf32>
      %add3A_332 = arith.addf %add3A_322, %mul3A_331 : vector<16xf32>
      %mul3A_333 = arith.mulf %gather3A_329, %gather3A_330 : vector<16xf32>
      %add3A_334 = arith.addf %add3A_324, %mul3A_333 : vector<16xf32>
      %mul3A_335 = arith.mulf %gather3A_330, %gather3A_330 : vector<16xf32>
      %add3A_336 = arith.addf %add3A_326, %mul3A_335 : vector<16xf32>
      %broadcast_in_dim3A_337 = arith.constant 18 : i32
      %broadcast_in_dim3A_338 = vector.broadcast %broadcast_in_dim3A_337 : i32 to vector<16xi32>
      %gather3A_339 = tpu.vector_load_idx %arg12[%add3A_151, %broadcast_in_dim3A_338] : memref<512x64xf32, #tpu.memory_space<vmem>>[vector<16xi32>, vector<16xi32>], vector<16xf32>,
      %gather3A_340 = tpu.vector_load_idx %arg11[%add3A_151, %broadcast_in_dim3A_338] : memref<512x64xf32, #tpu.memory_space<vmem>>[vector<16xi32>, vector<16xi32>], vector<16xf32>,
      %mul3A_341 = arith.mulf %gather3A_339, %gather3A_339 : vector<16xf32>
      %add3A_342 = arith.addf %add3A_332, %mul3A_341 : vector<16xf32>
      %mul3A_343 = arith.mulf %gather3A_339, %gather3A_340 : vector<16xf32>
      %add3A_344 = arith.addf %add3A_334, %mul3A_343 : vector<16xf32>
      %mul3A_345 = arith.mulf %gather3A_340, %gather3A_340 : vector<16xf32>
      %add3A_346 = arith.addf %add3A_336, %mul3A_345 : vector<16xf32>
      %broadcast_in_dim3A_347 = arith.constant 19 : i32
      %broadcast_in_dim3A_348 = vector.broadcast %broadcast_in_dim3A_347 : i32 to vector<16xi32>
      %gather3A_349 = tpu.vector_load_idx %arg12[%add3A_151, %broadcast_in_dim3A_348] : memref<512x64xf32, #tpu.memory_space<vmem>>[vector<16xi32>, vector<16xi32>], vector<16xf32>,
      %gather3A_350 = tpu.vector_load_idx %arg11[%add3A_151, %broadcast_in_dim3A_348] : memref<512x64xf32, #tpu.memory_space<vmem>>[vector<16xi32>, vector<16xi32>], vector<16xf32>,
      %mul3A_351 = arith.mulf %gather3A_349, %gather3A_349 : vector<16xf32>
      %add3A_352 = arith.addf %add3A_342, %mul3A_351 : vector<16xf32>
      %mul3A_353 = arith.mulf %gather3A_349, %gather3A_350 : vector<16xf32>
      %add3A_354 = arith.addf %add3A_344, %mul3A_353 : vector<16xf32>
      %mul3A_355 = arith.mulf %gather3A_350, %gather3A_350 : vector<16xf32>
      %add3A_356 = arith.addf %add3A_346, %mul3A_355 : vector<16xf32>
      %broadcast_in_dim3A_357 = arith.constant 20 : i32
      %broadcast_in_dim3A_358 = vector.broadcast %broadcast_in_dim3A_357 : i32 to vector<16xi32>
      %gather3A_359 = tpu.vector_load_idx %arg12[%add3A_151, %broadcast_in_dim3A_358] : memref<512x64xf32, #tpu.memory_space<vmem>>[vector<16xi32>, vector<16xi32>], vector<16xf32>,
      %gather3A_360 = tpu.vector_load_idx %arg11[%add3A_151, %broadcast_in_dim3A_358] : memref<512x64xf32, #tpu.memory_space<vmem>>[vector<16xi32>, vector<16xi32>], vector<16xf32>,
      %mul3A_361 = arith.mulf %gather3A_359, %gather3A_359 : vector<16xf32>
      %add3A_362 = arith.addf %add3A_352, %mul3A_361 : vector<16xf32>
      %mul3A_363 = arith.mulf %gather3A_359, %gather3A_360 : vector<16xf32>
      %add3A_364 = arith.addf %add3A_354, %mul3A_363 : vector<16xf32>
      %mul3A_365 = arith.mulf %gather3A_360, %gather3A_360 : vector<16xf32>
      %add3A_366 = arith.addf %add3A_356, %mul3A_365 : vector<16xf32>
      %broadcast_in_dim3A_367 = arith.constant 21 : i32
      %broadcast_in_dim3A_368 = vector.broadcast %broadcast_in_dim3A_367 : i32 to vector<16xi32>
      %gather3A_369 = tpu.vector_load_idx %arg12[%add3A_151, %broadcast_in_dim3A_368] : memref<512x64xf32, #tpu.memory_space<vmem>>[vector<16xi32>, vector<16xi32>], vector<16xf32>,
      %gather3A_370 = tpu.vector_load_idx %arg11[%add3A_151, %broadcast_in_dim3A_368] : memref<512x64xf32, #tpu.memory_space<vmem>>[vector<16xi32>, vector<16xi32>], vector<16xf32>,
      %mul3A_371 = arith.mulf %gather3A_369, %gather3A_369 : vector<16xf32>
      %add3A_372 = arith.addf %add3A_362, %mul3A_371 : vector<16xf32>
      %mul3A_373 = arith.mulf %gather3A_369, %gather3A_370 : vector<16xf32>
      %add3A_374 = arith.addf %add3A_364, %mul3A_373 : vector<16xf32>
      %mul3A_375 = arith.mulf %gather3A_370, %gather3A_370 : vector<16xf32>
      %add3A_376 = arith.addf %add3A_366, %mul3A_375 : vector<16xf32>
      %broadcast_in_dim3A_377 = arith.constant 22 : i32
      %broadcast_in_dim3A_378 = vector.broadcast %broadcast_in_dim3A_377 : i32 to vector<16xi32>
      %gather3A_379 = tpu.vector_load_idx %arg12[%add3A_151, %broadcast_in_dim3A_378] : memref<512x64xf32, #tpu.memory_space<vmem>>[vector<16xi32>, vector<16xi32>], vector<16xf32>,
      %gather3A_380 = tpu.vector_load_idx %arg11[%add3A_151, %broadcast_in_dim3A_378] : memref<512x64xf32, #tpu.memory_space<vmem>>[vector<16xi32>, vector<16xi32>], vector<16xf32>,
      %mul3A_381 = arith.mulf %gather3A_379, %gather3A_379 : vector<16xf32>
      %add3A_382 = arith.addf %add3A_372, %mul3A_381 : vector<16xf32>
      %mul3A_383 = arith.mulf %gather3A_379, %gather3A_380 : vector<16xf32>
      %add3A_384 = arith.addf %add3A_374, %mul3A_383 : vector<16xf32>
      %mul3A_385 = arith.mulf %gather3A_380, %gather3A_380 : vector<16xf32>
      %add3A_386 = arith.addf %add3A_376, %mul3A_385 : vector<16xf32>
      %broadcast_in_dim3A_387 = arith.constant 23 : i32
      %broadcast_in_dim3A_388 = vector.broadcast %broadcast_in_dim3A_387 : i32 to vector<16xi32>
      %gather3A_389 = tpu.vector_load_idx %arg12[%add3A_151, %broadcast_in_dim3A_388] : memref<512x64xf32, #tpu.memory_space<vmem>>[vector<16xi32>, vector<16xi32>], vector<16xf32>,
      %gather3A_390 = tpu.vector_load_idx %arg11[%add3A_151, %broadcast_in_dim3A_388] : memref<512x64xf32, #tpu.memory_space<vmem>>[vector<16xi32>, vector<16xi32>], vector<16xf32>,
      %mul3A_391 = arith.mulf %gather3A_389, %gather3A_389 : vector<16xf32>
      %add3A_392 = arith.addf %add3A_382, %mul3A_391 : vector<16xf32>
      %mul3A_393 = arith.mulf %gather3A_389, %gather3A_390 : vector<16xf32>
      %add3A_394 = arith.addf %add3A_384, %mul3A_393 : vector<16xf32>
      %mul3A_395 = arith.mulf %gather3A_390, %gather3A_390 : vector<16xf32>
      %add3A_396 = arith.addf %add3A_386, %mul3A_395 : vector<16xf32>
      %broadcast_in_dim3A_397 = arith.constant 24 : i32
      %broadcast_in_dim3A_398 = vector.broadcast %broadcast_in_dim3A_397 : i32 to vector<16xi32>
      %gather3A_399 = tpu.vector_load_idx %arg12[%add3A_151, %broadcast_in_dim3A_398] : memref<512x64xf32, #tpu.memory_space<vmem>>[vector<16xi32>, vector<16xi32>], vector<16xf32>,
      %gather3A_400 = tpu.vector_load_idx %arg11[%add3A_151, %broadcast_in_dim3A_398] : memref<512x64xf32, #tpu.memory_space<vmem>>[vector<16xi32>, vector<16xi32>], vector<16xf32>,
      %mul3A_401 = arith.mulf %gather3A_399, %gather3A_399 : vector<16xf32>
      %add3A_402 = arith.addf %add3A_392, %mul3A_401 : vector<16xf32>
      %mul3A_403 = arith.mulf %gather3A_399, %gather3A_400 : vector<16xf32>
      %add3A_404 = arith.addf %add3A_394, %mul3A_403 : vector<16xf32>
      %mul3A_405 = arith.mulf %gather3A_400, %gather3A_400 : vector<16xf32>
      %add3A_406 = arith.addf %add3A_396, %mul3A_405 : vector<16xf32>
      %broadcast_in_dim3A_407 = arith.constant 25 : i32
      %broadcast_in_dim3A_408 = vector.broadcast %broadcast_in_dim3A_407 : i32 to vector<16xi32>
      %gather3A_409 = tpu.vector_load_idx %arg12[%add3A_151, %broadcast_in_dim3A_408] : memref<512x64xf32, #tpu.memory_space<vmem>>[vector<16xi32>, vector<16xi32>], vector<16xf32>,
      %gather3A_410 = tpu.vector_load_idx %arg11[%add3A_151, %broadcast_in_dim3A_408] : memref<512x64xf32, #tpu.memory_space<vmem>>[vector<16xi32>, vector<16xi32>], vector<16xf32>,
      %mul3A_411 = arith.mulf %gather3A_409, %gather3A_409 : vector<16xf32>
      %add3A_412 = arith.addf %add3A_402, %mul3A_411 : vector<16xf32>
      %mul3A_413 = arith.mulf %gather3A_409, %gather3A_410 : vector<16xf32>
      %add3A_414 = arith.addf %add3A_404, %mul3A_413 : vector<16xf32>
      %mul3A_415 = arith.mulf %gather3A_410, %gather3A_410 : vector<16xf32>
      %add3A_416 = arith.addf %add3A_406, %mul3A_415 : vector<16xf32>
      %broadcast_in_dim3A_417 = arith.constant 26 : i32
      %broadcast_in_dim3A_418 = vector.broadcast %broadcast_in_dim3A_417 : i32 to vector<16xi32>
      %gather3A_419 = tpu.vector_load_idx %arg12[%add3A_151, %broadcast_in_dim3A_418] : memref<512x64xf32, #tpu.memory_space<vmem>>[vector<16xi32>, vector<16xi32>], vector<16xf32>,
      %gather3A_420 = tpu.vector_load_idx %arg11[%add3A_151, %broadcast_in_dim3A_418] : memref<512x64xf32, #tpu.memory_space<vmem>>[vector<16xi32>, vector<16xi32>], vector<16xf32>,
      %mul3A_421 = arith.mulf %gather3A_419, %gather3A_419 : vector<16xf32>
      %add3A_422 = arith.addf %add3A_412, %mul3A_421 : vector<16xf32>
      %mul3A_423 = arith.mulf %gather3A_419, %gather3A_420 : vector<16xf32>
      %add3A_424 = arith.addf %add3A_414, %mul3A_423 : vector<16xf32>
      %mul3A_425 = arith.mulf %gather3A_420, %gather3A_420 : vector<16xf32>
      %add3A_426 = arith.addf %add3A_416, %mul3A_425 : vector<16xf32>
      %broadcast_in_dim3A_427 = arith.constant 27 : i32
      %broadcast_in_dim3A_428 = vector.broadcast %broadcast_in_dim3A_427 : i32 to vector<16xi32>
      %gather3A_429 = tpu.vector_load_idx %arg12[%add3A_151, %broadcast_in_dim3A_428] : memref<512x64xf32, #tpu.memory_space<vmem>>[vector<16xi32>, vector<16xi32>], vector<16xf32>,
      %gather3A_430 = tpu.vector_load_idx %arg11[%add3A_151, %broadcast_in_dim3A_428] : memref<512x64xf32, #tpu.memory_space<vmem>>[vector<16xi32>, vector<16xi32>], vector<16xf32>,
      %mul3A_431 = arith.mulf %gather3A_429, %gather3A_429 : vector<16xf32>
      %add3A_432 = arith.addf %add3A_422, %mul3A_431 : vector<16xf32>
      %mul3A_433 = arith.mulf %gather3A_429, %gather3A_430 : vector<16xf32>
      %add3A_434 = arith.addf %add3A_424, %mul3A_433 : vector<16xf32>
      %mul3A_435 = arith.mulf %gather3A_430, %gather3A_430 : vector<16xf32>
      %add3A_436 = arith.addf %add3A_426, %mul3A_435 : vector<16xf32>
      %broadcast_in_dim3A_437 = arith.constant 28 : i32
      %broadcast_in_dim3A_438 = vector.broadcast %broadcast_in_dim3A_437 : i32 to vector<16xi32>
      %gather3A_439 = tpu.vector_load_idx %arg12[%add3A_151, %broadcast_in_dim3A_438] : memref<512x64xf32, #tpu.memory_space<vmem>>[vector<16xi32>, vector<16xi32>], vector<16xf32>,
      %gather3A_440 = tpu.vector_load_idx %arg11[%add3A_151, %broadcast_in_dim3A_438] : memref<512x64xf32, #tpu.memory_space<vmem>>[vector<16xi32>, vector<16xi32>], vector<16xf32>,
      %mul3A_441 = arith.mulf %gather3A_439, %gather3A_439 : vector<16xf32>
      %add3A_442 = arith.addf %add3A_432, %mul3A_441 : vector<16xf32>
      %mul3A_443 = arith.mulf %gather3A_439, %gather3A_440 : vector<16xf32>
      %add3A_444 = arith.addf %add3A_434, %mul3A_443 : vector<16xf32>
      %mul3A_445 = arith.mulf %gather3A_440, %gather3A_440 : vector<16xf32>
      %add3A_446 = arith.addf %add3A_436, %mul3A_445 : vector<16xf32>
      %broadcast_in_dim3A_447 = arith.constant 29 : i32
      %broadcast_in_dim3A_448 = vector.broadcast %broadcast_in_dim3A_447 : i32 to vector<16xi32>
      %gather3A_449 = tpu.vector_load_idx %arg12[%add3A_151, %broadcast_in_dim3A_448] : memref<512x64xf32, #tpu.memory_space<vmem>>[vector<16xi32>, vector<16xi32>], vector<16xf32>,
      %gather3A_450 = tpu.vector_load_idx %arg11[%add3A_151, %broadcast_in_dim3A_448] : memref<512x64xf32, #tpu.memory_space<vmem>>[vector<16xi32>, vector<16xi32>], vector<16xf32>,
      %mul3A_451 = arith.mulf %gather3A_449, %gather3A_449 : vector<16xf32>
      %add3A_452 = arith.addf %add3A_442, %mul3A_451 : vector<16xf32>
      %mul3A_453 = arith.mulf %gather3A_449, %gather3A_450 : vector<16xf32>
      %add3A_454 = arith.addf %add3A_444, %mul3A_453 : vector<16xf32>
      %mul3A_455 = arith.mulf %gather3A_450, %gather3A_450 : vector<16xf32>
      %add3A_456 = arith.addf %add3A_446, %mul3A_455 : vector<16xf32>
      %broadcast_in_dim3A_457 = arith.constant 30 : i32
      %broadcast_in_dim3A_458 = vector.broadcast %broadcast_in_dim3A_457 : i32 to vector<16xi32>
      %gather3A_459 = tpu.vector_load_idx %arg12[%add3A_151, %broadcast_in_dim3A_458] : memref<512x64xf32, #tpu.memory_space<vmem>>[vector<16xi32>, vector<16xi32>], vector<16xf32>,
      %gather3A_460 = tpu.vector_load_idx %arg11[%add3A_151, %broadcast_in_dim3A_458] : memref<512x64xf32, #tpu.memory_space<vmem>>[vector<16xi32>, vector<16xi32>], vector<16xf32>,
      %mul3A_461 = arith.mulf %gather3A_459, %gather3A_459 : vector<16xf32>
      %add3A_462 = arith.addf %add3A_452, %mul3A_461 : vector<16xf32>
      %mul3A_463 = arith.mulf %gather3A_459, %gather3A_460 : vector<16xf32>
      %add3A_464 = arith.addf %add3A_454, %mul3A_463 : vector<16xf32>
      %mul3A_465 = arith.mulf %gather3A_460, %gather3A_460 : vector<16xf32>
      %add3A_466 = arith.addf %add3A_456, %mul3A_465 : vector<16xf32>
      %broadcast_in_dim3A_467 = arith.constant 31 : i32
      %broadcast_in_dim3A_468 = vector.broadcast %broadcast_in_dim3A_467 : i32 to vector<16xi32>
      %gather3A_469 = tpu.vector_load_idx %arg12[%add3A_151, %broadcast_in_dim3A_468] : memref<512x64xf32, #tpu.memory_space<vmem>>[vector<16xi32>, vector<16xi32>], vector<16xf32>,
      %gather3A_470 = tpu.vector_load_idx %arg11[%add3A_151, %broadcast_in_dim3A_468] : memref<512x64xf32, #tpu.memory_space<vmem>>[vector<16xi32>, vector<16xi32>], vector<16xf32>,
      %mul3A_471 = arith.mulf %gather3A_469, %gather3A_469 : vector<16xf32>
      %add3A_472 = arith.addf %add3A_462, %mul3A_471 : vector<16xf32>
      %mul3A_473 = arith.mulf %gather3A_469, %gather3A_470 : vector<16xf32>
      %add3A_474 = arith.addf %add3A_464, %mul3A_473 : vector<16xf32>
      %mul3A_475 = arith.mulf %gather3A_470, %gather3A_470 : vector<16xf32>
      %add3A_476 = arith.addf %add3A_466, %mul3A_475 : vector<16xf32>
      %broadcast_in_dim3A_477 = arith.constant 32 : i32
      %broadcast_in_dim3A_478 = vector.broadcast %broadcast_in_dim3A_477 : i32 to vector<16xi32>
      %gather3A_479 = tpu.vector_load_idx %arg12[%add3A_151, %broadcast_in_dim3A_478] : memref<512x64xf32, #tpu.memory_space<vmem>>[vector<16xi32>, vector<16xi32>], vector<16xf32>,
      %gather3A_480 = tpu.vector_load_idx %arg11[%add3A_151, %broadcast_in_dim3A_478] : memref<512x64xf32, #tpu.memory_space<vmem>>[vector<16xi32>, vector<16xi32>], vector<16xf32>,
      %mul3A_481 = arith.mulf %gather3A_479, %gather3A_479 : vector<16xf32>
      %add3A_482 = arith.addf %add3A_472, %mul3A_481 : vector<16xf32>
      %mul3A_483 = arith.mulf %gather3A_479, %gather3A_480 : vector<16xf32>
      %add3A_484 = arith.addf %add3A_474, %mul3A_483 : vector<16xf32>
      %mul3A_485 = arith.mulf %gather3A_480, %gather3A_480 : vector<16xf32>
      %add3A_486 = arith.addf %add3A_476, %mul3A_485 : vector<16xf32>
      %broadcast_in_dim3A_487 = arith.constant 33 : i32
      %broadcast_in_dim3A_488 = vector.broadcast %broadcast_in_dim3A_487 : i32 to vector<16xi32>
      %gather3A_489 = tpu.vector_load_idx %arg12[%add3A_151, %broadcast_in_dim3A_488] : memref<512x64xf32, #tpu.memory_space<vmem>>[vector<16xi32>, vector<16xi32>], vector<16xf32>,
      %gather3A_490 = tpu.vector_load_idx %arg11[%add3A_151, %broadcast_in_dim3A_488] : memref<512x64xf32, #tpu.memory_space<vmem>>[vector<16xi32>, vector<16xi32>], vector<16xf32>,
      %mul3A_491 = arith.mulf %gather3A_489, %gather3A_489 : vector<16xf32>
      %add3A_492 = arith.addf %add3A_482, %mul3A_491 : vector<16xf32>
      %mul3A_493 = arith.mulf %gather3A_489, %gather3A_490 : vector<16xf32>
      %add3A_494 = arith.addf %add3A_484, %mul3A_493 : vector<16xf32>
      %mul3A_495 = arith.mulf %gather3A_490, %gather3A_490 : vector<16xf32>
      %add3A_496 = arith.addf %add3A_486, %mul3A_495 : vector<16xf32>
      %broadcast_in_dim3A_497 = arith.constant 34 : i32
      %broadcast_in_dim3A_498 = vector.broadcast %broadcast_in_dim3A_497 : i32 to vector<16xi32>
      %gather3A_499 = tpu.vector_load_idx %arg12[%add3A_151, %broadcast_in_dim3A_498] : memref<512x64xf32, #tpu.memory_space<vmem>>[vector<16xi32>, vector<16xi32>], vector<16xf32>,
      %gather3A_500 = tpu.vector_load_idx %arg11[%add3A_151, %broadcast_in_dim3A_498] : memref<512x64xf32, #tpu.memory_space<vmem>>[vector<16xi32>, vector<16xi32>], vector<16xf32>,
      %mul3A_501 = arith.mulf %gather3A_499, %gather3A_499 : vector<16xf32>
      %add3A_502 = arith.addf %add3A_492, %mul3A_501 : vector<16xf32>
      %mul3A_503 = arith.mulf %gather3A_499, %gather3A_500 : vector<16xf32>
      %add3A_504 = arith.addf %add3A_494, %mul3A_503 : vector<16xf32>
      %mul3A_505 = arith.mulf %gather3A_500, %gather3A_500 : vector<16xf32>
      %add3A_506 = arith.addf %add3A_496, %mul3A_505 : vector<16xf32>
      %broadcast_in_dim3A_507 = arith.constant 35 : i32
      %broadcast_in_dim3A_508 = vector.broadcast %broadcast_in_dim3A_507 : i32 to vector<16xi32>
      %gather3A_509 = tpu.vector_load_idx %arg12[%add3A_151, %broadcast_in_dim3A_508] : memref<512x64xf32, #tpu.memory_space<vmem>>[vector<16xi32>, vector<16xi32>], vector<16xf32>,
      %gather3A_510 = tpu.vector_load_idx %arg11[%add3A_151, %broadcast_in_dim3A_508] : memref<512x64xf32, #tpu.memory_space<vmem>>[vector<16xi32>, vector<16xi32>], vector<16xf32>,
      %mul3A_511 = arith.mulf %gather3A_509, %gather3A_509 : vector<16xf32>
      %add3A_512 = arith.addf %add3A_502, %mul3A_511 : vector<16xf32>
      %mul3A_513 = arith.mulf %gather3A_509, %gather3A_510 : vector<16xf32>
      %add3A_514 = arith.addf %add3A_504, %mul3A_513 : vector<16xf32>
      %mul3A_515 = arith.mulf %gather3A_510, %gather3A_510 : vector<16xf32>
      %add3A_516 = arith.addf %add3A_506, %mul3A_515 : vector<16xf32>
      %broadcast_in_dim3A_517 = arith.constant 36 : i32
      %broadcast_in_dim3A_518 = vector.broadcast %broadcast_in_dim3A_517 : i32 to vector<16xi32>
      %gather3A_519 = tpu.vector_load_idx %arg12[%add3A_151, %broadcast_in_dim3A_518] : memref<512x64xf32, #tpu.memory_space<vmem>>[vector<16xi32>, vector<16xi32>], vector<16xf32>,
      %gather3A_520 = tpu.vector_load_idx %arg11[%add3A_151, %broadcast_in_dim3A_518] : memref<512x64xf32, #tpu.memory_space<vmem>>[vector<16xi32>, vector<16xi32>], vector<16xf32>,
      %mul3A_521 = arith.mulf %gather3A_519, %gather3A_519 : vector<16xf32>
      %add3A_522 = arith.addf %add3A_512, %mul3A_521 : vector<16xf32>
      %mul3A_523 = arith.mulf %gather3A_519, %gather3A_520 : vector<16xf32>
      %add3A_524 = arith.addf %add3A_514, %mul3A_523 : vector<16xf32>
      %mul3A_525 = arith.mulf %gather3A_520, %gather3A_520 : vector<16xf32>
      %add3A_526 = arith.addf %add3A_516, %mul3A_525 : vector<16xf32>
      %broadcast_in_dim3A_527 = arith.constant 37 : i32
      %broadcast_in_dim3A_528 = vector.broadcast %broadcast_in_dim3A_527 : i32 to vector<16xi32>
      %gather3A_529 = tpu.vector_load_idx %arg12[%add3A_151, %broadcast_in_dim3A_528] : memref<512x64xf32, #tpu.memory_space<vmem>>[vector<16xi32>, vector<16xi32>], vector<16xf32>,
      %gather3A_530 = tpu.vector_load_idx %arg11[%add3A_151, %broadcast_in_dim3A_528] : memref<512x64xf32, #tpu.memory_space<vmem>>[vector<16xi32>, vector<16xi32>], vector<16xf32>,
      %mul3A_531 = arith.mulf %gather3A_529, %gather3A_529 : vector<16xf32>
      %add3A_532 = arith.addf %add3A_522, %mul3A_531 : vector<16xf32>
      %mul3A_533 = arith.mulf %gather3A_529, %gather3A_530 : vector<16xf32>
      %add3A_534 = arith.addf %add3A_524, %mul3A_533 : vector<16xf32>
      %mul3A_535 = arith.mulf %gather3A_530, %gather3A_530 : vector<16xf32>
      %add3A_536 = arith.addf %add3A_526, %mul3A_535 : vector<16xf32>
      %broadcast_in_dim3A_537 = arith.constant 38 : i32
      %broadcast_in_dim3A_538 = vector.broadcast %broadcast_in_dim3A_537 : i32 to vector<16xi32>
      %gather3A_539 = tpu.vector_load_idx %arg12[%add3A_151, %broadcast_in_dim3A_538] : memref<512x64xf32, #tpu.memory_space<vmem>>[vector<16xi32>, vector<16xi32>], vector<16xf32>,
      %gather3A_540 = tpu.vector_load_idx %arg11[%add3A_151, %broadcast_in_dim3A_538] : memref<512x64xf32, #tpu.memory_space<vmem>>[vector<16xi32>, vector<16xi32>], vector<16xf32>,
      %mul3A_541 = arith.mulf %gather3A_539, %gather3A_539 : vector<16xf32>
      %add3A_542 = arith.addf %add3A_532, %mul3A_541 : vector<16xf32>
      %mul3A_543 = arith.mulf %gather3A_539, %gather3A_540 : vector<16xf32>
      %add3A_544 = arith.addf %add3A_534, %mul3A_543 : vector<16xf32>
      %mul3A_545 = arith.mulf %gather3A_540, %gather3A_540 : vector<16xf32>
      %add3A_546 = arith.addf %add3A_536, %mul3A_545 : vector<16xf32>
      %broadcast_in_dim3A_547 = arith.constant 39 : i32
      %broadcast_in_dim3A_548 = vector.broadcast %broadcast_in_dim3A_547 : i32 to vector<16xi32>
      %gather3A_549 = tpu.vector_load_idx %arg12[%add3A_151, %broadcast_in_dim3A_548] : memref<512x64xf32, #tpu.memory_space<vmem>>[vector<16xi32>, vector<16xi32>], vector<16xf32>,
      %gather3A_550 = tpu.vector_load_idx %arg11[%add3A_151, %broadcast_in_dim3A_548] : memref<512x64xf32, #tpu.memory_space<vmem>>[vector<16xi32>, vector<16xi32>], vector<16xf32>,
      %mul3A_551 = arith.mulf %gather3A_549, %gather3A_549 : vector<16xf32>
      %add3A_552 = arith.addf %add3A_542, %mul3A_551 : vector<16xf32>
      %mul3A_553 = arith.mulf %gather3A_549, %gather3A_550 : vector<16xf32>
      %add3A_554 = arith.addf %add3A_544, %mul3A_553 : vector<16xf32>
      %mul3A_555 = arith.mulf %gather3A_550, %gather3A_550 : vector<16xf32>
      %add3A_556 = arith.addf %add3A_546, %mul3A_555 : vector<16xf32>
      %broadcast_in_dim3A_557 = arith.constant 40 : i32
      %broadcast_in_dim3A_558 = vector.broadcast %broadcast_in_dim3A_557 : i32 to vector<16xi32>
      %gather3A_559 = tpu.vector_load_idx %arg12[%add3A_151, %broadcast_in_dim3A_558] : memref<512x64xf32, #tpu.memory_space<vmem>>[vector<16xi32>, vector<16xi32>], vector<16xf32>,
      %gather3A_560 = tpu.vector_load_idx %arg11[%add3A_151, %broadcast_in_dim3A_558] : memref<512x64xf32, #tpu.memory_space<vmem>>[vector<16xi32>, vector<16xi32>], vector<16xf32>,
      %mul3A_561 = arith.mulf %gather3A_559, %gather3A_559 : vector<16xf32>
      %add3A_562 = arith.addf %add3A_552, %mul3A_561 : vector<16xf32>
      %mul3A_563 = arith.mulf %gather3A_559, %gather3A_560 : vector<16xf32>
      %add3A_564 = arith.addf %add3A_554, %mul3A_563 : vector<16xf32>
      %mul3A_565 = arith.mulf %gather3A_560, %gather3A_560 : vector<16xf32>
      %add3A_566 = arith.addf %add3A_556, %mul3A_565 : vector<16xf32>
      %broadcast_in_dim3A_567 = arith.constant 41 : i32
      %broadcast_in_dim3A_568 = vector.broadcast %broadcast_in_dim3A_567 : i32 to vector<16xi32>
      %gather3A_569 = tpu.vector_load_idx %arg12[%add3A_151, %broadcast_in_dim3A_568] : memref<512x64xf32, #tpu.memory_space<vmem>>[vector<16xi32>, vector<16xi32>], vector<16xf32>,
      %gather3A_570 = tpu.vector_load_idx %arg11[%add3A_151, %broadcast_in_dim3A_568] : memref<512x64xf32, #tpu.memory_space<vmem>>[vector<16xi32>, vector<16xi32>], vector<16xf32>,
      %mul3A_571 = arith.mulf %gather3A_569, %gather3A_569 : vector<16xf32>
      %add3A_572 = arith.addf %add3A_562, %mul3A_571 : vector<16xf32>
      %mul3A_573 = arith.mulf %gather3A_569, %gather3A_570 : vector<16xf32>
      %add3A_574 = arith.addf %add3A_564, %mul3A_573 : vector<16xf32>
      %mul3A_575 = arith.mulf %gather3A_570, %gather3A_570 : vector<16xf32>
      %add3A_576 = arith.addf %add3A_566, %mul3A_575 : vector<16xf32>
      %broadcast_in_dim3A_577 = arith.constant 42 : i32
      %broadcast_in_dim3A_578 = vector.broadcast %broadcast_in_dim3A_577 : i32 to vector<16xi32>
      %gather3A_579 = tpu.vector_load_idx %arg12[%add3A_151, %broadcast_in_dim3A_578] : memref<512x64xf32, #tpu.memory_space<vmem>>[vector<16xi32>, vector<16xi32>], vector<16xf32>,
      %gather3A_580 = tpu.vector_load_idx %arg11[%add3A_151, %broadcast_in_dim3A_578] : memref<512x64xf32, #tpu.memory_space<vmem>>[vector<16xi32>, vector<16xi32>], vector<16xf32>,
      %mul3A_581 = arith.mulf %gather3A_579, %gather3A_579 : vector<16xf32>
      %add3A_582 = arith.addf %add3A_572, %mul3A_581 : vector<16xf32>
      %mul3A_583 = arith.mulf %gather3A_579, %gather3A_580 : vector<16xf32>
      %add3A_584 = arith.addf %add3A_574, %mul3A_583 : vector<16xf32>
      %mul3A_585 = arith.mulf %gather3A_580, %gather3A_580 : vector<16xf32>
      %add3A_586 = arith.addf %add3A_576, %mul3A_585 : vector<16xf32>
      %broadcast_in_dim3A_587 = arith.constant 43 : i32
      %broadcast_in_dim3A_588 = vector.broadcast %broadcast_in_dim3A_587 : i32 to vector<16xi32>
      %gather3A_589 = tpu.vector_load_idx %arg12[%add3A_151, %broadcast_in_dim3A_588] : memref<512x64xf32, #tpu.memory_space<vmem>>[vector<16xi32>, vector<16xi32>], vector<16xf32>,
      %gather3A_590 = tpu.vector_load_idx %arg11[%add3A_151, %broadcast_in_dim3A_588] : memref<512x64xf32, #tpu.memory_space<vmem>>[vector<16xi32>, vector<16xi32>], vector<16xf32>,
      %mul3A_591 = arith.mulf %gather3A_589, %gather3A_589 : vector<16xf32>
      %add3A_592 = arith.addf %add3A_582, %mul3A_591 : vector<16xf32>
      %mul3A_593 = arith.mulf %gather3A_589, %gather3A_590 : vector<16xf32>
      %add3A_594 = arith.addf %add3A_584, %mul3A_593 : vector<16xf32>
      %mul3A_595 = arith.mulf %gather3A_590, %gather3A_590 : vector<16xf32>
      %add3A_596 = arith.addf %add3A_586, %mul3A_595 : vector<16xf32>
      %broadcast_in_dim3A_597 = arith.constant 44 : i32
      %broadcast_in_dim3A_598 = vector.broadcast %broadcast_in_dim3A_597 : i32 to vector<16xi32>
      %gather3A_599 = tpu.vector_load_idx %arg12[%add3A_151, %broadcast_in_dim3A_598] : memref<512x64xf32, #tpu.memory_space<vmem>>[vector<16xi32>, vector<16xi32>], vector<16xf32>,
      %gather3A_600 = tpu.vector_load_idx %arg11[%add3A_151, %broadcast_in_dim3A_598] : memref<512x64xf32, #tpu.memory_space<vmem>>[vector<16xi32>, vector<16xi32>], vector<16xf32>,
      %mul3A_601 = arith.mulf %gather3A_599, %gather3A_599 : vector<16xf32>
      %add3A_602 = arith.addf %add3A_592, %mul3A_601 : vector<16xf32>
      %mul3A_603 = arith.mulf %gather3A_599, %gather3A_600 : vector<16xf32>
      %add3A_604 = arith.addf %add3A_594, %mul3A_603 : vector<16xf32>
      %mul3A_605 = arith.mulf %gather3A_600, %gather3A_600 : vector<16xf32>
      %add3A_606 = arith.addf %add3A_596, %mul3A_605 : vector<16xf32>
      %broadcast_in_dim3A_607 = arith.constant 45 : i32
      %broadcast_in_dim3A_608 = vector.broadcast %broadcast_in_dim3A_607 : i32 to vector<16xi32>
      %gather3A_609 = tpu.vector_load_idx %arg12[%add3A_151, %broadcast_in_dim3A_608] : memref<512x64xf32, #tpu.memory_space<vmem>>[vector<16xi32>, vector<16xi32>], vector<16xf32>,
      %gather3A_610 = tpu.vector_load_idx %arg11[%add3A_151, %broadcast_in_dim3A_608] : memref<512x64xf32, #tpu.memory_space<vmem>>[vector<16xi32>, vector<16xi32>], vector<16xf32>,
      %mul3A_611 = arith.mulf %gather3A_609, %gather3A_609 : vector<16xf32>
      %add3A_612 = arith.addf %add3A_602, %mul3A_611 : vector<16xf32>
      %mul3A_613 = arith.mulf %gather3A_609, %gather3A_610 : vector<16xf32>
      %add3A_614 = arith.addf %add3A_604, %mul3A_613 : vector<16xf32>
      %mul3A_615 = arith.mulf %gather3A_610, %gather3A_610 : vector<16xf32>
      %add3A_616 = arith.addf %add3A_606, %mul3A_615 : vector<16xf32>
      %broadcast_in_dim3A_617 = arith.constant 46 : i32
      %broadcast_in_dim3A_618 = vector.broadcast %broadcast_in_dim3A_617 : i32 to vector<16xi32>
      %gather3A_619 = tpu.vector_load_idx %arg12[%add3A_151, %broadcast_in_dim3A_618] : memref<512x64xf32, #tpu.memory_space<vmem>>[vector<16xi32>, vector<16xi32>], vector<16xf32>,
      %gather3A_620 = tpu.vector_load_idx %arg11[%add3A_151, %broadcast_in_dim3A_618] : memref<512x64xf32, #tpu.memory_space<vmem>>[vector<16xi32>, vector<16xi32>], vector<16xf32>,
      %mul3A_621 = arith.mulf %gather3A_619, %gather3A_619 : vector<16xf32>
      %add3A_622 = arith.addf %add3A_612, %mul3A_621 : vector<16xf32>
      %mul3A_623 = arith.mulf %gather3A_619, %gather3A_620 : vector<16xf32>
      %add3A_624 = arith.addf %add3A_614, %mul3A_623 : vector<16xf32>
      %mul3A_625 = arith.mulf %gather3A_620, %gather3A_620 : vector<16xf32>
      %add3A_626 = arith.addf %add3A_616, %mul3A_625 : vector<16xf32>
      %broadcast_in_dim3A_627 = arith.constant 47 : i32
      %broadcast_in_dim3A_628 = vector.broadcast %broadcast_in_dim3A_627 : i32 to vector<16xi32>
      %gather3A_629 = tpu.vector_load_idx %arg12[%add3A_151, %broadcast_in_dim3A_628] : memref<512x64xf32, #tpu.memory_space<vmem>>[vector<16xi32>, vector<16xi32>], vector<16xf32>,
      %gather3A_630 = tpu.vector_load_idx %arg11[%add3A_151, %broadcast_in_dim3A_628] : memref<512x64xf32, #tpu.memory_space<vmem>>[vector<16xi32>, vector<16xi32>], vector<16xf32>,
      %mul3A_631 = arith.mulf %gather3A_629, %gather3A_629 : vector<16xf32>
      %add3A_632 = arith.addf %add3A_622, %mul3A_631 : vector<16xf32>
      %mul3A_633 = arith.mulf %gather3A_629, %gather3A_630 : vector<16xf32>
      %add3A_634 = arith.addf %add3A_624, %mul3A_633 : vector<16xf32>
      %mul3A_635 = arith.mulf %gather3A_630, %gather3A_630 : vector<16xf32>
      %add3A_636 = arith.addf %add3A_626, %mul3A_635 : vector<16xf32>
      %broadcast_in_dim3A_637 = arith.constant 48 : i32
      %broadcast_in_dim3A_638 = vector.broadcast %broadcast_in_dim3A_637 : i32 to vector<16xi32>
      %gather3A_639 = tpu.vector_load_idx %arg12[%add3A_151, %broadcast_in_dim3A_638] : memref<512x64xf32, #tpu.memory_space<vmem>>[vector<16xi32>, vector<16xi32>], vector<16xf32>,
      %gather3A_640 = tpu.vector_load_idx %arg11[%add3A_151, %broadcast_in_dim3A_638] : memref<512x64xf32, #tpu.memory_space<vmem>>[vector<16xi32>, vector<16xi32>], vector<16xf32>,
      %mul3A_641 = arith.mulf %gather3A_639, %gather3A_639 : vector<16xf32>
      %add3A_642 = arith.addf %add3A_632, %mul3A_641 : vector<16xf32>
      %mul3A_643 = arith.mulf %gather3A_639, %gather3A_640 : vector<16xf32>
      %add3A_644 = arith.addf %add3A_634, %mul3A_643 : vector<16xf32>
      %mul3A_645 = arith.mulf %gather3A_640, %gather3A_640 : vector<16xf32>
      %add3A_646 = arith.addf %add3A_636, %mul3A_645 : vector<16xf32>
      %broadcast_in_dim3A_647 = arith.constant 49 : i32
      %broadcast_in_dim3A_648 = vector.broadcast %broadcast_in_dim3A_647 : i32 to vector<16xi32>
      %gather3A_649 = tpu.vector_load_idx %arg12[%add3A_151, %broadcast_in_dim3A_648] : memref<512x64xf32, #tpu.memory_space<vmem>>[vector<16xi32>, vector<16xi32>], vector<16xf32>,
      %gather3A_650 = tpu.vector_load_idx %arg11[%add3A_151, %broadcast_in_dim3A_648] : memref<512x64xf32, #tpu.memory_space<vmem>>[vector<16xi32>, vector<16xi32>], vector<16xf32>,
      %mul3A_651 = arith.mulf %gather3A_649, %gather3A_649 : vector<16xf32>
      %add3A_652 = arith.addf %add3A_642, %mul3A_651 : vector<16xf32>
      %mul3A_653 = arith.mulf %gather3A_649, %gather3A_650 : vector<16xf32>
      %add3A_654 = arith.addf %add3A_644, %mul3A_653 : vector<16xf32>
      %mul3A_655 = arith.mulf %gather3A_650, %gather3A_650 : vector<16xf32>
      %add3A_656 = arith.addf %add3A_646, %mul3A_655 : vector<16xf32>
      %broadcast_in_dim3A_657 = arith.constant 50 : i32
      %broadcast_in_dim3A_658 = vector.broadcast %broadcast_in_dim3A_657 : i32 to vector<16xi32>
      %gather3A_659 = tpu.vector_load_idx %arg12[%add3A_151, %broadcast_in_dim3A_658] : memref<512x64xf32, #tpu.memory_space<vmem>>[vector<16xi32>, vector<16xi32>], vector<16xf32>,
      %gather3A_660 = tpu.vector_load_idx %arg11[%add3A_151, %broadcast_in_dim3A_658] : memref<512x64xf32, #tpu.memory_space<vmem>>[vector<16xi32>, vector<16xi32>], vector<16xf32>,
      %mul3A_661 = arith.mulf %gather3A_659, %gather3A_659 : vector<16xf32>
      %add3A_662 = arith.addf %add3A_652, %mul3A_661 : vector<16xf32>
      %mul3A_663 = arith.mulf %gather3A_659, %gather3A_660 : vector<16xf32>
      %add3A_664 = arith.addf %add3A_654, %mul3A_663 : vector<16xf32>
      %mul3A_665 = arith.mulf %gather3A_660, %gather3A_660 : vector<16xf32>
      %add3A_666 = arith.addf %add3A_656, %mul3A_665 : vector<16xf32>
      %broadcast_in_dim3A_667 = arith.constant 51 : i32
      %broadcast_in_dim3A_668 = vector.broadcast %broadcast_in_dim3A_667 : i32 to vector<16xi32>
      %gather3A_669 = tpu.vector_load_idx %arg12[%add3A_151, %broadcast_in_dim3A_668] : memref<512x64xf32, #tpu.memory_space<vmem>>[vector<16xi32>, vector<16xi32>], vector<16xf32>,
      %gather3A_670 = tpu.vector_load_idx %arg11[%add3A_151, %broadcast_in_dim3A_668] : memref<512x64xf32, #tpu.memory_space<vmem>>[vector<16xi32>, vector<16xi32>], vector<16xf32>,
      %mul3A_671 = arith.mulf %gather3A_669, %gather3A_669 : vector<16xf32>
      %add3A_672 = arith.addf %add3A_662, %mul3A_671 : vector<16xf32>
      %mul3A_673 = arith.mulf %gather3A_669, %gather3A_670 : vector<16xf32>
      %add3A_674 = arith.addf %add3A_664, %mul3A_673 : vector<16xf32>
      %mul3A_675 = arith.mulf %gather3A_670, %gather3A_670 : vector<16xf32>
      %add3A_676 = arith.addf %add3A_666, %mul3A_675 : vector<16xf32>
      %broadcast_in_dim3A_677 = arith.constant 52 : i32
      %broadcast_in_dim3A_678 = vector.broadcast %broadcast_in_dim3A_677 : i32 to vector<16xi32>
      %gather3A_679 = tpu.vector_load_idx %arg12[%add3A_151, %broadcast_in_dim3A_678] : memref<512x64xf32, #tpu.memory_space<vmem>>[vector<16xi32>, vector<16xi32>], vector<16xf32>,
      %gather3A_680 = tpu.vector_load_idx %arg11[%add3A_151, %broadcast_in_dim3A_678] : memref<512x64xf32, #tpu.memory_space<vmem>>[vector<16xi32>, vector<16xi32>], vector<16xf32>,
      %mul3A_681 = arith.mulf %gather3A_679, %gather3A_679 : vector<16xf32>
      %add3A_682 = arith.addf %add3A_672, %mul3A_681 : vector<16xf32>
      %mul3A_683 = arith.mulf %gather3A_679, %gather3A_680 : vector<16xf32>
      %add3A_684 = arith.addf %add3A_674, %mul3A_683 : vector<16xf32>
      %mul3A_685 = arith.mulf %gather3A_680, %gather3A_680 : vector<16xf32>
      %add3A_686 = arith.addf %add3A_676, %mul3A_685 : vector<16xf32>
      %broadcast_in_dim3A_687 = arith.constant 53 : i32
      %broadcast_in_dim3A_688 = vector.broadcast %broadcast_in_dim3A_687 : i32 to vector<16xi32>
      %gather3A_689 = tpu.vector_load_idx %arg12[%add3A_151, %broadcast_in_dim3A_688] : memref<512x64xf32, #tpu.memory_space<vmem>>[vector<16xi32>, vector<16xi32>], vector<16xf32>,
      %gather3A_690 = tpu.vector_load_idx %arg11[%add3A_151, %broadcast_in_dim3A_688] : memref<512x64xf32, #tpu.memory_space<vmem>>[vector<16xi32>, vector<16xi32>], vector<16xf32>,
      %mul3A_691 = arith.mulf %gather3A_689, %gather3A_689 : vector<16xf32>
      %add3A_692 = arith.addf %add3A_682, %mul3A_691 : vector<16xf32>
      %mul3A_693 = arith.mulf %gather3A_689, %gather3A_690 : vector<16xf32>
      %add3A_694 = arith.addf %add3A_684, %mul3A_693 : vector<16xf32>
      %mul3A_695 = arith.mulf %gather3A_690, %gather3A_690 : vector<16xf32>
      %add3A_696 = arith.addf %add3A_686, %mul3A_695 : vector<16xf32>
      %broadcast_in_dim3A_697 = arith.constant 54 : i32
      %broadcast_in_dim3A_698 = vector.broadcast %broadcast_in_dim3A_697 : i32 to vector<16xi32>
      %gather3A_699 = tpu.vector_load_idx %arg12[%add3A_151, %broadcast_in_dim3A_698] : memref<512x64xf32, #tpu.memory_space<vmem>>[vector<16xi32>, vector<16xi32>], vector<16xf32>,
      %gather3A_700 = tpu.vector_load_idx %arg11[%add3A_151, %broadcast_in_dim3A_698] : memref<512x64xf32, #tpu.memory_space<vmem>>[vector<16xi32>, vector<16xi32>], vector<16xf32>,
      %mul3A_701 = arith.mulf %gather3A_699, %gather3A_699 : vector<16xf32>
      %add3A_702 = arith.addf %add3A_692, %mul3A_701 : vector<16xf32>
      %mul3A_703 = arith.mulf %gather3A_699, %gather3A_700 : vector<16xf32>
      %add3A_704 = arith.addf %add3A_694, %mul3A_703 : vector<16xf32>
      %mul3A_705 = arith.mulf %gather3A_700, %gather3A_700 : vector<16xf32>
      %add3A_706 = arith.addf %add3A_696, %mul3A_705 : vector<16xf32>
      %broadcast_in_dim3A_707 = arith.constant 55 : i32
      %broadcast_in_dim3A_708 = vector.broadcast %broadcast_in_dim3A_707 : i32 to vector<16xi32>
      %gather3A_709 = tpu.vector_load_idx %arg12[%add3A_151, %broadcast_in_dim3A_708] : memref<512x64xf32, #tpu.memory_space<vmem>>[vector<16xi32>, vector<16xi32>], vector<16xf32>,
      %gather3A_710 = tpu.vector_load_idx %arg11[%add3A_151, %broadcast_in_dim3A_708] : memref<512x64xf32, #tpu.memory_space<vmem>>[vector<16xi32>, vector<16xi32>], vector<16xf32>,
      %mul3A_711 = arith.mulf %gather3A_709, %gather3A_709 : vector<16xf32>
      %add3A_712 = arith.addf %add3A_702, %mul3A_711 : vector<16xf32>
      %mul3A_713 = arith.mulf %gather3A_709, %gather3A_710 : vector<16xf32>
      %add3A_714 = arith.addf %add3A_704, %mul3A_713 : vector<16xf32>
      %mul3A_715 = arith.mulf %gather3A_710, %gather3A_710 : vector<16xf32>
      %add3A_716 = arith.addf %add3A_706, %mul3A_715 : vector<16xf32>
      %broadcast_in_dim3A_717 = arith.constant 56 : i32
      %broadcast_in_dim3A_718 = vector.broadcast %broadcast_in_dim3A_717 : i32 to vector<16xi32>
      %gather3A_719 = tpu.vector_load_idx %arg12[%add3A_151, %broadcast_in_dim3A_718] : memref<512x64xf32, #tpu.memory_space<vmem>>[vector<16xi32>, vector<16xi32>], vector<16xf32>,
      %gather3A_720 = tpu.vector_load_idx %arg11[%add3A_151, %broadcast_in_dim3A_718] : memref<512x64xf32, #tpu.memory_space<vmem>>[vector<16xi32>, vector<16xi32>], vector<16xf32>,
      %mul3A_721 = arith.mulf %gather3A_719, %gather3A_719 : vector<16xf32>
      %add3A_722 = arith.addf %add3A_712, %mul3A_721 : vector<16xf32>
      %mul3A_723 = arith.mulf %gather3A_719, %gather3A_720 : vector<16xf32>
      %add3A_724 = arith.addf %add3A_714, %mul3A_723 : vector<16xf32>
      %mul3A_725 = arith.mulf %gather3A_720, %gather3A_720 : vector<16xf32>
      %add3A_726 = arith.addf %add3A_716, %mul3A_725 : vector<16xf32>
      %broadcast_in_dim3A_727 = arith.constant 57 : i32
      %broadcast_in_dim3A_728 = vector.broadcast %broadcast_in_dim3A_727 : i32 to vector<16xi32>
      %gather3A_729 = tpu.vector_load_idx %arg12[%add3A_151, %broadcast_in_dim3A_728] : memref<512x64xf32, #tpu.memory_space<vmem>>[vector<16xi32>, vector<16xi32>], vector<16xf32>,
      %gather3A_730 = tpu.vector_load_idx %arg11[%add3A_151, %broadcast_in_dim3A_728] : memref<512x64xf32, #tpu.memory_space<vmem>>[vector<16xi32>, vector<16xi32>], vector<16xf32>,
      %mul3A_731 = arith.mulf %gather3A_729, %gather3A_729 : vector<16xf32>
      %add3A_732 = arith.addf %add3A_722, %mul3A_731 : vector<16xf32>
      %mul3A_733 = arith.mulf %gather3A_729, %gather3A_730 : vector<16xf32>
      %add3A_734 = arith.addf %add3A_724, %mul3A_733 : vector<16xf32>
      %mul3A_735 = arith.mulf %gather3A_730, %gather3A_730 : vector<16xf32>
      %add3A_736 = arith.addf %add3A_726, %mul3A_735 : vector<16xf32>
      %broadcast_in_dim3A_737 = arith.constant 58 : i32
      %broadcast_in_dim3A_738 = vector.broadcast %broadcast_in_dim3A_737 : i32 to vector<16xi32>
      %gather3A_739 = tpu.vector_load_idx %arg12[%add3A_151, %broadcast_in_dim3A_738] : memref<512x64xf32, #tpu.memory_space<vmem>>[vector<16xi32>, vector<16xi32>], vector<16xf32>,
      %gather3A_740 = tpu.vector_load_idx %arg11[%add3A_151, %broadcast_in_dim3A_738] : memref<512x64xf32, #tpu.memory_space<vmem>>[vector<16xi32>, vector<16xi32>], vector<16xf32>,
      %mul3A_741 = arith.mulf %gather3A_739, %gather3A_739 : vector<16xf32>
      %add3A_742 = arith.addf %add3A_732, %mul3A_741 : vector<16xf32>
      %mul3A_743 = arith.mulf %gather3A_739, %gather3A_740 : vector<16xf32>
      %add3A_744 = arith.addf %add3A_734, %mul3A_743 : vector<16xf32>
      %mul3A_745 = arith.mulf %gather3A_740, %gather3A_740 : vector<16xf32>
      %add3A_746 = arith.addf %add3A_736, %mul3A_745 : vector<16xf32>
      %broadcast_in_dim3A_747 = arith.constant 59 : i32
      %broadcast_in_dim3A_748 = vector.broadcast %broadcast_in_dim3A_747 : i32 to vector<16xi32>
      %gather3A_749 = tpu.vector_load_idx %arg12[%add3A_151, %broadcast_in_dim3A_748] : memref<512x64xf32, #tpu.memory_space<vmem>>[vector<16xi32>, vector<16xi32>], vector<16xf32>,
      %gather3A_750 = tpu.vector_load_idx %arg11[%add3A_151, %broadcast_in_dim3A_748] : memref<512x64xf32, #tpu.memory_space<vmem>>[vector<16xi32>, vector<16xi32>], vector<16xf32>,
      %mul3A_751 = arith.mulf %gather3A_749, %gather3A_749 : vector<16xf32>
      %add3A_752 = arith.addf %add3A_742, %mul3A_751 : vector<16xf32>
      %mul3A_753 = arith.mulf %gather3A_749, %gather3A_750 : vector<16xf32>
      %add3A_754 = arith.addf %add3A_744, %mul3A_753 : vector<16xf32>
      %mul3A_755 = arith.mulf %gather3A_750, %gather3A_750 : vector<16xf32>
      %add3A_756 = arith.addf %add3A_746, %mul3A_755 : vector<16xf32>
      %broadcast_in_dim3A_757 = arith.constant 60 : i32
      %broadcast_in_dim3A_758 = vector.broadcast %broadcast_in_dim3A_757 : i32 to vector<16xi32>
      %gather3A_759 = tpu.vector_load_idx %arg12[%add3A_151, %broadcast_in_dim3A_758] : memref<512x64xf32, #tpu.memory_space<vmem>>[vector<16xi32>, vector<16xi32>], vector<16xf32>,
      %gather3A_760 = tpu.vector_load_idx %arg11[%add3A_151, %broadcast_in_dim3A_758] : memref<512x64xf32, #tpu.memory_space<vmem>>[vector<16xi32>, vector<16xi32>], vector<16xf32>,
      %mul3A_761 = arith.mulf %gather3A_759, %gather3A_759 : vector<16xf32>
      %add3A_762 = arith.addf %add3A_752, %mul3A_761 : vector<16xf32>
      %mul3A_763 = arith.mulf %gather3A_759, %gather3A_760 : vector<16xf32>
      %add3A_764 = arith.addf %add3A_754, %mul3A_763 : vector<16xf32>
      %mul3A_765 = arith.mulf %gather3A_760, %gather3A_760 : vector<16xf32>
      %add3A_766 = arith.addf %add3A_756, %mul3A_765 : vector<16xf32>
      %broadcast_in_dim3A_767 = arith.constant 61 : i32
      %broadcast_in_dim3A_768 = vector.broadcast %broadcast_in_dim3A_767 : i32 to vector<16xi32>
      %gather3A_769 = tpu.vector_load_idx %arg12[%add3A_151, %broadcast_in_dim3A_768] : memref<512x64xf32, #tpu.memory_space<vmem>>[vector<16xi32>, vector<16xi32>], vector<16xf32>,
      %gather3A_770 = tpu.vector_load_idx %arg11[%add3A_151, %broadcast_in_dim3A_768] : memref<512x64xf32, #tpu.memory_space<vmem>>[vector<16xi32>, vector<16xi32>], vector<16xf32>,
      %mul3A_771 = arith.mulf %gather3A_769, %gather3A_769 : vector<16xf32>
      %add3A_772 = arith.addf %add3A_762, %mul3A_771 : vector<16xf32>
      %mul3A_773 = arith.mulf %gather3A_769, %gather3A_770 : vector<16xf32>
      %add3A_774 = arith.addf %add3A_764, %mul3A_773 : vector<16xf32>
      %mul3A_775 = arith.mulf %gather3A_770, %gather3A_770 : vector<16xf32>
      %add3A_776 = arith.addf %add3A_766, %mul3A_775 : vector<16xf32>
      %broadcast_in_dim3A_777 = arith.constant 62 : i32
      %broadcast_in_dim3A_778 = vector.broadcast %broadcast_in_dim3A_777 : i32 to vector<16xi32>
      %gather3A_779 = tpu.vector_load_idx %arg12[%add3A_151, %broadcast_in_dim3A_778] : memref<512x64xf32, #tpu.memory_space<vmem>>[vector<16xi32>, vector<16xi32>], vector<16xf32>,
      %gather3A_780 = tpu.vector_load_idx %arg11[%add3A_151, %broadcast_in_dim3A_778] : memref<512x64xf32, #tpu.memory_space<vmem>>[vector<16xi32>, vector<16xi32>], vector<16xf32>,
      %mul3A_781 = arith.mulf %gather3A_779, %gather3A_779 : vector<16xf32>
      %add3A_782 = arith.addf %add3A_772, %mul3A_781 : vector<16xf32>
      %mul3A_783 = arith.mulf %gather3A_779, %gather3A_780 : vector<16xf32>
      %add3A_784 = arith.addf %add3A_774, %mul3A_783 : vector<16xf32>
      %mul3A_785 = arith.mulf %gather3A_780, %gather3A_780 : vector<16xf32>
      %add3A_786 = arith.addf %add3A_776, %mul3A_785 : vector<16xf32>
      %broadcast_in_dim3A_787 = arith.constant 63 : i32
      %broadcast_in_dim3A_788 = vector.broadcast %broadcast_in_dim3A_787 : i32 to vector<16xi32>
      %gather3A_789 = tpu.vector_load_idx %arg12[%add3A_151, %broadcast_in_dim3A_788] : memref<512x64xf32, #tpu.memory_space<vmem>>[vector<16xi32>, vector<16xi32>], vector<16xf32>,
      %gather3A_790 = tpu.vector_load_idx %arg11[%add3A_151, %broadcast_in_dim3A_788] : memref<512x64xf32, #tpu.memory_space<vmem>>[vector<16xi32>, vector<16xi32>], vector<16xf32>,
      %mul3A_791 = arith.mulf %gather3A_789, %gather3A_789 : vector<16xf32>
      %add3A_792 = arith.addf %add3A_782, %mul3A_791 : vector<16xf32>
      %mul3A_793 = arith.mulf %gather3A_789, %gather3A_790 : vector<16xf32>
      %add3A_794 = arith.addf %add3A_784, %mul3A_793 : vector<16xf32>
      %mul3A_795 = arith.mulf %gather3A_790, %gather3A_790 : vector<16xf32>
      %add3A_796 = arith.addf %add3A_786, %mul3A_795 : vector<16xf32>
      %ge3A = arith.constant 1.000000e-24 : f32
      %ge3A_797 = vector.broadcast %ge3A : f32 to vector<16xf32>
      %ge3A_798 = arith.cmpf oge, %add3A_792, %ge3A_797 : vector<16xf32>
      %bitcast_convert_type3A = tpu.bitcast %add3A_792 : vector<16xf32> -> vector<16xi32>
      %shift_right_arithmetic3A = arith.constant 1 : i32
      %shift_right_arithmetic3A_799 = vector.broadcast %shift_right_arithmetic3A : i32 to vector<16xi32>
      %shift_right_arithmetic3A_800 = arith.shrsi %bitcast_convert_type3A, %shift_right_arithmetic3A_799 : vector<16xi32>
      %sub3A = arith.constant 1597463007 : i32
      %sub3A_801 = vector.broadcast %sub3A : i32 to vector<16xi32>
      %sub3A_802 = arith.subi %sub3A_801, %shift_right_arithmetic3A_800 : vector<16xi32>
      %bitcast_convert_type3A_803 = tpu.bitcast %sub3A_802 : vector<16xi32> -> vector<16xf32>
      %mul3A_804 = arith.constant 5.000000e-01 : f32
      %mul3A_805 = vector.broadcast %mul3A_804 : f32 to vector<16xf32>
      %mul3A_806 = arith.mulf %mul3A_805, %add3A_792 : vector<16xf32>
      %mul3A_807 = arith.mulf %mul3A_806, %bitcast_convert_type3A_803 : vector<16xf32>
      %mul3A_808 = arith.mulf %mul3A_807, %bitcast_convert_type3A_803 : vector<16xf32>
      %sub3A_809 = arith.constant 1.500000e+00 : f32
      %sub3A_810 = vector.broadcast %sub3A_809 : f32 to vector<16xf32>
      %sub3A_811 = arith.subf %sub3A_810, %mul3A_808 : vector<16xf32>
      %mul3A_812 = arith.mulf %bitcast_convert_type3A_803, %sub3A_811 : vector<16xf32>
      %mul3A_813 = arith.constant 5.000000e-01 : f32
      %mul3A_814 = vector.broadcast %mul3A_813 : f32 to vector<16xf32>
      %mul3A_815 = arith.mulf %mul3A_814, %add3A_792 : vector<16xf32>
      %mul3A_816 = arith.mulf %mul3A_815, %mul3A_812 : vector<16xf32>
      %mul3A_817 = arith.mulf %mul3A_816, %mul3A_812 : vector<16xf32>
      %sub3A_818 = arith.constant 1.500000e+00 : f32
      %sub3A_819 = vector.broadcast %sub3A_818 : f32 to vector<16xf32>
      %sub3A_820 = arith.subf %sub3A_819, %mul3A_817 : vector<16xf32>
      %mul3A_821 = arith.mulf %mul3A_812, %sub3A_820 : vector<16xf32>
      %mul3A_822 = arith.constant 5.000000e-01 : f32
      %mul3A_823 = vector.broadcast %mul3A_822 : f32 to vector<16xf32>
      %mul3A_824 = arith.mulf %mul3A_823, %add3A_792 : vector<16xf32>
      %mul3A_825 = arith.mulf %mul3A_824, %mul3A_821 : vector<16xf32>
      %mul3A_826 = arith.mulf %mul3A_825, %mul3A_821 : vector<16xf32>
      %sub3A_827 = arith.constant 1.500000e+00 : f32
      %sub3A_828 = vector.broadcast %sub3A_827 : f32 to vector<16xf32>
      %sub3A_829 = arith.subf %sub3A_828, %mul3A_826 : vector<16xf32>
      %mul3A_830 = arith.mulf %mul3A_821, %sub3A_829 : vector<16xf32>
      %mul3A_831 = arith.constant 5.000000e-01 : f32
      %mul3A_832 = vector.broadcast %mul3A_831 : f32 to vector<16xf32>
      %mul3A_833 = arith.mulf %mul3A_832, %add3A_792 : vector<16xf32>
      %mul3A_834 = arith.mulf %mul3A_833, %mul3A_830 : vector<16xf32>
      %mul3A_835 = arith.mulf %mul3A_834, %mul3A_830 : vector<16xf32>
      %sub3A_836 = arith.constant 1.500000e+00 : f32
      %sub3A_837 = vector.broadcast %sub3A_836 : f32 to vector<16xf32>
      %sub3A_838 = arith.subf %sub3A_837, %mul3A_835 : vector<16xf32>
      %mul3A_839 = arith.mulf %mul3A_830, %sub3A_838 : vector<16xf32>
      %jit3A = arith.constant 9.99999995E+11 : f32
      %broadcast_in_dim3A_840 = vector.broadcast %jit3A : f32 to vector<16xf32>
      %select_n3A = arith.select %ge3A_798, %mul3A_839, %broadcast_in_dim3A_840 : vector<16xi1>, vector<16xf32>
      %mul3A_841 = arith.mulf %select_n3A, %add3A_792 : vector<16xf32>
      %mul3A_842 = arith.constant 2.000000e+00 : f32
      %mul3A_843 = vector.broadcast %mul3A_842 : f32 to vector<16xf32>
      %mul3A_844 = arith.mulf %mul3A_843, %add3A_794 : vector<16xf32>
      %sub3A_845 = arith.subf %mul3A_841, %mul3A_844 : vector<16xf32>
      %mul3A_846 = arith.mulf %select_n3A, %sub3A_845 : vector<16xf32>
      %add3A_847 = arith.addf %mul3A_846, %add3A_796 : vector<16xf32>
      %max3A = arith.constant 0.000000e+00 : f32
      %max3A_848 = vector.broadcast %max3A : f32 to vector<16xf32>
      %max3A_849 = arith.maximumf %add3A_847, %max3A_848 : vector<16xf32>
      %ge3A_850 = arith.constant 1.000000e-30 : f32
      %ge3A_851 = vector.broadcast %ge3A_850 : f32 to vector<16xf32>
      %ge3A_852 = arith.cmpf oge, %max3A_849, %ge3A_851 : vector<16xf32>
      %bitcast_convert_type3A_853 = tpu.bitcast %max3A_849 : vector<16xf32> -> vector<16xi32>
      %shift_right_arithmetic3A_854 = arith.constant 1 : i32
      %shift_right_arithmetic3A_855 = vector.broadcast %shift_right_arithmetic3A_854 : i32 to vector<16xi32>
      %shift_right_arithmetic3A_856 = arith.shrsi %bitcast_convert_type3A_853, %shift_right_arithmetic3A_855 : vector<16xi32>
      %sub3A_857 = arith.constant 1597463007 : i32
      %sub3A_858 = vector.broadcast %sub3A_857 : i32 to vector<16xi32>
      %sub3A_859 = arith.subi %sub3A_858, %shift_right_arithmetic3A_856 : vector<16xi32>
      %bitcast_convert_type3A_860 = tpu.bitcast %sub3A_859 : vector<16xi32> -> vector<16xf32>
      %mul3A_861 = arith.constant 5.000000e-01 : f32
      %mul3A_862 = vector.broadcast %mul3A_861 : f32 to vector<16xf32>
      %mul3A_863 = arith.mulf %mul3A_862, %max3A_849 : vector<16xf32>
      %mul3A_864 = arith.mulf %mul3A_863, %bitcast_convert_type3A_860 : vector<16xf32>
      %mul3A_865 = arith.mulf %mul3A_864, %bitcast_convert_type3A_860 : vector<16xf32>
      %sub3A_866 = arith.constant 1.500000e+00 : f32
      %sub3A_867 = vector.broadcast %sub3A_866 : f32 to vector<16xf32>
      %sub3A_868 = arith.subf %sub3A_867, %mul3A_865 : vector<16xf32>
      %mul3A_869 = arith.mulf %bitcast_convert_type3A_860, %sub3A_868 : vector<16xf32>
      %mul3A_870 = arith.constant 5.000000e-01 : f32
      %mul3A_871 = vector.broadcast %mul3A_870 : f32 to vector<16xf32>
      %mul3A_872 = arith.mulf %mul3A_871, %max3A_849 : vector<16xf32>
      %mul3A_873 = arith.mulf %mul3A_872, %mul3A_869 : vector<16xf32>
      %mul3A_874 = arith.mulf %mul3A_873, %mul3A_869 : vector<16xf32>
      %sub3A_875 = arith.constant 1.500000e+00 : f32
      %sub3A_876 = vector.broadcast %sub3A_875 : f32 to vector<16xf32>
      %sub3A_877 = arith.subf %sub3A_876, %mul3A_874 : vector<16xf32>
      %mul3A_878 = arith.mulf %mul3A_869, %sub3A_877 : vector<16xf32>
      %mul3A_879 = arith.constant 5.000000e-01 : f32
      %mul3A_880 = vector.broadcast %mul3A_879 : f32 to vector<16xf32>
      %mul3A_881 = arith.mulf %mul3A_880, %max3A_849 : vector<16xf32>
      %mul3A_882 = arith.mulf %mul3A_881, %mul3A_878 : vector<16xf32>
      %mul3A_883 = arith.mulf %mul3A_882, %mul3A_878 : vector<16xf32>
      %sub3A_884 = arith.constant 1.500000e+00 : f32
      %sub3A_885 = vector.broadcast %sub3A_884 : f32 to vector<16xf32>
      %sub3A_886 = arith.subf %sub3A_885, %mul3A_883 : vector<16xf32>
      %mul3A_887 = arith.mulf %mul3A_878, %sub3A_886 : vector<16xf32>
      %mul3A_888 = arith.constant 5.000000e-01 : f32
      %mul3A_889 = vector.broadcast %mul3A_888 : f32 to vector<16xf32>
      %mul3A_890 = arith.mulf %mul3A_889, %max3A_849 : vector<16xf32>
      %mul3A_891 = arith.mulf %mul3A_890, %mul3A_887 : vector<16xf32>
      %mul3A_892 = arith.mulf %mul3A_891, %mul3A_887 : vector<16xf32>
      %sub3A_893 = arith.constant 1.500000e+00 : f32
      %sub3A_894 = vector.broadcast %sub3A_893 : f32 to vector<16xf32>
      %sub3A_895 = arith.subf %sub3A_894, %mul3A_892 : vector<16xf32>
      %mul3A_896 = arith.mulf %mul3A_887, %sub3A_895 : vector<16xf32>
      %mul3A_897 = arith.mulf %max3A_849, %mul3A_896 : vector<16xf32>
      %jit3A_898 = arith.constant 0.000000e+00 : f32
      %broadcast_in_dim3A_899 = vector.broadcast %jit3A_898 : f32 to vector<16xf32>
      %select_n3A_900 = arith.select %ge3A_852, %mul3A_897, %broadcast_in_dim3A_899 : vector<16xi1>, vector<16xf32>
      %mul3A_901 = arith.constant 16 : i32
      %mul3A_902 = arith.muli %scan3A_146, %mul3A_901 : i32
      %get3A = arith.index_cast %mul3A_902 : i32 to index
      %get3A_903 = tpu.vector_load %arg10[%get3A] {strides = array<i32>} : memref<512xf32, #tpu.memory_space<vmem>>, vector<16xf32>,
      %div3A = arith.divf %select_n3A_900, %get3A_903 : vector<16xf32>
      %add3A_904 = arith.addf %scan3A_147, %div3A : vector<16xf32>
      scf.yield %add3A_904 : vector<16xf32>
    }
    %scan3A_143 = arith.constant 32 : i32
    %swap3A_144 = arith.constant 0 : index
    %swap3A_145 = tpu.vector_load %arg13[%swap3A_144] {strides = array<i32>} : memref<16xf32, #tpu.memory_space<vmem>>, vector<16xf32>,
    tpu.vector_store %arg13[%swap3A_144], %scan3A_142 {strides = array<i32>} : memref<16xf32, #tpu.memory_space<vmem>>, vector<16xf32>,
    "tpu.region"() ({
      %run_scoped3A_146 = tpu.sem_alloc : memref<!tpu.dma_semaphore, #tpu.memory_space<semaphore_mem>>
      %dma_start3A_147 = arith.constant 0 : i32
      %dma_start3A_148 = tpu.memref_slice %arg6[%add3A, %dma_start3A_147] : memref<32x16xf32, #tpu.memory_space<hbm>> -> memref<1x16xf32, #tpu.memory_space<hbm>>
      %dma_start3A_149 = tpu.memref_squeeze %dma_start3A_148 : memref<1x16xf32, #tpu.memory_space<hbm>> -> memref<16xf32, #tpu.memory_space<hbm>>
      %dma_start3A_150 = arith.constant 0 : i32
      %dma_start3A_151 = tpu.memref_slice %arg6[%add3A, %dma_start3A_150] : memref<32x16xf32, #tpu.memory_space<hbm>> -> memref<1x16xf32, #tpu.memory_space<hbm>>
      %dma_start3A_152 = tpu.memref_squeeze %dma_start3A_151 : memref<1x16xf32, #tpu.memory_space<hbm>> -> memref<16xf32, #tpu.memory_space<hbm>>
      tpu.enqueue_dma source(%arg13 : memref<16xf32, #tpu.memory_space<vmem>>) target(%dma_start3A_152 : memref<16xf32, #tpu.memory_space<hbm>>) target_semaphore(%run_scoped3A_146 : memref<!tpu.dma_semaphore, #tpu.memory_space<semaphore_mem>>)
      %dma_wait3A_153 = arith.constant 0 : i32
      %dma_wait3A_154 = tpu.memref_slice %arg6[%add3A, %dma_wait3A_153] : memref<32x16xf32, #tpu.memory_space<hbm>> -> memref<1x16xf32, #tpu.memory_space<hbm>>
      %dma_wait3A_155 = tpu.memref_squeeze %dma_wait3A_154 : memref<1x16xf32, #tpu.memory_space<hbm>> -> memref<16xf32, #tpu.memory_space<hbm>>
      %dma_wait3A_156 = arith.constant 0 : i32
      %dma_wait3A_157 = tpu.memref_slice %arg6[%add3A, %dma_wait3A_156] : memref<32x16xf32, #tpu.memory_space<hbm>> -> memref<1x16xf32, #tpu.memory_space<hbm>>
      %dma_wait3A_158 = tpu.memref_squeeze %dma_wait3A_157 : memref<1x16xf32, #tpu.memory_space<hbm>> -> memref<16xf32, #tpu.memory_space<hbm>>
      tpu.wait_dma2 semaphore(%run_scoped3A_146 : memref<!tpu.dma_semaphore, #tpu.memory_space<semaphore_mem>>) src(%arg13 : memref<16xf32, #tpu.memory_space<vmem>>) dst(%dma_wait3A_158 : memref<16xf32, #tpu.memory_space<hbm>>)
      tpu.yield
    }) : () -> ()
    return
  }
}

</mosaic_0001>

<sc_bundles>
// kernel: kernel.3.cloned.1.call-start
scs
__scs_entry_jumppad:
0x0: {  	(pc) =	sbr.rel $0x88, $3  }
0x1: {  	(tag) =	ssettag $0x0;
	lr =	simm.s32 $0x1  }
0x2: {  	[smem:$0x3F9E] =	sst lr;
	_ =	strace $0xD0000000  }
0x3: {  	_ = 	snop  }
0x4: {  	_ = 	snop  }
0x5: {  	_ = 	snop  }
0x6: {  	_ = 	snop  }
0x7: {  	_ = 	snop  }
__scs_overlays_trampoline_lowered:
0x8: {  	[smem:$0x3FAD] =	sst s0  }
0x9: {  	[smem:$0x3FAE] =	sst s1  }
0xa: {  	[smem:$0x3FAF] =	sst s2  }
0xb: {  	[smem:$0x3FB0] =	sst s3  }
0xc: {  	[smem:$0x3FB1] =	sst s4  }
0xd: {  	[smem:$0x3FB2] =	sst s5  }
0xe: {  	[smem:$0x3FB3] =	sst s6  }
0xf: {  	[smem:$0x3FB4] =	sst s7  }
0x10: {  	[smem:$0x3FB5] =	sst s8  }
0x11: {  	[smem:$0x3FB6] =	sst s9;
	s0 =	simm.s32 @!p0 $0x0  }
0x12: {  	s1 =	sld [smem:$0x3F9C];
	s0 =	simm.s32 @p0 $0x1  }
0x13: {  	[smem:$0x3FB7] =	sst s0;
	s0 =	simm.s32 @!p1 $0x0  }
0x14: {  	s2 =	sld [smem:$0x3F9B];
	s0 =	simm.s32 @p1 $0x1  }
0x15: {  	[smem:$0x3FB8] =	sst s0;
	s0 =	simm.s32 @!p2 $0x0  }
0x16: {  	s3 =	sld [smem:$0x3FDB];
	s0 =	simm.s32 @p2 $0x1  }
0x17: {  	s4 =	simm.s32 $0x1BF5;
	[smem:$0x3FBA] =	sst s0  }
0x18: {  	s0 =	sld [smem:$0x3F9D];
	_ =	swait.ge [sflag:s4], $0x0  }
0x19: {  	s7 =	sld [smem:$0x3F9E]  }
0x1a: {  	s8 =	sadd.s32 $0xFFFFE003, lr  }
0x1b: {  	s9 =	sadd.s32 $0xFFFFFEF7, lr;
	s5 =	simm.s32 $0xFFFFFFFF;
	p2 =	slt.u32 s8, $0xFFFFF086  }
0x1c: {  	p1 =	slt.u32 s9, $0xF7A;
	s5 =	simm.s32 @!p2 $0x0  }
0x1d: {  	s5 =	simm.s32 @p1 $0x1;
	p0 =	seq.s32 s7, s2  }
0x1e: {  	s7 =	smul.u32 @!p0 $0xF7A, s2;
	p2 =	seq.s32 @!p0 s5, $0x0  }
0x1f: {  	s9 =	smul.u32 $0xF7A, s1;
	s8 =	simm.s32 @!p0 $0x1BF5;
	p2 =	por !p2, p0  }
0x20: {  	[sflag:s8] =	ssyncset.s32 @!p0 $0xFFFFF086;
	s6 =	sadd.s32 @!p0 s3, s7;
	s7 =	simm.s32 @!p0 $0x108  }
0x21: {  	s3 =	sadd.s32 s3, s9;
	s6 =	sadd.s32 @!p0 $0x88, s6;
	s7 =	simm.s32 @p2 $0x1082  }
0x22: {  	[simem:s7], [sflag:s8] =	dma.local @!p0 [hbm:s6], $0xF7A  }
0x23: {  	s9 =	sor.u32 $0xD0000000, s2;
	s6 =	simm.s32 $0x108;
	_ =	swait.ge @!p0 [sflag:s8], $0x0  }
0x24: {  	s3 =	sadd.s32 $0x88, s3;
	s6 =	simm.s32 @!p1 $0x1082;
	[sflag:s4] =	ssyncset.s32 $0xFFFFF086  }
0x25: {  	[simem:s6], [sflag:s4] =	dma.local [hbm:s3], $0xF7A  }
0x26: {  	[smem:$0x3F9E] =	sst s1;
	(tag) =	ssettag s2;
	_ =	strace s9  }
0x27: {  	s1 =	sld [smem:$0x3FAE]  }
0x28: {  	s2 =	sld [smem:$0x3FAF]  }
0x29: {  	s4 =	sld [smem:$0x3FB1]  }
0x2a: {  	p0 =	seq.s32 s5, $0x0;
	s5 =	sld [smem:$0x3FB2]  }
0x2b: {  	s6 =	sld [smem:$0x3FB3]  }
0x2c: {  	s7 =	sld [smem:$0x3FB4]  }
0x2d: {  	s3 =	simm.s32 $0x108;
	s8 =	sld [smem:$0x3FB5]  }
0x2e: {  	s3 =	simm.s32 @!p0 $0x1082;
	s9 =	sld [smem:$0x3FB6]  }
0x2f: {  	lr =	sadd.s32 s0, s3;
	s0 =	sld [smem:$0x3FAD]  }
0x30: {  	s3 =	sld [smem:$0x3FB0]  }
0x31: {  	[smem:$0x3FB9] =	sst s10  }
0x32: {  	s10 =	sld [smem:$0x3FB7];
	_ =	sdelay $0x3  }
0x33: {  	p0 =	seq.s32 s10, $0x1;
	s10 =	sld [smem:$0x3FB9];
	_ =	sdelay $0x3  }
0x34: {  	[smem:$0x3FB9] =	sst s10  }
0x35: {  	s10 =	sld [smem:$0x3FB8];
	_ =	sdelay $0x3  }
0x36: {  	p1 =	seq.s32 s10, $0x1;
	s10 =	sld [smem:$0x3FB9];
	_ =	sdelay $0x3  }
0x37: {  	[smem:$0x3FB9] =	sst s10  }
0x38: {  	s10 =	sld [smem:$0x3FBA]  }
0x39: {  	_ = 	snop;
	(pc) =	sbr.ind lr, $3  }
0x3a: {  	_ = 	snop  }
0x3b: {  	_ = 	snop  }
0x3c: {  	p2 =	seq.s32 s10, $0x1;
	s10 =	sld [smem:$0x3FB9]  }
0x3d: {  	_ =	shalt  }
0x3e: {  	_ =	shalt  }
0x3f: {  	_ =	shalt  }
0x40: {  	_ =	shalt  }
0x41: {  	_ =	shalt  }
0x42: {  	_ =	shalt  }
0x43: {  	_ =	shalt  }
0x44: {  	_ =	shalt  }
0x45: {  	_ =	shalt  }
0x46: {  	_ =	shalt  }
0x47: {  	_ =	shalt  }
0x48: {  	_ =	shalt  }
0x49: {  	_ =	shalt  }
0x4a: {  	_ =	shalt  }
0x4b: {  	_ =	shalt  }
0x4c: {  	_ =	shalt  }
0x4d: {  	_ =	shalt  }
0x4e: {  	_ =	shalt  }
0x4f: {  	_ =	shalt  }
0x50: {  	_ =	shalt  }
0x51: {  	_ =	shalt  }
0x52: {  	_ =	shalt  }
0x53: {  	_ =	shalt  }
0x54: {  	_ =	shalt  }
0x55: {  	_ =	shalt  }
0x56: {  	_ =	shalt  }
0x57: {  	_ =	shalt  }
0x58: {  	_ =	shalt  }
0x59: {  	_ =	shalt  }
0x5a: {  	_ =	shalt  }
0x5b: {  	_ =	shalt  }
0x5c: {  	_ =	shalt  }
0x5d: {  	_ =	shalt  }
0x5e: {  	_ =	shalt  }
0x5f: {  	_ =	shalt  }
0x60: {  	_ =	shalt  }
0x61: {  	_ =	shalt  }
0x62: {  	_ =	shalt  }
0x63: {  	_ =	shalt  }
0x64: {  	_ =	shalt  }
0x65: {  	_ =	shalt  }
0x66: {  	_ =	shalt  }
0x67: {  	_ =	shalt  }
0x68: {  	_ =	shalt  }
0x69: {  	_ =	shalt  }
0x6a: {  	_ =	shalt  }
0x6b: {  	_ =	shalt  }
0x6c: {  	_ =	shalt  }
0x6d: {  	_ =	shalt  }
0x6e: {  	_ =	shalt  }
0x6f: {  	_ =	shalt  }
0x70: {  	_ =	shalt  }
0x71: {  	_ =	shalt  }
0x72: {  	_ =	shalt  }
0x73: {  	_ =	shalt  }
0x74: {  	_ =	shalt  }
0x75: {  	_ =	shalt  }
0x76: {  	_ =	shalt  }
0x77: {  	_ =	shalt  }
0x78: {  	_ =	shalt  }
0x79: {  	_ =	shalt  }
0x7a: {  	_ =	shalt  }
0x7b: {  	_ =	shalt  }
0x7c: {  	_ =	shalt  }
0x7d: {  	_ =	shalt  }
0x7e: {  	_ =	shalt  }
0x7f: {  	_ =	shalt  }
0x80: {  	_ =	shalt  }
0x81: {  	_ =	shalt  }
0x82: {  	_ =	shalt  }
0x83: {  	_ =	shalt  }
0x84: {  	_ =	shalt  }
0x85: {  	_ =	shalt  }
0x86: {  	_ =	shalt  }
0x87: {  	_ =	shalt  }
.Lfunc_end0:
.L_simem_size_0:
called_computation_lowered:
.L_overlay_start_0:
0x88: {  	s2 =	sld [smem:$0x3FD9]  }
0x89: {  	s3 =	sld [smem:$0x3FFE];
	_ =	sdelay $0x1  }
0x8a: {  	s1 =	srdreg.scid  }
0x8b: {  	s0 =	sand.u32 $0x1, s1  }
0x8c: {  	s16 =	sshll.u32 s0, $0xA;
	s2 =	sadd.s32 s3, s2  }
0x8d: {  	s2 =	sadd.s32 s2, s16  }
0x8e: {  	[smem:$0x3FC5] =	sst s2  }
0x8f: {  	_ = 	snop  }
0x90: {  	(tm) =	ssettm $0x1  }
0x91: {  	s17 =	sld [smem:$0x3FFB];
	_ =	sdelay $0x3  }
0x92: {  	_ =	strace s17  }
0x93: {  	s2 =	sld [smem:$0x3FFC];
	_ =	sdelay $0x3  }
0x94: {  	_ =	strace s2  }
0x95: {  	s2 =	sld [smem:$0x3FFD];
	_ =	sdelay $0x3  }
0x96: {  	_ =	strace s2  }
0x97: {  	_ =	strace $0x8FFFFFFF  }
0x98: {  	s18 =	sld [smem:$0x3FDB];
	_ =	sdelay $0x1  }
0x99: {  	s19 =	simm.s32 $_scs_section_size  }
0x9a: {  	s4 =	simm.s32 $_size__tile_overlayer_lowered;
	s5 =	simm.s32 $_tile_overlayer_lowered  }
0x9b: {  	s22 =	simm.s32 $0x1BFF;
	s21 =	sshll.u32 s5, $0x1;
	s2 =	sadd.s32 s19, s18  }
0x9c: {  	s6 =	simm.s32 $0x0;
	s20 =	sshll.u32 s4, $0x1;
	s4 =	sadd.s32 s21, s2  }
0x9d: {  	[timem:s6], [sflag:s22] =	dma.local [hbm:s4], s20  }
0x9e: {  	_ =	swait.ge [sflag:s22], s20  }
0x9f: {  	s3 =	ssub.s32 $0x0, s20;
	[sflag:s22] =	ssyncset.done $0x0  }
0xa0: {  	[sflag:s22] =	ssyncadd.s32 s3;
	_ =	sdelay $0x1  }
0xa1: {  	s23 =	simm.s32 $0x1B8B  }
0xa2: {  	_ =	swait.ge [sflag:s23], $0x1  }
0xa3: {  	[sflag:s23] =	ssyncset.done $0x0  }
0xa4: {  	s25 =	simm.s32 $0x1B8E;
	s24 =	sld [smem:$0x3FFE];
	[sflag:s23] =	ssyncadd.s32 $0xFFFFFFFF  }
0xa5: {  	s26 =	simm.s32 $execute0_lowered;
	[smem:$0x3FD2] =	sst s25  }
0xa6: {  	s4 =	sshll.u32 s26, $0x1;
	_ =	strace $0x80000046;
	[dreg:$0x1] =	wrdreg $0xFFFFFFFF  }
0xa7: {  	s28 =	simm.s32 $_size_execute0_lowered;
	s2 =	sadd.s32 s2, s4;
	[dreg:$0x0] =	wrdreg $0x0  }
0xa8: {  	s4 =	sshll.u32 s28, $0x1;
	[dreg:$0x2] =	wrdreg s2  }
0xa9: {  	[dreg:$0x3] =	wrdreg s4  }
0xaa: {  	[dreg:$0x4] =	wrdreg $0xC0  }
0xab: {  	_ =	task [dreg:s6], $0x5FFFF  }
0xac: {  	[dreg:$0x1] =	wrdreg $0xFFFFFFFF  }
0xad: {  	[dreg:$0x0] =	wrdreg $0x60  }
0xae: {  	[dreg:$0x2] =	wrdreg s24  }
0xaf: {  	[dreg:$0x3] =	wrdreg $0x108900  }
0xb0: {  	[dreg:$0x4] =	wrdreg $0x9  }
0xb1: {  	_ =	task.clear_ibuf [dreg:s6], $0x5FFFF;
	_ =	strace $0x90000046  }
0xb2: {  	s29 =	simm.s32 $0x9;
	_ =	strace $0x80000048  }
0xb3: {  	_ =	swait.ge [sflag:s29], $0x1  }
0xb4: {  	[sflag:s29] =	ssyncadd.s32 $0xFFFFFFFF  }
0xb5: {  	_ =	strace $0x90000048  }
0xb6: {  	_ =	sfence  }
0xb7: {  	s30 =	sld [smem:$0x0];
	_ =	sdelay $0x2  }
0xb8: {  	s31 =	sshll.u32 s1, $0xD;
	s1 =	sshrl.u32 s1, $0x2  }
0xb9: {  	s3 =	sand.u32 $0x4000, s31;
	s1 =	sadd.s32 s1, s30  }
0xba: {  	s0 =	sor.u32 s3, s0;
	s1 =	sshll.u32 s1, $0x11  }
0xbb: {  	s0 =	sor.u32 s1, s0  }
0xbc: {  	s0 =	sadd.s32 $0x8F2B, s0  }
0xbd: {  	[sflag:s0] =	ssyncadd.remote.s32 $0x1  }
0xbe: {  	_ =	sfence.sel $0xFFFF  }
0xbf: {  	[dreg:$0x0] =	wrdreg $0xFFFFFFFF;
	(pc) =	sbr.abs _section_cstart, $3  }
0xc0: {  	[dreg:$0x1] =	wrdreg $0xFFFFFFFF  }
0xc1: {  	_ =	task.clear_ibuf [dreg:s6], $0x2FFFF;
	_ =	strace $0x9FFFFFFF  }
0xc2: {  	(tm) =	ssettm $0x7FFFFFFF  }
0xc3: {  	_ =	shalt  }
tec
execute0_lowered:
.L_overlay_start_1:
0x0: {  	(tag) =	ssettag $0x1  }
0x1: {  	s1 =	rddreg [dreg:$0x0]  }
0x2: {  	s0 =	srdreg.scid;
	s2 =	rddreg [dreg:$0x1]  }
0x3: {  	s17 =	stileid.u32;
	s3 =	simm.s32 $0x0;
	s12 =	simm.s32 $0x200  }
0x4: {  	s13 =	simm.s32 $0x80;
	s14 =	simm.s32 $0x880;
	s16 =	simm.s32 $0x100  }
0x5: {  	s18 =	simm.s32 $0x180;
	s20 =	simm.s32 $0x8880;
	s23 =	simm.s32 $0x600  }
0x6: {  	s29 =	simm.s32 $0x480;
	s30 =	simm.s32 $0x500;
	s31 =	simm.s32 $0x580  }
0x7: {  	s19 =	simm.s32 $0x1;
	s24 =	simm.s32 $0x10880;
	s0 =	sand.u32 $0x1, s0  }
0x8: {  	[smem:$0x7FF] =	sst s3;
	s7 =	sadd.s32 $0x20400, s1;
	s5 =	sadd.s32 $0x186E00, s1  }
0x9: {  	s11 =	smul.u32 $0x61C0, s17;
	s25 =	sshll.u32 s17, $0x7;
	s28 =	sshll.u32 s17, $0x6  }
0xa: {  	s4 =	sshll.u32 s0, $0x4;
	_ =	strace $0x80000047;
	s0 =	ssub.s32 $0x2, s0  }
0xb: {  	s21 =	sor.u32 $0x1C03, s28;
	s6 =	sor.u32 s17, s4;
	s10 =	sshrl.u32 s0, $0x1  }
0xc: {  	s26 =	sshrl.u32 s11, $0x2;
	s11 =	simm.s32 $0x3;
	s17 =	simm.s32 $0x2  }
0xd: {  	s4 =	sshll.u32 s6, $0xC;
	s9 =	sshll.u32 s6, $0x1;
	s0 =	ssub.s32 s0, s10  }
0xe: {  	s6 =	sshll.u32 s6, $0x6;
	s15 =	sadd.s32 s26, s2;
	s8 =	sadd.s32 s4, s1  }
0xf: {  	v0 =	vlaneseq.u32;
	s4 =	sadd.s32 $0x20C00, s1;
	s1 =	sadd.s32 s9, s1;
	s6 =	sadd.s32 s7, s6  }
0x10: {  	v57 =	vmul.u32 $0x40, v0;
	s7 =	sadd.s32 s7, s25;
	s10 =	smax.u32 s0, $0x1;
	s22 =	sshrl.u32 s15, $0x3  }
0x11: {  	s0 =	simm.s32 $0x700;
	s15 =	simm.s32 $0x800;
	s25 =	simm.s32 $0x0  }
0x12: {  	[tilespmem:$0x1FFF0] =	vst v57;
	s8 =	sadd.s32 $0x400, s8;
	s9 =	sadd.s32 $0x21000, s1;
	s1 =	simm.s32 $0x780  }
.LBB2_1:
0x13: {  	[tilespmem:s3], [sflag:$0x3] =	stream.linear.gather [hbm4b:s6+s3], $0x200, $0x38;
	[tilespmem:$0x12100] =	vst v63  }
0x14: {  	_ =	swait.ge [sflag:s11], $0x200  }
0x15: {  	[sflag:s11] =	ssyncset.done $0x0  }
0x16: {  	[sflag:s11] =	ssyncadd.s32 $0xFFFFFE00  }
0x17: {  	[tilespmem:s12], [sflag:$0x3] =	stream.linear.gather [hbm4b:s7+s3], $0x400, $0x38;
	[tilespmem:$0x12100] =	vst v63  }
0x18: {  	_ =	swait.ge [sflag:s11], $0x400  }
0x19: {  	[sflag:s11] =	ssyncset.done $0x0  }
0x1a: {  	[sflag:s11] =	ssyncadd.s32 $0xFFFFFC00  }
0x1b: {  	[tilespmem:s14], [sflag:$0x1] =	stream.indirect.gather [hbm4b:s5+s13], $0x40, s3, s13, $0xb8;
	[tilespmem:$0x12100] =	vst v63  }
0x1c: {  	s26 =	simm.s32 $0x2880  }
0x1d: {  	[tilespmem:s26], [sflag:$0x1] =	stream.indirect.gather [hbm4b:s5+s13], $0x40, s13, s13, $0xb8;
	[tilespmem:$0x12100] =	vst v63  }
0x1e: {  	s26 =	simm.s32 $0x4880  }
0x1f: {  	[tilespmem:s26], [sflag:$0x1] =	stream.indirect.gather [hbm4b:s5+s13], $0x40, s16, s13, $0xb8;
	[tilespmem:$0x12100] =	vst v63  }
0x20: {  	s26 =	simm.s32 $0x6880  }
0x21: {  	[tilespmem:s26], [sflag:$0x1] =	stream.indirect.gather [hbm4b:s5+s13], $0x40, s18, s13, $0xb8;
	[tilespmem:$0x12100] =	vst v63  }
0x22: {  	_ = 	snop  }
0x23: {  	v0 =	vimm.f32 $1.000000000e+00;
	[tilespmem:s20], [sflag:$0x2] =	stream.linear.gather [hbm4b:s8+s3], $0x8000, $0x38;
	[tilespmem:$0x12100] =	vst v63  }
0x24: {  	[tilespmem:$0x600] =	vst v0  }
0x25: {  	[tilespmem:$0x610] =	vst v0  }
0x26: {  	[tilespmem:$0x620] =	vst v0  }
0x27: {  	[tilespmem:$0x630] =	vst v0  }
0x28: {  	[tilespmem:$0x640] =	vst v0  }
0x29: {  	[tilespmem:$0x650] =	vst v0  }
0x2a: {  	[tilespmem:$0x660] =	vst v0  }
0x2b: {  	[tilespmem:$0x670] =	vst v0  }
0x2c: {  	[spmem:s22], [sflag:s21] =	dma.local [hbm:s4], $0x30E  }
0x2d: {  	_ =	swait.ge [sflag:s11], $0x30E  }
0x2e: {  	[sflag:s11] =	ssyncset.done $0x0  }
0x2f: {  	[sflag:s11] =	ssyncadd.s32 $0xFFFFFCF2  }
0x30: {  	[bflag:$0x0] =	sbarrier.arrive $0xFFFF  }
0x31: {  	[spmem:s2] =	stream.indirect.scatter.add.f32 [tilespmem:s23], [sflag:$0x3], $0x1, s12, s13, $0xb8;
	[tilespmem:$0x12100] =	vst v63  }
0x32: {  	_ =	swait.ge [sflag:s11], $0x80  }
0x33: {  	[sflag:s11] =	ssyncset.done $0x0  }
0x34: {  	s26 =	simm.s32 $0x280;
	[sflag:s11] =	ssyncadd.s32 $0xFFFFFF80  }
0x35: {  	[spmem:s2] =	stream.indirect.scatter.add.f32 [tilespmem:s23], [sflag:$0x3], $0x1, s26, s13, $0xb8;
	[tilespmem:$0x12100] =	vst v63  }
0x36: {  	_ =	swait.ge [sflag:s11], $0x80  }
0x37: {  	[sflag:s11] =	ssyncset.done $0x0  }
0x38: {  	s26 =	simm.s32 $0x300;
	[sflag:s11] =	ssyncadd.s32 $0xFFFFFF80  }
0x39: {  	[spmem:s2] =	stream.indirect.scatter.add.f32 [tilespmem:s23], [sflag:$0x3], $0x1, s26, s13, $0xb8;
	[tilespmem:$0x12100] =	vst v63  }
0x3a: {  	_ =	swait.ge [sflag:s11], $0x80  }
0x3b: {  	[sflag:s11] =	ssyncset.done $0x0  }
0x3c: {  	s26 =	simm.s32 $0x380;
	[sflag:s11] =	ssyncadd.s32 $0xFFFFFF80  }
0x3d: {  	[spmem:s2] =	stream.indirect.scatter.add.f32 [tilespmem:s23], [sflag:$0x3], $0x1, s26, s13, $0xb8;
	[tilespmem:$0x12100] =	vst v63  }
0x3e: {  	_ =	swait.ge [sflag:s11], $0x80  }
0x3f: {  	[sflag:s11] =	ssyncset.done $0x0  }
0x40: {  	s26 =	simm.s32 $0x400;
	[sflag:s11] =	ssyncadd.s32 $0xFFFFFF80  }
0x41: {  	[spmem:s2] =	stream.indirect.scatter.add.f32 [tilespmem:s23], [sflag:$0x3], $0x1, s26, s13, $0xb8;
	[tilespmem:$0x12100] =	vst v63  }
0x42: {  	_ =	swait.ge [sflag:s11], $0x80  }
0x43: {  	[sflag:s11] =	ssyncset.done $0x0  }
0x44: {  	[sflag:s11] =	ssyncadd.s32 $0xFFFFFF80  }
0x45: {  	[spmem:s2] =	stream.indirect.scatter.add.f32 [tilespmem:s23], [sflag:$0x3], $0x1, s29, s13, $0xb8;
	[tilespmem:$0x12100] =	vst v63  }
0x46: {  	_ =	swait.ge [sflag:s11], $0x80  }
0x47: {  	[sflag:s11] =	ssyncset.done $0x0  }
0x48: {  	[sflag:s11] =	ssyncadd.s32 $0xFFFFFF80  }
0x49: {  	[spmem:s2] =	stream.indirect.scatter.add.f32 [tilespmem:s23], [sflag:$0x3], $0x1, s30, s13, $0xb8;
	[tilespmem:$0x12100] =	vst v63  }
0x4a: {  	_ =	swait.ge [sflag:s11], $0x80  }
0x4b: {  	[sflag:s11] =	ssyncset.done $0x0  }
0x4c: {  	[sflag:s11] =	ssyncadd.s32 $0xFFFFFF80  }
0x4d: {  	[spmem:s2] =	stream.indirect.scatter.add.f32 [tilespmem:s23], [sflag:$0x3], $0x1, s31, s13, $0xb8;
	[tilespmem:$0x12100] =	vst v63  }
0x4e: {  	_ =	swait.ge [sflag:s11], $0x80  }
0x4f: {  	[sflag:s11] =	ssyncset.done $0x0  }
0x50: {  	[sflag:s11] =	ssyncadd.s32 $0xFFFFFF80  }
0x51: {  	s26 =	simm.s32 $0x680;
	[bflag:$0x0] =	sbarrier.arrive $0xFFFF  }
0x52: {  	[tilespmem:s26], [sflag:$0x3] =	stream.indirect.gather [spmem:s2], $0x1, s3, s13, $0xb8;
	[tilespmem:$0x12100] =	vst v63  }
0x53: {  	_ =	swait.ge [sflag:s11], $0x80  }
0x54: {  	[sflag:s11] =	ssyncset.done $0x0  }
0x55: {  	[sflag:s11] =	ssyncadd.s32 $0xFFFFFF80  }
0x56: {  	[tilespmem:s0], [sflag:$0x3] =	stream.indirect.gather [spmem:s2], $0x1, s13, s13, $0xb8;
	[tilespmem:$0x12100] =	vst v63  }
0x57: {  	_ =	swait.ge [sflag:s11], $0x80  }
0x58: {  	[sflag:s11] =	ssyncset.done $0x0  }
0x59: {  	[sflag:s11] =	ssyncadd.s32 $0xFFFFFF80  }
0x5a: {  	[tilespmem:s1], [sflag:$0x3] =	stream.indirect.gather [spmem:s2], $0x1, s16, s13, $0xb8;
	[tilespmem:$0x12100] =	vst v63  }
0x5b: {  	_ =	swait.ge [sflag:s11], $0x80  }
0x5c: {  	[sflag:s11] =	ssyncset.done $0x0  }
0x5d: {  	[sflag:s11] =	ssyncadd.s32 $0xFFFFFF80  }
0x5e: {  	[tilespmem:s15], [sflag:$0x3] =	stream.indirect.gather [spmem:s2], $0x1, s18, s13, $0xb8;
	[tilespmem:$0x12100] =	vst v63  }
0x5f: {  	_ =	swait.ge [sflag:s11], $0x80  }
0x60: {  	[sflag:s11] =	ssyncset.done $0x0  }
0x61: {  	[sflag:s11] =	ssyncadd.s32 $0xFFFFFF80  }
0x62: {  	_ =	swait.ge [sflag:s17], $0x8000  }
0x63: {  	[sflag:s17] =	ssyncset.done $0x0  }
0x64: {  	[sflag:s17] =	ssyncadd.s32 $0xFFFF8000  }
0x65: {  	_ =	swait.ge [sflag:s19], $0x2000  }
0x66: {  	[sflag:s19] =	ssyncset.done $0x0  }
0x67: {  	[sflag:s19] =	ssyncadd.s32 $0xFFFFE000  }
0x68: {  	_ =	swait.ge [sflag:s19], $0x2000  }
0x69: {  	[sflag:s19] =	ssyncset.done $0x0  }
0x6a: {  	v50 =	vmov s3;
	[sflag:s19] =	ssyncadd.s32 $0xFFFFE000  }
0x6b: {  	v0 =	vshll.u32 v50, $0x6;
	_ =	swait.ge [sflag:s19], $0x2000  }
0x6c: {  	v4 =	vor.u32 v57, v0;
	[sflag:s19] =	ssyncset.done $0x0  }
0x6d: {  	v0 =	vor.u32 $0x1, v4;
	[sflag:s19] =	ssyncadd.s32 $0xFFFFE000  }
0x6e: {  	_ =	swait.ge [sflag:s19], $0x2000  }
0x6f: {  	v2 =	vor.u32 $0x2, v4;
	[sflag:s19] =	ssyncset.done $0x0  }
0x70: {  	[sflag:s19] =	ssyncadd.s32 $0xFFFFE000  }
0x71: {  	v7 =	vor.u32 $0x3, v4;
	v5 =	vld.idx.msk [tilespmem:v4+s20+$0x0], $0xffff  }
0x72: {  	v8 =	vld.idx.msk [tilespmem:v0+s20+$0x0], $0xffff  }
0x73: {  	v11 =	vor.u32 $0x4, v4  }
0x74: {  	v14 =	vld.idx.msk [tilespmem:v2+s20+$0x0], $0xffff  }
0x75: {  	v15 =	vor.u32 $0x5, v4  }
0x76: {  	v16 =	vld.idx.msk [tilespmem:v7+s20+$0x0], $0xffff  }
0x77: {  	v17 =	vor.u32 $0x6, v4;
	v1 =	vmul.f32 v5, v5;
	v3 =	vmul.f32 v8, v8  }
0x78: {  	v24 =	vld.idx.msk [tilespmem:v11+s20+$0x0], $0xffff  }
0x79: {  	v25 =	vor.u32 $0x7, v4;
	v51 =	vmul.f32 v14, v14;
	v1 =	vadd.f32 v3, v1  }
0x7a: {  	v31 =	vld.idx.msk [tilespmem:v15+s20+$0x0], $0xffff  }
0x7b: {  	v32 =	vor.u32 $0x8, v4;
	v52 =	vmul.f32 v16, v16;
	v1 =	vadd.f32 v51, v1  }
0x7c: {  	v37 =	vld.idx.msk [tilespmem:v17+s20+$0x0], $0xffff  }
0x7d: {  	v38 =	vor.u32 $0x9, v4;
	v53 =	vmul.f32 v24, v24;
	v1 =	vadd.f32 v52, v1  }
0x7e: {  	v46 =	vld.idx.msk [tilespmem:v25+s20+$0x0], $0xffff  }
0x7f: {  	v47 =	vor.u32 $0xA, v4;
	v54 =	vmul.f32 v31, v31;
	v1 =	vadd.f32 v53, v1  }
0x80: {  	v48 =	vld.idx.msk [tilespmem:v32+s20+$0x0], $0xffff  }
0x81: {  	v49 =	vor.u32 $0xB, v4;
	v55 =	vmul.f32 v37, v37;
	v1 =	vadd.f32 v54, v1  }
0x82: {  	v50 =	vld.idx.msk [tilespmem:v38+s20+$0x0], $0xffff  }
0x83: {  	v13 =	vor.u32 $0xC, v4;
	v56 =	vmul.f32 v46, v46;
	v1 =	vadd.f32 v55, v1  }
0x84: {  	v18 =	vld.idx.msk [tilespmem:v47+s20+$0x0], $0xffff  }
0x85: {  	v6 =	vor.u32 $0xD, v4;
	v58 =	vmul.f32 v48, v48;
	v1 =	vadd.f32 v56, v1  }
0x86: {  	v26 =	vld.idx.msk [tilespmem:v49+s20+$0x0], $0xffff  }
0x87: {  	v30 =	vor.u32 $0xE, v4;
	v59 =	vmul.f32 v50, v50;
	v1 =	vadd.f32 v58, v1  }
0x88: {  	v12 =	vor.u32 $0xF, v4;
	v39 =	vld.idx.msk [tilespmem:v13+s20+$0x0], $0xffff  }
0x89: {  	v29 =	vor.u32 $0x11, v4;
	v9 =	vmul.f32 v18, v18;
	v3 =	vadd.f32 v59, v1  }
0x8a: {  	v19 =	vld.idx.msk [tilespmem:v6+s20+$0x0], $0xffff  }
0x8b: {  	v1 =	vor.u32 $0x10, v4;
	v3 =	vadd.f32 v9, v3;
	v9 =	vmul.f32 v26, v26  }
0x8c: {  	v27 =	vld.idx.msk [tilespmem:v30+s20+$0x0], $0xffff  }
0x8d: {  	v20 =	vor.u32 $0x12, v4;
	v44 =	vld.idx.msk [tilespmem:v12+s20+$0x0], $0xffff;
	v3 =	vadd.f32 v9, v3;
	v9 =	vmul.f32 v39, v39  }
0x8e: {  	v21 =	vld.idx.msk [tilespmem:v29+s20+$0x0], $0xffff  }
0x8f: {  	v28 =	vor.u32 $0x14, v4;
	v35 =	vld.idx.msk [tilespmem:v4+s14+$0x0], $0xffff;
	v10 =	vmul.f32 v19, v19;
	v3 =	vadd.f32 v9, v3  }
0x90: {  	v23 =	vld.idx.msk [tilespmem:v1+s20+$0x0], $0xffff  }
0x91: {  	v36 =	vld.idx.msk [tilespmem:v0+s14+$0x0], $0xffff;
	v9 =	vor.u32 $0x13, v4;
	v3 =	vadd.f32 v10, v3;
	v10 =	vmul.f32 v27, v27  }
0x92: {  	v45 =	vld.idx.msk [tilespmem:v20+s20+$0x0], $0xffff  }
0x93: {  	v51 =	vld.idx.msk [tilespmem:v2+s14+$0x0], $0xffff;
	v3 =	vadd.f32 v10, v3;
	v10 =	vmul.f32 v44, v44  }
0x94: {  	v41 =	vld.idx.msk [tilespmem:v28+s20+$0x0], $0xffff;
	v34 =	vmul.f32 v35, v5  }
0x95: {  	v40 =	vor.u32 $0x15, v4;
	v7 =	vld.idx.msk [tilespmem:v7+s14+$0x0], $0xffff;
	v61 =	vmul.f32 v23, v23;
	v60 =	vadd.f32 v10, v3  }
0x96: {  	v33 =	vor.u32 $0x17, v4;
	v8 =	vmul.f32 v36, v8;
	v53 =	vadd.f32 $0.0e+00, v34;
	v43 =	vld.idx.msk [tilespmem:v9+s20+$0x0], $0xffff  }
0x97: {  	v22 =	vmul.f32 v21, v21;
	v10 =	vor.u32 $0x16, v4;
	v0 =	vadd.f32 v61, v60  }
0x98: {  	v14 =	vmul.f32 v51, v14;
	v54 =	vld.idx.msk [tilespmem:v11+s14+$0x0], $0xffff;
	v8 =	vadd.f32 v8, v53;
	v11 =	vor.u32 $0x19, v4  }
0x99: {  	v38 =	vld.idx.msk [tilespmem:v38+s14+$0x0], $0xffff;
	v62 =	vmul.f32 v41, v41;
	v52 =	vmul.f32 v45, v45;
	v42 =	vadd.f32 v22, v0  }
0x9a: {  	v63 =	vmul.f32 v35, v35;
	v36 =	vmul.f32 v36, v36;
	v8 =	vadd.f32 v14, v8;
	v22 =	vld.idx.msk [tilespmem:v40+s20+$0x0], $0xffff  }
0x9b: {  	v53 =	vld.idx.msk [tilespmem:v15+s14+$0x0], $0xffff;
	v14 =	vmul.f32 v7, v16;
	v55 =	vmul.f32 v43, v43;
	v52 =	vadd.f32 v52, v42  }
0x9c: {  	v36 =	vadd.f32 v36, v63;
	v51 =	vmul.f32 v51, v51;
	v34 =	vld.idx.msk [tilespmem:v10+s20+$0x0], $0xffff;
	v42 =	vor.u32 $0x18, v4  }
0x9d: {  	v8 =	vadd.f32 v14, v8;
	v14 =	vmul.f32 v54, v24;
	v24 =	vld.idx.msk [tilespmem:v11+s20+$0x0], $0xffff;
	v15 =	vadd.f32 v55, v52  }
0x9e: {  	v35 =	vld.idx.msk [tilespmem:v33+s20+$0x0], $0xffff;
	v51 =	vadd.f32 v51, v36;
	v0 =	vor.u32 $0x1A, v4  }
0x9f: {  	v7 =	vmul.f32 v7, v7;
	v56 =	vld.idx.msk [tilespmem:v17+s14+$0x0], $0xffff;
	v60 =	vmul.f32 v22, v22;
	v15 =	vadd.f32 v62, v15  }
0xa0: {  	v5 =	vor.u32 $0x3D, v4;
	v50 =	vmul.f32 v38, v50;
	v2 =	vor.u32 $0x3F, v4;
	v55 =	vld.idx.msk [tilespmem:v25+s14+$0x0], $0xffff  }
0xa1: {  	v7 =	vadd.f32 v7, v51;
	v61 =	vmul.f32 v34, v34;
	v16 =	vld.idx.msk [tilespmem:v42+s20+$0x0], $0xffff;
	v17 =	vadd.f32 v60, v15  }
0xa2: {  	v14 =	vadd.f32 v14, v8;
	v58 =	vmul.f32 v24, v24;
	v25 =	vmul.f32 v53, v31;
	v52 =	vld.idx.msk [tilespmem:v32+s14+$0x0], $0xffff  }
0xa3: {  	v31 =	vmul.f32 v35, v35;
	v32 =	vor.u32 $0x1C, v4;
	v36 =	vld.idx.msk [tilespmem:v0+s20+$0x0], $0xffff;
	v17 =	vadd.f32 v61, v17  }
0xa4: {  	v53 =	vmul.f32 v53, v53;
	v14 =	vadd.f32 v25, v14;
	v15 =	vor.u32 $0x1B, v4  }
0xa5: {  	v46 =	vmul.f32 v55, v46;
	v25 =	vadd.f32 v31, v17;
	v17 =	vmul.f32 v56, v37  }
0xa6: {  	v47 =	vld.idx.msk [tilespmem:v47+s14+$0x0], $0xffff;
	v8 =	vor.u32 $0x1D, v4;
	v31 =	vmul.f32 v54, v54;
	v62 =	vmul.f32 v16, v16  }
0xa7: {  	v49 =	vld.idx.msk [tilespmem:v49+s14+$0x0], $0xffff;
	v59 =	vmul.f32 v52, v48;
	v52 =	vmul.f32 v52, v52;
	v63 =	vadd.f32 v17, v14  }
0xa8: {  	v60 =	vmul.f32 v36, v36;
	v54 =	vld.idx.msk [tilespmem:v6+s14+$0x0], $0xffff;
	v37 =	vadd.f32 v62, v25;
	v7 =	vadd.f32 v31, v7  }
0xa9: {  	v6 =	vor.u32 $0x23, v4;
	v17 =	vld.idx.msk [tilespmem:v15+s20+$0x0], $0xffff;
	v14 =	vor.u32 $0x1E, v4;
	v31 =	vadd.f32 v46, v63  }
0xaa: {  	v25 =	vld.idx.msk [tilespmem:v32+s20+$0x0], $0xffff;
	v62 =	vmul.f32 v56, v56;
	v37 =	vadd.f32 v58, v37;
	v61 =	vadd.f32 v53, v7  }
0xab: {  	v7 =	vor.u32 $0x20, v4;
	v63 =	vmul.f32 v55, v55;
	v55 =	vld.idx.msk [tilespmem:v13+s14+$0x0], $0xffff;
	v13 =	vor.u32 $0x21, v4  }
0xac: {  	v53 =	vld.idx.msk [tilespmem:v12+s14+$0x0], $0xffff;
	v12 =	vor.u32 $0x24, v4;
	v46 =	vadd.f32 v59, v31;
	v31 =	vor.u32 $0x1F, v4  }
0xad: {  	v51 =	vadd.f32 v62, v61;
	v59 =	vmul.f32 v47, v18;
	v61 =	vmul.f32 v49, v26  }
0xae: {  	v48 =	vadd.f32 v60, v37;
	v37 =	vld.idx.msk [tilespmem:v8+s20+$0x0], $0xffff;
	v47 =	vmul.f32 v47, v47;
	v49 =	vmul.f32 v49, v49  }
0xaf: {  	v58 =	vmul.f32 v17, v17;
	v18 =	vld.idx.msk [tilespmem:v14+s20+$0x0], $0xffff;
	v60 =	vmul.f32 v25, v25;
	v46 =	vadd.f32 v50, v46  }
0xb0: {  	v51 =	vadd.f32 v63, v51;
	v63 =	vmul.f32 v38, v38;
	v50 =	vld.idx.msk [tilespmem:v1+s14+$0x0], $0xffff;
	v1 =	vor.u32 $0x26, v4  }
0xb1: {  	v48 =	vadd.f32 v58, v48;
	v38 =	vld.idx.msk [tilespmem:v7+s20+$0x0], $0xffff;
	v39 =	vmul.f32 v55, v39;
	v55 =	vmul.f32 v55, v55  }
0xb2: {  	v44 =	vmul.f32 v53, v44;
	v7 =	vld.idx.msk [tilespmem:v7+s14+$0x0], $0xffff;
	v46 =	vadd.f32 v59, v46;
	v51 =	vadd.f32 v52, v51  }
0xb3: {  	v53 =	vmul.f32 v53, v53;
	v52 =	vld.idx.msk [tilespmem:v30+s14+$0x0], $0xffff;
	v30 =	vor.u32 $0x22, v4;
	v48 =	vadd.f32 v60, v48  }
0xb4: {  	v26 =	vld.idx.msk [tilespmem:v31+s20+$0x0], $0xffff;
	v62 =	vmul.f32 v37, v37;
	v46 =	vadd.f32 v61, v46;
	v59 =	vadd.f32 v63, v51  }
0xb5: {  	v60 =	vmul.f32 v18, v18;
	v61 =	vmul.f32 v54, v19;
	v51 =	vld.idx.msk [tilespmem:v9+s14+$0x0], $0xffff;
	v9 =	vor.u32 $0x29, v4  }
0xb6: {  	v19 =	vld.idx.msk [tilespmem:v13+s20+$0x0], $0xffff;
	v48 =	vadd.f32 v62, v48;
	v39 =	vadd.f32 v39, v46;
	v58 =	vmul.f32 v38, v38  }
0xb7: {  	v47 =	vadd.f32 v47, v59;
	v59 =	vmul.f32 v54, v54;
	v54 =	vld.idx.msk [tilespmem:v40+s14+$0x0], $0xffff;
	v38 =	vmul.f32 v7, v38  }
0xb8: {  	v7 =	vmul.f32 v7, v7;
	v48 =	vadd.f32 v60, v48;
	v63 =	vmul.f32 v52, v27;
	v27 =	vld.idx.msk [tilespmem:v30+s20+$0x0], $0xffff  }
0xb9: {  	v62 =	vmul.f32 v26, v26;
	v39 =	vadd.f32 v61, v39;
	v47 =	vadd.f32 v49, v47;
	v49 =	vld.idx.msk [tilespmem:v29+s14+$0x0], $0xffff  }
0xba: {  	v52 =	vmul.f32 v52, v52;
	v29 =	vor.u32 $0x25, v4;
	v61 =	vmul.f32 v50, v23  }
0xbb: {  	v23 =	vor.u32 $0x27, v4;
	v48 =	vadd.f32 v62, v48;
	v46 =	vadd.f32 v63, v39;
	v39 =	vld.idx.msk [tilespmem:v6+s20+$0x0], $0xffff  }
0xbc: {  	v50 =	vmul.f32 v50, v50;
	v60 =	vmul.f32 v19, v19;
	v47 =	vadd.f32 v55, v47;
	v55 =	vld.idx.msk [tilespmem:v20+s14+$0x0], $0xffff  }
0xbd: {  	v20 =	vld.idx.msk [tilespmem:v12+s20+$0x0], $0xffff;
	v22 =	vmul.f32 v54, v22;
	v48 =	vadd.f32 v58, v48;
	v44 =	vadd.f32 v44, v46  }
0xbe: {  	v12 =	vld.idx.msk [tilespmem:v12+s14+$0x0], $0xffff;
	v62 =	vmul.f32 v27, v27;
	v47 =	vadd.f32 v59, v47;
	v63 =	vmul.f32 v49, v21  }
0xbf: {  	v21 =	vld.idx.msk [tilespmem:v29+s20+$0x0], $0xffff;
	v49 =	vmul.f32 v49, v49;
	v48 =	vadd.f32 v60, v48;
	v44 =	vadd.f32 v61, v44  }
0xc0: {  	v40 =	vld.idx.msk [tilespmem:v23+s20+$0x0], $0xffff;
	v47 =	vadd.f32 v52, v47;
	v60 =	vmul.f32 v51, v43;
	v51 =	vmul.f32 v51, v51  }
0xc1: {  	v52 =	vld.idx.msk [tilespmem:v28+s14+$0x0], $0xffff;
	v43 =	vor.u32 $0x2A, v4;
	v58 =	vmul.f32 v39, v39;
	v45 =	vmul.f32 v55, v45  }
0xc2: {  	v28 =	vld.idx.msk [tilespmem:v1+s20+$0x0], $0xffff;
	v59 =	vmul.f32 v20, v20;
	v55 =	vmul.f32 v55, v55;
	v48 =	vadd.f32 v62, v48  }
0xc3: {  	v1 =	vld.idx.msk [tilespmem:v1+s14+$0x0], $0xffff;
	v20 =	vmul.f32 v12, v20;
	v46 =	vadd.f32 v63, v44;
	v47 =	vadd.f32 v53, v47  }
0xc4: {  	v12 =	vmul.f32 v12, v12;
	v44 =	vor.u32 $0x28, v4;
	v53 =	vld.idx.msk [tilespmem:v15+s14+$0x0], $0xffff;
	v48 =	vadd.f32 v58, v48  }
0xc5: {  	v45 =	vadd.f32 v45, v46;
	v61 =	vmul.f32 v21, v21;
	v47 =	vadd.f32 v50, v47  }
0xc6: {  	v50 =	vld.idx.msk [tilespmem:v10+s14+$0x0], $0xffff;
	v58 =	vmul.f32 v40, v40;
	v62 =	vmul.f32 v52, v41;
	v48 =	vadd.f32 v59, v48  }
0xc7: {  	v63 =	vmul.f32 v28, v28;
	v45 =	vadd.f32 v60, v45;
	v47 =	vadd.f32 v49, v47;
	v49 =	vld.idx.msk [tilespmem:v33+s14+$0x0], $0xffff  }
0xc8: {  	v10 =	vor.u32 $0x2C, v4;
	v52 =	vmul.f32 v52, v52;
	v28 =	vmul.f32 v1, v28;
	v33 =	vld.idx.msk [tilespmem:v9+s20+$0x0], $0xffff  }
0xc9: {  	v41 =	vld.idx.msk [tilespmem:v44+s20+$0x0], $0xffff;
	v17 =	vmul.f32 v53, v17;
	v48 =	vadd.f32 v61, v48;
	v46 =	vadd.f32 v62, v45  }
0xca: {  	v45 =	vor.u32 $0x2B, v4;
	v47 =	vadd.f32 v55, v47;
	v55 =	vld.idx.msk [tilespmem:v42+s14+$0x0], $0xffff;
	v42 =	vor.u32 $0x2D, v4  }
0xcb: {  	v61 =	vmul.f32 v54, v54;
	v54 =	vld.idx.msk [tilespmem:v8+s14+$0x0], $0xffff;
	v34 =	vmul.f32 v50, v34;
	v48 =	vadd.f32 v63, v48  }
0xcc: {  	v50 =	vmul.f32 v50, v50;
	v46 =	vadd.f32 v22, v46;
	v22 =	vld.idx.msk [tilespmem:v43+s20+$0x0], $0xffff;
	v47 =	vadd.f32 v51, v47  }
0xcd: {  	v51 =	vld.idx.msk [tilespmem:v11+s14+$0x0], $0xffff;
	v11 =	vor.u32 $0x2F, v4;
	v35 =	vmul.f32 v49, v35;
	v60 =	vmul.f32 v33, v33  }
0xce: {  	v49 =	vmul.f32 v49, v49;
	v48 =	vadd.f32 v58, v48;
	v59 =	vmul.f32 v41, v41  }
0xcf: {  	v46 =	vadd.f32 v34, v46;
	v47 =	vadd.f32 v52, v47;
	v52 =	vld.idx.msk [tilespmem:v0+s14+$0x0], $0xffff;
	v16 =	vmul.f32 v55, v16  }
0xd0: {  	v3 =	vor.u32 $0x3E, v4;
	v34 =	vld.idx.msk [tilespmem:v45+s20+$0x0], $0xffff;
	v55 =	vmul.f32 v55, v55;
	v37 =	vmul.f32 v54, v37  }
0xd1: {  	v15 =	vld.idx.msk [tilespmem:v42+s20+$0x0], $0xffff;
	v48 =	vadd.f32 v59, v48;
	v62 =	vadd.f32 v35, v46;
	v46 =	vor.u32 $0x2E, v4  }
0xd2: {  	v35 =	vld.idx.msk [tilespmem:v10+s20+$0x0], $0xffff;
	v0 =	vadd.f32 v61, v47;
	v63 =	vmul.f32 v22, v22;
	v58 =	vmul.f32 v51, v24  }
0xd3: {  	v24 =	vor.u32 $0x30, v4;
	v8 =	vld.idx.msk [tilespmem:v11+s20+$0x0], $0xffff;
	v48 =	vadd.f32 v60, v48;
	v16 =	vadd.f32 v16, v62  }
0xd4: {  	v0 =	vadd.f32 v50, v0;
	v50 =	vld.idx.msk [tilespmem:v32+s14+$0x0], $0xffff;
	v32 =	vor.u32 $0x31, v4;
	v62 =	vmul.f32 v51, v51  }
0xd5: {  	v36 =	vmul.f32 v52, v36;
	v52 =	vmul.f32 v52, v52;
	v60 =	vadd.f32 v58, v16  }
0xd6: {  	v47 =	vadd.f32 v63, v48;
	v59 =	vmul.f32 v34, v34;
	v49 =	vadd.f32 v49, v0  }
0xd7: {  	v0 =	vor.u32 $0x32, v4;
	v63 =	vmul.f32 v15, v15;
	v16 =	vld.idx.msk [tilespmem:v46+s20+$0x0], $0xffff;
	v36 =	vadd.f32 v36, v60  }
0xd8: {  	v61 =	vmul.f32 v35, v35;
	v47 =	vadd.f32 v59, v47;
	v49 =	vadd.f32 v55, v49;
	v55 =	vld.idx.msk [tilespmem:v14+s14+$0x0], $0xffff  }
0xd9: {  	v59 =	vmul.f32 v8, v8;
	v14 =	vadd.f32 v17, v36;
	v17 =	vmul.f32 v50, v25;
	v36 =	vld.idx.msk [tilespmem:v24+s20+$0x0], $0xffff  }
0xda: {  	v60 =	vmul.f32 v53, v53;
	v47 =	vadd.f32 v61, v47;
	v48 =	vadd.f32 v62, v49;
	v49 =	vld.idx.msk [tilespmem:v31+s14+$0x0], $0xffff  }
0xdb: {  	v25 =	vor.u32 $0x33, v4;
	v50 =	vmul.f32 v50, v50;
	v31 =	vadd.f32 v17, v14;
	v17 =	vld.idx.msk [tilespmem:v32+s20+$0x0], $0xffff  }
0xdc: {  	v47 =	vadd.f32 v63, v47;
	v58 =	vmul.f32 v16, v16;
	v48 =	vadd.f32 v52, v48;
	v52 =	vld.idx.msk [tilespmem:v13+s14+$0x0], $0xffff  }
0xdd: {  	v14 =	vor.u32 $0x35, v4;
	v63 =	vmul.f32 v54, v54;
	v18 =	vmul.f32 v55, v18  }
0xde: {  	v47 =	vadd.f32 v58, v47;
	v61 =	vadd.f32 v37, v31;
	v37 =	vor.u32 $0x34, v4;
	v31 =	vld.idx.msk [tilespmem:v0+s20+$0x0], $0xffff  }
0xdf: {  	v48 =	vadd.f32 v60, v48;
	v62 =	vmul.f32 v36, v36;
	v26 =	vmul.f32 v49, v26  }
0xe0: {  	v56 =	vld.idx.msk [tilespmem:v30+s14+$0x0], $0xffff;
	v49 =	vmul.f32 v49, v49;
	v47 =	vadd.f32 v59, v47;
	v13 =	vadd.f32 v18, v61  }
0xe1: {  	v18 =	vld.idx.msk [tilespmem:v25+s20+$0x0], $0xffff;
	v48 =	vadd.f32 v50, v48;
	v60 =	vmul.f32 v17, v17;
	v19 =	vmul.f32 v52, v19  }
0xe2: {  	v53 =	vld.idx.msk [tilespmem:v6+s14+$0x0], $0xffff;
	v51 =	vadd.f32 v62, v47;
	v47 =	vor.u32 $0x36, v4;
	v30 =	vadd.f32 v26, v13  }
0xe3: {  	v48 =	vadd.f32 v63, v48;
	v63 =	vmul.f32 v55, v55;
	v26 =	vld.idx.msk [tilespmem:v37+s20+$0x0], $0xffff;
	v62 =	vmul.f32 v31, v31  }
0xe4: {  	v61 =	vadd.f32 v60, v51;
	v58 =	vadd.f32 v38, v30;
	v38 =	vor.u32 $0x37, v4  }
0xe5: {  	v52 =	vmul.f32 v52, v52;
	v13 =	vor.u32 $0x38, v4;
	v30 =	vld.idx.msk [tilespmem:v14+s20+$0x0], $0xffff;
	v6 =	vadd.f32 v63, v48  }
0xe6: {  	v9 =	vld.idx.msk [tilespmem:v9+s14+$0x0], $0xffff;
	v60 =	vmul.f32 v56, v27;
	v59 =	vmul.f32 v18, v18;
	v50 =	vadd.f32 v62, v61  }
0xe7: {  	v48 =	vor.u32 $0x39, v4;
	v19 =	vadd.f32 v19, v58;
	v6 =	vadd.f32 v49, v6;
	v27 =	vld.idx.msk [tilespmem:v47+s20+$0x0], $0xffff  }
0xe8: {  	v55 =	vld.idx.msk [tilespmem:v29+s14+$0x0], $0xffff;
	v62 =	vmul.f32 v53, v39;
	v50 =	vadd.f32 v59, v50;
	v61 =	vmul.f32 v26, v26  }
0xe9: {  	v39 =	vor.u32 $0x3A, v4;
	v19 =	vadd.f32 v60, v19;
	v7 =	vadd.f32 v7, v6;
	v29 =	vld.idx.msk [tilespmem:v38+s20+$0x0], $0xffff  }
0xea: {  	v44 =	vld.idx.msk [tilespmem:v44+s14+$0x0], $0xffff;
	v6 =	vor.u32 $0x3C, v4;
	v63 =	vmul.f32 v30, v30;
	v50 =	vadd.f32 v61, v50  }
0xeb: {  	v49 =	vld.idx.msk [tilespmem:v13+s20+$0x0], $0xffff;
	v59 =	vmul.f32 v56, v56;
	v19 =	vadd.f32 v62, v19;
	v7 =	vadd.f32 v52, v7  }
0xec: {  	v51 =	vadd.f32 v63, v50;
	v50 =	vor.u32 $0x3B, v4;
	v4 =	vld.idx.msk [tilespmem:v23+s14+$0x0], $0xffff;
	v58 =	vmul.f32 v27, v27  }
0xed: {  	v53 =	vmul.f32 v53, v53;
	v19 =	vadd.f32 v20, v19;
	v23 =	vld.idx.msk [tilespmem:v48+s20+$0x0], $0xffff;
	v20 =	vmul.f32 v55, v21  }
0xee: {  	v43 =	vld.idx.msk [tilespmem:v43+s14+$0x0], $0xffff;
	v7 =	vadd.f32 v59, v7;
	v51 =	vadd.f32 v58, v51;
	v60 =	vmul.f32 v29, v29  }
0xef: {  	v1 =	vmul.f32 v1, v1;
	v33 =	vmul.f32 v9, v33;
	v21 =	vld.idx.msk [tilespmem:v39+s20+$0x0], $0xffff;
	v19 =	vadd.f32 v20, v19  }
0xf0: {  	v10 =	vld.idx.msk [tilespmem:v10+s14+$0x0], $0xffff;
	v61 =	vmul.f32 v49, v49;
	v7 =	vadd.f32 v53, v7;
	v51 =	vadd.f32 v60, v51  }
0xf1: {  	v62 =	vmul.f32 v55, v55;
	v28 =	vadd.f32 v28, v19;
	v20 =	vld.idx.msk [tilespmem:v50+s20+$0x0], $0xffff;
	v40 =	vmul.f32 v4, v40  }
0xf2: {  	v11 =	vld.idx.msk [tilespmem:v11+s14+$0x0], $0xffff;
	v7 =	vadd.f32 v12, v7;
	v63 =	vmul.f32 v23, v23;
	v51 =	vadd.f32 v61, v51  }
0xf3: {  	v9 =	vmul.f32 v9, v9;
	v56 =	vmul.f32 v44, v41;
	v19 =	vld.idx.msk [tilespmem:v6+s20+$0x0], $0xffff;
	v28 =	vadd.f32 v40, v28  }
0xf4: {  	v41 =	vld.idx.msk [tilespmem:v45+s14+$0x0], $0xffff;
	v59 =	vmul.f32 v21, v21;
	v60 =	vadd.f32 v62, v7;
	v58 =	vadd.f32 v63, v51  }
0xf5: {  	v22 =	vmul.f32 v43, v22;
	v12 =	vld.idx.msk [tilespmem:v5+s20+$0x0], $0xffff;
	v4 =	vmul.f32 v4, v4;
	v28 =	vadd.f32 v56, v28  }
0xf6: {  	v53 =	vld.idx.msk [tilespmem:v42+s14+$0x0], $0xffff;
	v63 =	vadd.f32 v1, v60;
	v61 =	vadd.f32 v59, v58;
	v62 =	vmul.f32 v20, v20  }
0xf7: {  	v8 =	vmul.f32 v11, v8;
	v54 =	vmul.f32 v44, v44;
	v7 =	vld.idx.msk [tilespmem:v3+s20+$0x0], $0xffff;
	v28 =	vadd.f32 v33, v28  }
0xf8: {  	v55 =	vmul.f32 v19, v19;
	v56 =	vld.idx.msk [tilespmem:v2+s20+$0x0], $0xffff;
	v4 =	vadd.f32 v4, v63;
	v40 =	vadd.f32 v62, v61  }
0xf9: {  	v11 =	vmul.f32 v11, v11;
	v6 =	vld.idx.msk [tilespmem:v6+s14+$0x0], $0xffff;
	v22 =	vadd.f32 v22, v28;
	v28 =	vmul.f32 v41, v34  }
0xfa: {  	v58 =	vld.idx.msk [tilespmem:v46+s14+$0x0], $0xffff;
	v59 =	vmul.f32 v12, v12;
	v4 =	vadd.f32 v54, v4;
	v40 =	vadd.f32 v55, v40  }
0xfb: {  	v60 =	vmul.f32 v43, v43;
	v22 =	vadd.f32 v28, v22;
	v28 =	vmul.f32 v10, v35  }
0xfc: {  	v61 =	vmul.f32 v7, v7;
	v4 =	vadd.f32 v9, v4;
	v40 =	vadd.f32 v59, v40  }
0xfd: {  	v15 =	vmul.f32 v53, v15;
	v62 =	vmul.f32 v56, v56;
	v9 =	vadd.f32 v28, v22  }
0xfe: {  	v24 =	vld.idx.msk [tilespmem:v24+s14+$0x0], $0xffff;
	v4 =	vadd.f32 v60, v4;
	v22 =	vmul.f32 v41, v41;
	v28 =	vadd.f32 v61, v40  }
0xff: {  	v32 =	vld.idx.msk [tilespmem:v32+s14+$0x0], $0xffff;
	v19 =	vmul.f32 v6, v19;
	v16 =	vmul.f32 v58, v16;
	v15 =	vadd.f32 v15, v9  }
0x100: {  	v5 =	vld.idx.msk [tilespmem:v5+s14+$0x0], $0xffff;
	v10 =	vmul.f32 v10, v10;
	v4 =	vadd.f32 v22, v4;
	v9 =	vadd.f32 v62, v28  }
0x101: {  	v0 =	vld.idx.msk [tilespmem:v0+s14+$0x0], $0xffff;
	v6 =	vmul.f32 v6, v6;
	v33 =	vmul.f32 v53, v53;
	v15 =	vadd.f32 v16, v15  }
0x102: {  	v3 =	vld.idx.msk [tilespmem:v3+s14+$0x0], $0xffff;
	v4 =	vadd.f32 v10, v4;
	v22 =	vshra.s32 v9, $0x1;
	v28 =	vmul.f32 $5.000000000e-01, v9  }
0x103: {  	v16 =	vmul.f32 v24, v36;
	v8 =	vadd.f32 v8, v15;
	v10 =	vsub.s32 $0x5F3759DF, v22  }
0x104: {  	v15 =	vld.idx.msk [tilespmem:v25+s14+$0x0], $0xffff;
	v22 =	vmul.f32 v58, v58;
	v4 =	vadd.f32 v33, v4;
	v25 =	vmul.f32 v10, v28  }
0x105: {  	v12 =	vmul.f32 v5, v12;
	v8 =	vadd.f32 v16, v8;
	v16 =	vmul.f32 v32, v17  }
0x106: {  	v5 =	vmul.f32 v5, v5;
	v17 =	vld.idx.msk [tilespmem:v37+s14+$0x0], $0xffff;
	v4 =	vadd.f32 v22, v4;
	v25 =	vmul.f32 v10, v25  }
0x107: {  	v7 =	vmul.f32 v3, v7;
	v8 =	vadd.f32 v16, v8;
	v16 =	vmul.f32 v0, v31  }
0x108: {  	v14 =	vld.idx.msk [tilespmem:v14+s14+$0x0], $0xffff;
	v22 =	vmul.f32 v24, v24;
	v4 =	vadd.f32 v11, v4;
	v24 =	vsub.f32 $1.500000000e+00, v25  }
0x109: {  	v0 =	vmul.f32 v0, v0;
	v11 =	vmul.f32 v15, v18;
	v8 =	vadd.f32 v16, v8  }
0x10a: {  	v18 =	vld.idx.msk [tilespmem:v47+s14+$0x0], $0xffff;
	v25 =	vmul.f32 v32, v32;
	v4 =	vadd.f32 v22, v4;
	v10 =	vmul.f32 v10, v24  }
0x10b: {  	s28 =	simm.s32 $0x10;
	v15 =	vmul.f32 v15, v15;
	v8 =	vadd.f32 v11, v8;
	v11 =	vmul.f32 v17, v26  }
0x10c: {  	v16 =	vmov s28;
	v22 =	vld.idx.msk [tilespmem:v38+s14+$0x0], $0xffff;
	v25 =	vadd.f32 v25, v4;
	v24 =	vmul.f32 v10, v28  }
0x10d: {  	v16 =	vshll.u32 v16, $0x6;
	v8 =	vadd.f32 v11, v8;
	v11 =	vmul.f32 v14, v30  }
0x10e: {  	v4 =	vor.u32 v57, v16;
	v16 =	vld.idx.msk [tilespmem:v13+s14+$0x0], $0xffff;
	v0 =	vadd.f32 v0, v25;
	v13 =	vmul.f32 v24, v10  }
0x10f: {  	v2 =	vld.idx.msk [tilespmem:v2+s14+$0x0], $0xffff;
	v17 =	vmul.f32 v17, v17;
	v8 =	vadd.f32 v11, v8;
	v11 =	vmul.f32 v18, v27  }
0x110: {  	v0 =	vadd.f32 v15, v0;
	v25 =	vsub.f32 $1.500000000e+00, v13;
	v13 =	vor.u32 $0x1, v4  }
0x111: {  	v3 =	vmul.f32 v3, v3;
	v24 =	vld.idx.msk [tilespmem:v48+s14+$0x0], $0xffff;
	v8 =	vadd.f32 v11, v8;
	v11 =	vmul.f32 v22, v29  }
0x112: {  	v26 =	vmul.f32 v14, v14;
	v14 =	vor.u32 $0x2, v4;
	v27 =	vld.idx.msk [tilespmem:v39+s14+$0x0], $0xffff;
	v0 =	vadd.f32 v17, v0  }
0x113: {  	v63 =	vld.idx.msk [tilespmem:v4+s20+$0x0], $0xffff;
	v10 =	vmul.f32 v25, v10;
	v8 =	vadd.f32 v11, v8;
	v11 =	vmul.f32 v16, v49  }
0x114: {  	v1 =	vmul.f32 v2, v56;
	v15 =	vor.u32 $0x3, v4;
	v29 =	vld.idx.msk [tilespmem:v50+s14+$0x0], $0xffff;
	v17 =	vmul.f32 v18, v18  }
0x115: {  	v25 =	vadd.f32 v26, v0;
	v18 =	vmul.f32 v10, v28;
	v11 =	vadd.f32 v11, v8;
	v8 =	vld.idx.msk [tilespmem:v13+s20+$0x0], $0xffff  }
0x116: {  	v22 =	vmul.f32 v22, v22;
	v23 =	vmul.f32 v24, v23;
	v0 =	vor.u32 $0x4, v4  }
0x117: {  	v26 =	vld.idx.msk [tilespmem:v14+s20+$0x0], $0xffff;
	v16 =	vmul.f32 v16, v16;
	v17 =	vadd.f32 v17, v25;
	v18 =	vmul.f32 v18, v10  }
0x118: {  	v21 =	vmul.f32 v27, v21;
	v25 =	vor.u32 $0x5, v4;
	v11 =	vadd.f32 v23, v11  }
0x119: {  	v30 =	vld.idx.msk [tilespmem:v15+s20+$0x0], $0xffff;
	v20 =	vmul.f32 v29, v20;
	v22 =	vadd.f32 v22, v17;
	v18 =	vsub.f32 $1.500000000e+00, v18  }
0x11a: {  	v23 =	vmul.f32 v63, v63;
	v17 =	vor.u32 $0x6, v4;
	v31 =	vmul.f32 v8, v8  }
0x11b: {  	v21 =	vadd.f32 v21, v11;
	v11 =	vor.u32 $0x7, v4;
	v48 =	vmul.f32 v18, v10;
	v18 =	vld.idx.msk [tilespmem:v0+s20+$0x0], $0xffff  }
0x11c: {  	v10 =	vadd.f32 v16, v22;
	v22 =	vmul.f32 v26, v26;
	v16 =	vadd.f32 v31, v23  }
0x11d: {  	vm0 =	vge.f32 v9, $1.000000020e-24;
	v33 =	vor.u32 $0x8, v4;
	v24 =	vmul.f32 v24, v24;
	v38 =	vld.idx.msk [tilespmem:v25+s20+$0x0], $0xffff  }
0x11e: {  	v20 =	vadd.f32 v20, v21;
	v21 =	vmul.f32 v30, v30;
	v16 =	vadd.f32 v22, v16  }
0x11f: {  	v35 =	vor.u32 $0xE, v4;
	v23 =	vmul.f32 v27, v27;
	v10 =	vadd.f32 v24, v10;
	v43 =	vld.idx.msk [tilespmem:v17+s20+$0x0], $0xffff  }
0x120: {  	v22 =	vor.u32 $0x9, v4;
	v24 =	vmul.f32 v18, v18;
	v16 =	vadd.f32 v21, v16  }
0x121: {  	v27 =	vmul.f32 v48, v28;
	v19 =	vadd.f32 v19, v20;
	v20 =	vmul.f32 v29, v29;
	v34 =	vld.idx.msk [tilespmem:v11+s20+$0x0], $0xffff  }
0x122: {  	v21 =	vor.u32 $0xA, v4;
	v16 =	vadd.f32 v24, v16;
	v24 =	vmul.f32 v38, v38  }
0x123: {  	v44 =	vld.idx.msk [tilespmem:v33+s20+$0x0], $0xffff;
	v27 =	vmul.f32 v27, v48;
	v23 =	vadd.f32 v23, v10;
	v12 =	vadd.f32 v12, v19  }
0x124: {  	v10 =	vor.u32 $0xB, v4;
	v19 =	vmul.f32 v43, v43;
	v16 =	vadd.f32 v24, v16  }
0x125: {  	v20 =	vadd.f32 v20, v23;
	v23 =	vor.u32 $0xC, v4;
	v7 =	vadd.f32 v7, v12;
	v42 =	vld.idx.msk [tilespmem:v22+s20+$0x0], $0xffff  }
0x126: {  	v24 =	vsub.f32 $1.500000000e+00, v27;
	v27 =	vmul.f32 v34, v34;
	v19 =	vadd.f32 v19, v16  }
0x127: {  	v6 =	vadd.f32 v6, v20;
	v20 =	vor.u32 $0x10, v4;
	v45 =	vld.idx.msk [tilespmem:v21+s20+$0x0], $0xffff;
	v16 =	vor.u32 $0xD, v4  }
0x128: {  	v46 =	vld.idx.msk [tilespmem:v35+s20+$0x0], $0xffff;
	v24 =	vmul.f32 v24, v48;
	v12 =	vadd.f32 v27, v19;
	v19 =	vmul.f32 v44, v44  }
0x129: {  	v47 =	vld.idx.msk [tilespmem:v10+s20+$0x0], $0xffff;
	v1 =	vadd.f32 v1, v7;
	v7 =	vor.u32 $0x11, v4;
	v5 =	vadd.f32 v5, v6  }
0x12a: {  	v41 =	vld.idx.msk [tilespmem:v23+s20+$0x0], $0xffff;
	v27 =	vnsel vm0, $0x5368D4A5, v24;
	v12 =	vadd.f32 v19, v12;
	v19 =	vmul.f32 v42, v42  }
0x12b: {  	v1 =	vadd.f32 v1, v1;
	v48 =	vld.idx.msk [tilespmem:v13+s14+$0x0], $0xffff;
	v24 =	vor.u32 $0xF, v4;
	v50 =	vmul.f32 v27, v9  }
0x12c: {  	v2 =	vmul.f32 v2, v2;
	v32 =	vld.idx.msk [tilespmem:v20+s20+$0x0], $0xffff;
	v49 =	vadd.f32 v19, v12;
	v12 =	vmul.f32 v45, v45  }
0x12d: {  	v37 =	vor.u32 $0x12, v4;
	v3 =	vadd.f32 v3, v5;
	v40 =	vld.idx.msk [tilespmem:v16+s20+$0x0], $0xffff;
	v1 =	vsub.f32 v50, v1  }
0x12e: {  	v55 =	vmul.f32 v46, v46;
	v31 =	vld.idx.msk [tilespmem:v7+s20+$0x0], $0xffff;
	v9 =	vadd.f32 v12, v49;
	v12 =	vmul.f32 v47, v47  }
0x12f: {  	v29 =	vor.u32 $0x16, v4;
	v2 =	vadd.f32 v2, v3;
	v50 =	vld.idx.msk [tilespmem:v15+s14+$0x0], $0xffff;
	v1 =	vmul.f32 v1, v27  }
0x130: {  	v6 =	vor.u32 $0x14, v4;
	v52 =	vmul.f32 v41, v41;
	v36 =	vld.idx.msk [tilespmem:v24+s20+$0x0], $0xffff;
	v51 =	vadd.f32 v12, v9  }
0x131: {  	v13 =	vor.u32 $0x15, v4;
	v15 =	vor.u32 $0x17, v4;
	v1 =	vadd.f32 v1, v2;
	v9 =	vld.idx.msk [tilespmem:v4+s14+$0x0], $0xffff  }
0x132: {  	v8 =	vmul.f32 v48, v8;
	v54 =	vmul.f32 v40, v40;
	v53 =	vadd.f32 v52, v51;
	v51 =	vld.idx.msk [tilespmem:v14+s14+$0x0], $0xffff  }
0x133: {  	v48 =	vmul.f32 v48, v48;
	v12 =	vor.u32 $0x13, v4;
	v2 =	vmax.f32 v1, $0.0e+00  }
0x134: {  	v59 =	vmul.f32 v32, v32;
	v27 =	vld.idx.msk [tilespmem:v37+s20+$0x0], $0xffff;
	v19 =	vshra.s32 v2, $0x1;
	v3 =	vadd.f32 v54, v53  }
0x135: {  	v62 =	vmul.f32 v31, v31;
	v58 =	vmul.f32 v36, v36;
	v60 =	vsub.s32 $0x5F3759DF, v19  }
0x136: {  	v54 =	vld.idx.msk [tilespmem:v17+s14+$0x0], $0xffff;
	v14 =	vmul.f32 v9, v63;
	v9 =	vmul.f32 v9, v9;
	v56 =	vadd.f32 v55, v3  }
0x137: {  	v3 =	vmul.f32 $5.000000000e-01, v2;
	v55 =	vld.idx.msk [tilespmem:v0+s14+$0x0], $0xffff;
	v0 =	vor.u32 $0x1B, v4;
	v26 =	vmul.f32 v51, v26  }
0x138: {  	v19 =	vld.idx.msk [tilespmem:v12+s20+$0x0], $0xffff;
	v51 =	vmul.f32 v51, v51;
	v9 =	vadd.f32 v48, v9;
	v1 =	vadd.f32 v58, v56  }
0x139: {  	v28 =	vld.idx.msk [tilespmem:v6+s20+$0x0], $0xffff;
	v61 =	vmul.f32 v60, v3;
	v56 =	vmul.f32 v27, v27;
	v58 =	vadd.f32 $0.0e+00, v14  }
0x13a: {  	v14 =	vor.u32 $0x18, v4;
	v9 =	vadd.f32 v51, v9;
	v1 =	vadd.f32 v59, v1  }
0x13b: {  	v51 =	vld.idx.msk [tilespmem:v33+s14+$0x0], $0xffff;
	v43 =	vmul.f32 v54, v43;
	v63 =	vmul.f32 v60, v61;
	v53 =	vadd.f32 v8, v58  }
0x13c: {  	v8 =	vld.idx.msk [tilespmem:v29+s20+$0x0], $0xffff;
	v5 =	vadd.f32 v62, v1;
	v62 =	vmul.f32 v50, v30;
	v50 =	vmul.f32 v50, v50  }
0x13d: {  	v54 =	vmul.f32 v54, v54;
	v59 =	vmul.f32 v19, v19;
	v1 =	vld.idx.msk [tilespmem:v13+s20+$0x0], $0xffff;
	v39 =	vsub.f32 $1.500000000e+00, v63  }
0x13e: {  	v61 =	vmul.f32 v28, v28;
	v52 =	vadd.f32 v56, v5;
	v9 =	vadd.f32 v50, v9;
	v50 =	vld.idx.msk [tilespmem:v22+s14+$0x0], $0xffff  }
0x13f: {  	v18 =	vmul.f32 v55, v18;
	v30 =	vor.u32 $0x19, v4;
	v5 =	vmul.f32 v60, v39;
	v56 =	vld.idx.msk [tilespmem:v21+s14+$0x0], $0xffff  }
0x140: {  	v22 =	vmul.f32 v55, v55;
	v44 =	vmul.f32 v51, v44;
	v60 =	vadd.f32 v59, v52;
	v52 =	vld.idx.msk [tilespmem:v25+s14+$0x0], $0xffff  }
0x141: {  	v21 =	vor.u32 $0x1F, v4;
	v51 =	vmul.f32 v51, v51;
	v25 =	vadd.f32 v26, v53;
	v26 =	vld.idx.msk [tilespmem:v15+s20+$0x0], $0xffff  }
0x142: {  	v55 =	vld.idx.msk [tilespmem:v16+s14+$0x0], $0xffff;
	v16 =	vor.u32 $0x22, v4;
	v63 =	vmul.f32 v1, v1;
	v39 =	vadd.f32 v61, v60  }
0x143: {  	v58 =	vmul.f32 v8, v8;
	v53 =	vld.idx.msk [tilespmem:v11+s14+$0x0], $0xffff;
	v17 =	vadd.f32 v62, v25;
	v25 =	vor.u32 $0x1A, v4  }
0x144: {  	v9 =	vadd.f32 v22, v9;
	v42 =	vmul.f32 v50, v42;
	v49 =	vadd.f32 v63, v39;
	v39 =	vld.idx.msk [tilespmem:v14+s20+$0x0], $0xffff  }
0x145: {  	v45 =	vmul.f32 v56, v45;
	v11 =	vadd.f32 v18, v17;
	v18 =	vld.idx.msk [tilespmem:v30+s20+$0x0], $0xffff;
	v38 =	vmul.f32 v52, v38  }
0x146: {  	v17 =	vor.u32 $0x1C, v4;
	v59 =	vmul.f32 v26, v26;
	v62 =	vmul.f32 v52, v52;
	v52 =	vld.idx.msk [tilespmem:v24+s14+$0x0], $0xffff  }
0x147: {  	v24 =	vmul.f32 v56, v56;
	v56 =	vld.idx.msk [tilespmem:v20+s14+$0x0], $0xffff;
	v48 =	vadd.f32 v58, v49;
	v38 =	vadd.f32 v38, v11  }
0x148: {  	v50 =	vmul.f32 v50, v50;
	v34 =	vmul.f32 v53, v34;
	v33 =	vld.idx.msk [tilespmem:v25+s20+$0x0], $0xffff;
	v9 =	vadd.f32 v62, v9  }
0x149: {  	v48 =	vadd.f32 v59, v48;
	v60 =	vmul.f32 v39, v39;
	v61 =	vadd.f32 v43, v38;
	v43 =	vld.idx.msk [tilespmem:v0+s20+$0x0], $0xffff  }
0x14a: {  	v38 =	vor.u32 $0x1D, v4;
	v9 =	vadd.f32 v54, v9;
	v54 =	vld.idx.msk [tilespmem:v23+s14+$0x0], $0xffff;
	v23 =	vmul.f32 v53, v53  }
0x14b: {  	v49 =	vld.idx.msk [tilespmem:v10+s14+$0x0], $0xffff;
	v11 =	vor.u32 $0x1E, v4;
	v63 =	vmul.f32 v18, v18;
	v48 =	vadd.f32 v60, v48  }
0x14c: {  	v40 =	vmul.f32 v55, v40;
	v22 =	vld.idx.msk [tilespmem:v17+s20+$0x0], $0xffff;
	v34 =	vadd.f32 v34, v61;
	v9 =	vadd.f32 v23, v9  }
0x14d: {  	v20 =	vor.u32 $0x25, v4;
	v59 =	vmul.f32 v33, v33;
	v48 =	vadd.f32 v63, v48  }
0x14e: {  	v10 =	vor.u32 $0x21, v4;
	v44 =	vadd.f32 v44, v34;
	v9 =	vadd.f32 v51, v9;
	v51 =	vld.idx.msk [tilespmem:v35+s14+$0x0], $0xffff  }
0x14f: {  	v32 =	vmul.f32 v56, v32;
	v34 =	vld.idx.msk [tilespmem:v38+s20+$0x0], $0xffff;
	v60 =	vmul.f32 v43, v43;
	v48 =	vadd.f32 v59, v48  }
0x150: {  	v47 =	vmul.f32 v49, v47;
	v61 =	vadd.f32 v42, v44;
	v42 =	vor.u32 $0x20, v4;
	v44 =	vld.idx.msk [tilespmem:v11+s20+$0x0], $0xffff  }
0x151: {  	v62 =	vmul.f32 v22, v22;
	v41 =	vmul.f32 v54, v41;
	v11 =	vld.idx.msk [tilespmem:v11+s14+$0x0], $0xffff;
	v48 =	vadd.f32 v60, v48  }
0x152: {  	v23 =	vld.idx.msk [tilespmem:v21+s20+$0x0], $0xffff;
	v50 =	vadd.f32 v50, v9;
	v9 =	vor.u32 $0x24, v4;
	v45 =	vadd.f32 v45, v61  }
0x153: {  	v61 =	vmul.f32 v49, v49;
	v49 =	vld.idx.msk [tilespmem:v7+s14+$0x0], $0xffff;
	v7 =	vor.u32 $0x27, v4;
	v48 =	vadd.f32 v62, v48  }
0x154: {  	v46 =	vmul.f32 v51, v46;
	v45 =	vadd.f32 v47, v45;
	v62 =	vadd.f32 v24, v50;
	v50 =	vld.idx.msk [tilespmem:v6+s14+$0x0], $0xffff  }
0x155: {  	v63 =	vmul.f32 v34, v34;
	v6 =	vor.u32 $0x2A, v4;
	v35 =	vld.idx.msk [tilespmem:v42+s20+$0x0], $0xffff;
	v59 =	vmul.f32 v44, v44  }
0x156: {  	v44 =	vmul.f32 v11, v44;
	v11 =	vmul.f32 v11, v11;
	v60 =	vadd.f32 v41, v45;
	v45 =	vld.idx.msk [tilespmem:v10+s20+$0x0], $0xffff  }
0x157: {  	v58 =	vadd.f32 v63, v48;
	v48 =	vadd.f32 v61, v62;
	v62 =	vmul.f32 v55, v55;
	v55 =	vld.idx.msk [tilespmem:v12+s14+$0x0], $0xffff  }
0x158: {  	v41 =	vor.u32 $0x23, v4;
	v63 =	vmul.f32 v23, v23;
	v12 =	vor.u32 $0x28, v4;
	v10 =	vld.idx.msk [tilespmem:v10+s14+$0x0], $0xffff  }
0x159: {  	v31 =	vmul.f32 v49, v31;
	v49 =	vmul.f32 v49, v49;
	v47 =	vadd.f32 v59, v58  }
0x15a: {  	v24 =	vld.idx.msk [tilespmem:v16+s20+$0x0], $0xffff;
	v40 =	vadd.f32 v40, v60;
	v58 =	vmul.f32 v54, v54;
	v60 =	vmul.f32 v52, v36  }
0x15b: {  	v52 =	vmul.f32 v52, v52;
	v54 =	vld.idx.msk [tilespmem:v29+s14+$0x0], $0xffff;
	v47 =	vadd.f32 v63, v47;
	v59 =	vmul.f32 v35, v35  }
0x15c: {  	v53 =	vld.idx.msk [tilespmem:v37+s14+$0x0], $0xffff;
	v48 =	vadd.f32 v58, v48;
	v58 =	vmul.f32 v51, v51;
	v61 =	vmul.f32 v45, v45  }
0x15d: {  	v40 =	vadd.f32 v46, v40;
	v36 =	vld.idx.msk [tilespmem:v41+s20+$0x0], $0xffff;
	v19 =	vmul.f32 v55, v19;
	v45 =	vmul.f32 v10, v45  }
0x15e: {  	v37 =	vld.idx.msk [tilespmem:v20+s20+$0x0], $0xffff;
	v10 =	vmul.f32 v10, v10;
	v47 =	vadd.f32 v59, v47;
	v48 =	vadd.f32 v62, v48  }
0x15f: {  	v46 =	vld.idx.msk [tilespmem:v9+s20+$0x0], $0xffff;
	v63 =	vadd.f32 v60, v40;
	v40 =	vor.u32 $0x26, v4;
	v59 =	vmul.f32 v24, v24  }
0x160: {  	v51 =	vld.idx.msk [tilespmem:v30+s14+$0x0], $0xffff;
	v8 =	vmul.f32 v54, v8;
	v47 =	vadd.f32 v61, v47;
	v48 =	vadd.f32 v58, v48  }
0x161: {  	v32 =	vadd.f32 v32, v63;
	v61 =	vmul.f32 v53, v27;
	v63 =	vmul.f32 v56, v56;
	v56 =	vld.idx.msk [tilespmem:v16+s14+$0x0], $0xffff  }
0x162: {  	v47 =	vadd.f32 v59, v47;
	v60 =	vmul.f32 v36, v36;
	v48 =	vadd.f32 v52, v48;
	v52 =	vld.idx.msk [tilespmem:v13+s14+$0x0], $0xffff  }
0x163: {  	v58 =	vmul.f32 v37, v37;
	v53 =	vmul.f32 v53, v53;
	v31 =	vadd.f32 v31, v32;
	v13 =	vld.idx.msk [tilespmem:v7+s20+$0x0], $0xffff  }
0x164: {  	v62 =	vmul.f32 v46, v46;
	v32 =	vor.u32 $0x29, v4;
	v27 =	vld.idx.msk [tilespmem:v40+s20+$0x0], $0xffff;
	v47 =	vadd.f32 v60, v47  }
0x165: {  	v18 =	vmul.f32 v51, v18;
	v31 =	vadd.f32 v61, v31;
	v48 =	vadd.f32 v63, v48  }
0x166: {  	v51 =	vmul.f32 v51, v51;
	v24 =	vmul.f32 v56, v24;
	v47 =	vadd.f32 v62, v47  }
0x167: {  	v29 =	vadd.f32 v19, v31;
	v31 =	vmul.f32 v50, v28;
	v28 =	vld.idx.msk [tilespmem:v12+s20+$0x0], $0xffff;
	v48 =	vadd.f32 v49, v48  }
0x168: {  	v19 =	vor.u32 $0x2B, v4;
	v49 =	vld.idx.msk [tilespmem:v15+s14+$0x0], $0xffff;
	v50 =	vmul.f32 v50, v50;
	v60 =	vmul.f32 v13, v13  }
0x169: {  	v47 =	vadd.f32 v58, v47;
	v59 =	vmul.f32 v27, v27;
	v15 =	vadd.f32 v31, v29;
	v29 =	vld.idx.msk [tilespmem:v32+s20+$0x0], $0xffff  }
0x16a: {  	v31 =	vmul.f32 v52, v1;
	v48 =	vadd.f32 v53, v48;
	v53 =	vld.idx.msk [tilespmem:v14+s14+$0x0], $0xffff;
	v14 =	vmul.f32 v55, v55  }
0x16b: {  	v1 =	vor.u32 $0x2D, v4;
	v52 =	vmul.f32 v52, v52;
	v47 =	vadd.f32 v59, v47  }
0x16c: {  	v0 =	vld.idx.msk [tilespmem:v0+s14+$0x0], $0xffff;
	v61 =	vadd.f32 v31, v15;
	v31 =	vor.u32 $0x2C, v4;
	v14 =	vadd.f32 v14, v48  }
0x16d: {  	v15 =	vld.idx.msk [tilespmem:v6+s20+$0x0], $0xffff;
	v59 =	vmul.f32 v54, v54;
	v62 =	vmul.f32 v28, v28;
	v47 =	vadd.f32 v60, v47  }
0x16e: {  	v55 =	vld.idx.msk [tilespmem:v25+s14+$0x0], $0xffff;
	v26 =	vmul.f32 v49, v26;
	v8 =	vadd.f32 v8, v61;
	v50 =	vadd.f32 v50, v14  }
0x16f: {  	v30 =	vld.idx.msk [tilespmem:v19+s20+$0x0], $0xffff;
	v14 =	vor.u32 $0x2E, v4;
	v61 =	vmul.f32 v49, v49;
	v63 =	vmul.f32 v29, v29  }
0x170: {  	v49 =	vld.idx.msk [tilespmem:v38+s14+$0x0], $0xffff;
	v39 =	vmul.f32 v53, v39;
	v47 =	vadd.f32 v62, v47;
	v26 =	vadd.f32 v26, v8  }
0x171: {  	v38 =	vor.u32 $0x32, v4;
	v53 =	vmul.f32 v53, v53;
	v50 =	vadd.f32 v52, v50;
	v52 =	vld.idx.msk [tilespmem:v17+s14+$0x0], $0xffff  }
0x172: {  	v25 =	vld.idx.msk [tilespmem:v31+s20+$0x0], $0xffff;
	v58 =	vmul.f32 v15, v15;
	v47 =	vadd.f32 v63, v47;
	v60 =	vadd.f32 v39, v26  }
0x173: {  	v8 =	vor.u32 $0x30, v4;
	v31 =	vld.idx.msk [tilespmem:v31+s14+$0x0], $0xffff;
	v39 =	vor.u32 $0x2F, v4;
	v62 =	vadd.f32 v59, v50  }
0x174: {  	v26 =	vld.idx.msk [tilespmem:v1+s20+$0x0], $0xffff;
	v63 =	vmul.f32 v30, v30;
	v47 =	vadd.f32 v58, v47;
	v17 =	vadd.f32 v18, v60  }
0x175: {  	v1 =	vld.idx.msk [tilespmem:v1+s14+$0x0], $0xffff;
	v58 =	vmul.f32 v55, v33;
	v48 =	vadd.f32 v61, v62;
	v60 =	vmul.f32 v0, v43  }
0x176: {  	v33 =	vld.idx.msk [tilespmem:v14+s20+$0x0], $0xffff;
	v18 =	vor.u32 $0x31, v4;
	v0 =	vmul.f32 v0, v0;
	v22 =	vmul.f32 v52, v22  }
0x177: {  	v52 =	vmul.f32 v52, v52;
	v47 =	vadd.f32 v63, v47;
	v59 =	vmul.f32 v25, v25  }
0x178: {  	v17 =	vadd.f32 v58, v17;
	v48 =	vadd.f32 v53, v48;
	v63 =	vmul.f32 v55, v55;
	v55 =	vld.idx.msk [tilespmem:v21+s14+$0x0], $0xffff  }
0x179: {  	v25 =	vmul.f32 v31, v25;
	v43 =	vld.idx.msk [tilespmem:v39+s20+$0x0], $0xffff;
	v61 =	vmul.f32 v26, v26;
	v47 =	vadd.f32 v59, v47  }
0x17a: {  	v53 =	vld.idx.msk [tilespmem:v12+s14+$0x0], $0xffff;
	v26 =	vmul.f32 v1, v26;
	v62 =	vadd.f32 v60, v17;
	v48 =	vadd.f32 v51, v48  }
0x17b: {  	v17 =	vor.u32 $0x33, v4;
	v51 =	vld.idx.msk [tilespmem:v41+s14+$0x0], $0xffff;
	v58 =	vmul.f32 v33, v33;
	v50 =	vadd.f32 v61, v47  }
0x17c: {  	v54 =	vld.idx.msk [tilespmem:v42+s14+$0x0], $0xffff;
	v21 =	vadd.f32 v22, v62;
	v22 =	vmul.f32 v49, v34;
	v60 =	vadd.f32 v63, v48  }
0x17d: {  	v47 =	vld.idx.msk [tilespmem:v8+s20+$0x0], $0xffff;
	v48 =	vor.u32 $0x34, v4;
	v63 =	vmul.f32 v49, v49;
	v23 =	vmul.f32 v55, v23  }
0x17e: {  	v34 =	vld.idx.msk [tilespmem:v18+s20+$0x0], $0xffff;
	v50 =	vadd.f32 v58, v50;
	v59 =	vmul.f32 v43, v43;
	v21 =	vadd.f32 v22, v21  }
0x17f: {  	v42 =	vld.idx.msk [tilespmem:v38+s20+$0x0], $0xffff;
	v28 =	vmul.f32 v53, v28;
	v0 =	vadd.f32 v0, v60;
	v22 =	vor.u32 $0x35, v4  }
0x180: {  	v36 =	vmul.f32 v51, v36;
	v50 =	vadd.f32 v59, v50;
	v62 =	vadd.f32 v44, v21;
	v44 =	vld.idx.msk [tilespmem:v17+s20+$0x0], $0xffff  }
0x181: {  	v21 =	vor.u32 $0x36, v4;
	v0 =	vadd.f32 v52, v0;
	v59 =	vmul.f32 v54, v54;
	v52 =	vld.idx.msk [tilespmem:v40+s14+$0x0], $0xffff  }
0x182: {  	v61 =	vmul.f32 v47, v47;
	v49 =	vld.idx.msk [tilespmem:v48+s20+$0x0], $0xffff;
	v16 =	vadd.f32 v23, v62;
	v23 =	vmul.f32 v54, v35  }
0x183: {  	v40 =	vor.u32 $0x3B, v4;
	v60 =	vmul.f32 v34, v34;
	v0 =	vadd.f32 v63, v0;
	v54 =	vld.idx.msk [tilespmem:v20+s14+$0x0], $0xffff  }
0x184: {  	v35 =	vor.u32 $0x37, v4;
	v50 =	vadd.f32 v61, v50;
	v62 =	vadd.f32 v23, v16;
	v23 =	vld.idx.msk [tilespmem:v22+s20+$0x0], $0xffff  }
0x185: {  	v61 =	vmul.f32 v42, v42;
	v0 =	vadd.f32 v11, v0;
	v11 =	vld.idx.msk [tilespmem:v9+s14+$0x0], $0xffff;
	v9 =	vmul.f32 v55, v55  }
0x186: {  	v16 =	vor.u32 $0x39, v4;
	v50 =	vadd.f32 v60, v50;
	v63 =	vmul.f32 v44, v44  }
0x187: {  	v55 =	vld.idx.msk [tilespmem:v7+s14+$0x0], $0xffff;
	v58 =	vadd.f32 v45, v62;
	v45 =	vor.u32 $0x38, v4;
	v0 =	vadd.f32 v9, v0  }
0x188: {  	v41 =	vld.idx.msk [tilespmem:v21+s20+$0x0], $0xffff;
	v12 =	vmul.f32 v52, v27;
	v9 =	vmul.f32 v49, v49;
	v50 =	vadd.f32 v61, v50  }
0x189: {  	v20 =	vadd.f32 v24, v58;
	v0 =	vadd.f32 v59, v0;
	v58 =	vmul.f32 v56, v56  }
0x18a: {  	v24 =	vld.idx.msk [tilespmem:v35+s20+$0x0], $0xffff;
	v59 =	vmul.f32 v54, v37;
	v50 =	vadd.f32 v63, v50;
	v60 =	vmul.f32 v23, v23  }
0x18b: {  	v61 =	vmul.f32 v11, v46;
	v11 =	vmul.f32 v11, v11;
	v20 =	vadd.f32 v36, v20  }
0x18c: {  	v13 =	vmul.f32 v55, v13;
	v10 =	vadd.f32 v10, v0;
	v50 =	vadd.f32 v9, v50;
	v36 =	vld.idx.msk [tilespmem:v45+s20+$0x0], $0xffff  }
0x18d: {  	v63 =	vmul.f32 v41, v41;
	v9 =	vor.u32 $0x3A, v4;
	v20 =	vadd.f32 v61, v20  }
0x18e: {  	v37 =	vld.idx.msk [tilespmem:v16+s20+$0x0], $0xffff;
	v0 =	vor.u32 $0x3F, v4;
	v10 =	vadd.f32 v58, v10;
	v62 =	vadd.f32 v60, v50  }
0x18f: {  	v58 =	vld.idx.msk [tilespmem:v6+s14+$0x0], $0xffff;
	v60 =	vmul.f32 v51, v51;
	v61 =	vmul.f32 v24, v24;
	v7 =	vadd.f32 v59, v20  }
0x190: {  	v20 =	vor.u32 $0x3C, v4;
	v46 =	vadd.f32 v63, v62;
	v63 =	vmul.f32 v54, v54  }
0x191: {  	v51 =	vld.idx.msk [tilespmem:v32+s14+$0x0], $0xffff;
	v10 =	vadd.f32 v60, v10;
	v60 =	vmul.f32 v52, v52;
	v62 =	vmul.f32 v36, v36  }
0x192: {  	v27 =	vld.idx.msk [tilespmem:v9+s20+$0x0], $0xffff;
	v12 =	vadd.f32 v12, v7;
	v7 =	vor.u32 $0x3E, v4;
	v4 =	vor.u32 $0x3D, v4  }
0x193: {  	v32 =	vld.idx.msk [tilespmem:v40+s20+$0x0], $0xffff;
	v46 =	vadd.f32 v61, v46;
	v10 =	vadd.f32 v11, v10;
	v11 =	vmul.f32 v37, v37  }
0x194: {  	v15 =	vmul.f32 v58, v15;
	v12 =	vadd.f32 v13, v12;
	v13 =	vmul.f32 v5, v3  }
0x195: {  	v19 =	vld.idx.msk [tilespmem:v19+s14+$0x0], $0xffff;
	v46 =	vadd.f32 v62, v46;
	v10 =	vadd.f32 v63, v10;
	v62 =	vmul.f32 v55, v55  }
0x196: {  	v6 =	vld.idx.msk [tilespmem:v20+s20+$0x0], $0xffff;
	v12 =	vadd.f32 v28, v12;
	v28 =	vmul.f32 v51, v29;
	v29 =	vmul.f32 v13, v5  }
0x197: {  	v11 =	vadd.f32 v11, v46;
	v59 =	vmul.f32 v27, v27;
	v10 =	vadd.f32 v60, v10  }
0x198: {  	v61 =	vmul.f32 v32, v32;
	v13 =	vld.idx.msk [tilespmem:v4+s20+$0x0], $0xffff;
	v28 =	vadd.f32 v28, v12;
	v29 =	vsub.f32 $1.500000000e+00, v29  }
0x199: {  	v63 =	vmul.f32 v53, v53;
	v11 =	vadd.f32 v59, v11;
	v50 =	vadd.f32 v62, v10  }
0x19a: {  	v12 =	vld.idx.msk [tilespmem:v7+s20+$0x0], $0xffff;
	v5 =	vmul.f32 v29, v5;
	v15 =	vadd.f32 v15, v28;
	v28 =	vmul.f32 v19, v30  }
0x19b: {  	v14 =	vld.idx.msk [tilespmem:v14+s14+$0x0], $0xffff;
	v51 =	vmul.f32 v51, v51;
	v10 =	vmul.f32 v6, v6;
	v11 =	vadd.f32 v61, v11  }
0x19c: {  	v8 =	vld.idx.msk [tilespmem:v8+s14+$0x0], $0xffff;
	v29 =	vadd.f32 v63, v50;
	v15 =	vadd.f32 v28, v15;
	v28 =	vmul.f32 v5, v3  }
0x19d: {  	v1 =	vmul.f32 v1, v1;
	v30 =	vmul.f32 v13, v13;
	v11 =	vadd.f32 v10, v11;
	v10 =	vld.idx.msk [tilespmem:v0+s20+$0x0], $0xffff  }
0x19e: {  	v52 =	vmul.f32 v58, v58;
	v29 =	vadd.f32 v51, v29;
	v28 =	vmul.f32 v28, v5  }
0x19f: {  	v39 =	vld.idx.msk [tilespmem:v39+s14+$0x0], $0xffff;
	v15 =	vadd.f32 v25, v15;
	v11 =	vadd.f32 v30, v11;
	v30 =	vmul.f32 v12, v12  }
0x1a0: {  	v19 =	vmul.f32 v19, v19;
	v25 =	vld [tilespmem:s26+$0x0];
	v29 =	vadd.f32 v52, v29;
	v28 =	vsub.f32 $1.500000000e+00, v28  }
0x1a1: {  	v15 =	vadd.f32 v26, v15;
	v11 =	vadd.f32 v30, v11;
	v30 =	vmul.f32 v14, v33  }
0x1a2: {  	v19 =	vadd.f32 v19, v29;
	v29 =	vmul.f32 v8, v47;
	v26 =	vmul.f32 v10, v10  }
0x1a3: {  	vm15 =	vge.f32 v2, $1.000000000e-30;
	v18 =	vld.idx.msk [tilespmem:v18+s14+$0x0], $0xffff;
	v5 =	vmul.f32 v28, v5;
	v28 =	vmul.f32 v31, v31  }
0x1a4: {  	v15 =	vadd.f32 v30, v15;
	v11 =	vadd.f32 v26, v11;
	v26 =	vmul.f32 v39, v43  }
0x1a5: {  	v14 =	vmul.f32 v14, v14;
	(erf) = vrcp.f32 v25;
	v25 =	vld.idx.msk [tilespmem:v38+s14+$0x0], $0xffff;
	v19 =	vadd.f32 v28, v19  }
0x1a6: {  	v28 =	vshra.s32 v11, $0x1;
	v26 =	vadd.f32 v26, v15;
	v15 =	vmul.f32 $5.000000000e-01, v11  }
0x1a7: {  	v17 =	vld.idx.msk [tilespmem:v17+s14+$0x0], $0xffff;
	v3 =	vmul.f32 v5, v3;
	v1 =	vadd.f32 v1, v19;
	v28 =	vsub.s32 $0x5F3759DF, v28  }
0x1a8: {  	v19 =	vmul.f32 v28, v15;
	v26 =	vadd.f32 v29, v26;
	v29 =	vmul.f32 v18, v34  }
0x1a9: {  	v30 =	vmul.f32 v39, v39;
	v3 =	vmul.f32 v3, v5;
	v1 =	vadd.f32 v14, v1;
	v14 =	vld.idx.msk [tilespmem:v48+s14+$0x0], $0xffff  }
0x1aa: {  	v19 =	vmul.f32 v28, v19;
	v26 =	vadd.f32 v29, v26;
	v29 =	vmul.f32 v25, v42  }
0x1ab: {  	v22 =	vld.idx.msk [tilespmem:v22+s14+$0x0], $0xffff;
	v8 =	vmul.f32 v8, v8;
	v3 =	vsub.f32 $1.500000000e+00, v3;
	v1 =	vadd.f32 v30, v1  }
0x1ac: {  	v19 =	vsub.f32 $1.500000000e+00, v19;
	v53 =	vadd.f32 v29, v26;
	v26 =	vmul.f32 v17, v44  }
0x1ad: {  	v3 =	vmul.f32 v3, v5;
	v1 =	vadd.f32 v8, v1;
	v8 =	vmul.f32 v18, v18  }
0x1ae: {  	v18 =	vld.idx.msk [tilespmem:v21+s14+$0x0], $0xffff;
	v21 =	vmul.f32 v14, v49;
	v19 =	vmul.f32 v28, v19;
	v5 =	vadd.f32 v26, v53  }
0x1af: {  	v54 =	vmul.f32 v25, v25;
	v3 =	vmul.f32 v3, v2;
	v1 =	vadd.f32 v8, v1  }
0x1b0: {  	v23 =	vmul.f32 v22, v23;
	v8 =	vld.idx.msk [tilespmem:v35+s14+$0x0], $0xffff;
	v5 =	vadd.f32 v21, v5;
	v21 =	vmul.f32 v19, v15  }
0x1b1: {  	v56 =	vld.idx.msk [tilespmem:v45+s14+$0x0], $0xffff;
	v55 =	vpop (erf);
	v17 =	vmul.f32 v17, v17;
	v3 =	vnsel vm15, $0x0, v3;
	v1 =	vadd.f32 v54, v1  }
0x1b2: {  	v2 =	vmul.f32 v3, v55;
	v21 =	vmul.f32 v21, v19;
	v5 =	vadd.f32 v23, v5  }
0x1b3: {  	v59 =	vld.idx.msk [tilespmem:v16+s14+$0x0], $0xffff;
	v23 =	vmul.f32 v18, v41;
	v1 =	vadd.f32 v17, v1;
	v17 =	vimm.f32 $0.0e+00  }
0x1b4: {  	v14 =	vmul.f32 v14, v14;
	v2 =	vadd.f32 v2, v17  }
0x1b5: {  	v16 =	vmul.f32 v8, v24;
	v21 =	vsub.f32 $1.500000000e+00, v21;
	v58 =	vadd.f32 v23, v5  }
0x1b6: {  	s28 =	simm.s32 $0x20;
	v25 =	vld.idx.msk [tilespmem:v9+s14+$0x0], $0xffff;
	v9 =	vmul.f32 v56, v36;
	v1 =	vadd.f32 v14, v1;
	v14 =	vmul.f32 v22, v22  }
0x1b7: {  	[tilespmem:$0x1FF70] =	vst v2;
	v19 =	vmul.f32 v21, v19;
	v2 =	vadd.f32 v16, v58;
	v16 =	vmov s28  }
0x1b8: {  	v29 =	vmul.f32 v59, v59;
	v21 =	vmul.f32 v18, v18;
	v16 =	vshll.u32 v16, $0x6  }
0x1b9: {  	v1 =	vadd.f32 v14, v1;
	v17 =	vor.u32 v57, v16;
	v14 =	vmul.f32 v19, v15  }
0x1ba: {  	v24 =	vld.idx.msk [tilespmem:v40+s14+$0x0], $0xffff;
	v2 =	vadd.f32 v9, v2;
	v9 =	vmul.f32 v59, v37;
	v16 =	vor.u32 $0x3E, v17  }
0x1bb: {  	v60 =	vld.idx.msk [tilespmem:v20+s14+$0x0], $0xffff;
	v8 =	vmul.f32 v8, v8;
	v1 =	vadd.f32 v21, v1;
	v62 =	vor.u32 $0x39, v17;
	[tilespmem:$0x1FF80] =	vst v16  }
0x1bc: {  	v14 =	vmul.f32 v14, v19;
	v2 =	vadd.f32 v9, v2;
	v9 =	vor.u32 $0x3D, v17;
	[tilespmem:$0x1FFD0] =	vst v62  }
0x1bd: {  	v1 =	vadd.f32 v8, v1;
	v8 =	vor.u32 $0x3C, v17;
	[tilespmem:$0x1FF90] =	vst v9;
	v9 =	vmul.f32 v25, v27  }
0x1be: {  	v3 =	vmul.f32 v56, v56;
	v63 =	vor.u32 $0x38, v17;
	[tilespmem:$0x1FFA0] =	vst v8;
	v8 =	vsub.f32 $1.500000000e+00, v14  }
0x1bf: {  	v20 =	vld.idx.msk [tilespmem:v7+s14+$0x0], $0xffff;
	[tilespmem:$0x1FFE0] =	vst v63;
	v14 =	vor.u32 $0x3B, v17;
	v2 =	vadd.f32 v9, v2;
	v9 =	vmul.f32 v24, v32  }
0x1c0: {  	v21 =	vld.idx.msk [tilespmem:v4+s14+$0x0], $0xffff;
	v27 =	vmul.f32 v60, v6;
	[tilespmem:$0x1FFB0] =	vst v14;
	v23 =	vmul.f32 v8, v19;
	v8 =	vor.u32 $0x3A, v17  }
0x1c1: {  	s28 =	simm.s32 $0x30;
	v18 =	vor.u32 $0x3F, v17;
	v28 =	vadd.f32 v3, v1;
	v19 =	vld.idx.msk [tilespmem:v0+s14+$0x0], $0xffff;
	[tilespmem:$0x1FFC0] =	vst v8;
	v26 =	vadd.f32 v9, v2  }
.LBB2_2:
0x1c2: {  	v0 =	vor.u32 $0x37, v17;
	v54 =	vmul.f32 v25, v25  }
0x1c3: {  	v22 =	vor.u32 $0x1, v17;
	v5 =	vmul.f32 v24, v24;
	v14 =	vor.u32 $0x2, v17  }
0x1c4: {  	v2 =	vmovc v18;
	v58 =	vmul.f32 v60, v60;
	v18 =	vor.u32 $0x3, v17;
	vm0 =	vge.f32 v11, $1.000000020e-24  }
0x1c5: {  	v24 =	vor.u32 $0x5, v17;
	v32 =	vor.u32 $0x35, v17;
	v1 =	vmul.f32 v23, v15  }
0x1c6: {  	v55 =	vadd.f32 v29, v28;
	v3 =	vadd.f32 v27, v26;
	v4 =	vmul.f32 v21, v13  }
0x1c7: {  	v33 =	vor.u32 $0x36, v17;
	v25 =	vor.u32 $0x6, v17;
	v1 =	vmul.f32 v1, v23  }
0x1c8: {  	[tilespmem:$0x1FF40] =	vst v0;
	v0 =	vadd.f32 v54, v55;
	v57 =	vmul.f32 v20, v12;
	v56 =	vadd.f32 v4, v3  }
0x1c9: {  	v35 =	vor.u32 $0x34, v17;
	v36 =	vor.u32 $0x32, v17;
	v1 =	vsub.f32 $1.500000000e+00, v1  }
0x1ca: {  	[tilespmem:$0x1FF50] =	vst v2;
	v59 =	vmul.f32 v19, v10;
	v0 =	vadd.f32 v5, v0;
	v2 =	vadd.f32 v57, v56  }
0x1cb: {  	v37 =	vor.u32 $0x33, v17;
	v39 =	vor.u32 $0x31, v17;
	v6 =	vmul.f32 v1, v23  }
0x1cc: {  	v45 =	vld.idx.msk [tilespmem:v17+s20+$0x0], $0xffff;
	v60 =	vmul.f32 v21, v21;
	v0 =	vadd.f32 v58, v0;
	v2 =	vadd.f32 v59, v2  }
0x1cd: {  	v61 =	vmul.f32 v20, v20;
	v46 =	vld.idx.msk [tilespmem:v22+s20+$0x0], $0xffff;
	v23 =	vor.u32 $0x4, v17;
	v62 =	vnsel vm0, $0x5368D4A5, v6  }
0x1ce: {  	v0 =	vadd.f32 v60, v0;
	v63 =	vmul.f32 v62, v11;
	v7 =	vadd.f32 v2, v2  }
0x1cf: {  	v30 =	vor.u32 $0x9, v17;
	v40 =	vor.u32 $0x2F, v17;
	v41 =	vor.u32 $0x2E, v17;
	v47 =	vld.idx.msk [tilespmem:v14+s20+$0x0], $0xffff  }
0x1d0: {  	v8 =	vmul.f32 v19, v19;
	v0 =	vadd.f32 v61, v0;
	v5 =	vsub.f32 v63, v7  }
0x1d1: {  	v42 =	vor.u32 $0x2D, v17;
	v43 =	vor.u32 $0x2C, v17;
	v27 =	vld.idx.msk [tilespmem:v18+s20+$0x0], $0xffff;
	v34 =	vmul.f32 v45, v45  }
0x1d2: {  	v9 =	vmul.f32 v46, v46;
	v0 =	vadd.f32 v8, v0;
	v5 =	vmul.f32 v5, v62  }
0x1d3: {  	v44 =	vor.u32 $0x2B, v17;
	v31 =	vor.u32 $0xD, v17;
	v26 =	vor.u32 $0x7, v17;
	v48 =	vld.idx.msk [tilespmem:v23+s20+$0x0], $0xffff  }
0x1d4: {  	v7 =	vadd.f32 v9, v34;
	v8 =	vmul.f32 v47, v47;
	v0 =	vadd.f32 v5, v0  }
0x1d5: {  	v50 =	vor.u32 $0x2A, v17;
	v51 =	vor.u32 $0x29, v17;
	v28 =	vor.u32 $0x8, v17;
	v49 =	vld.idx.msk [tilespmem:v24+s20+$0x0], $0xffff  }
0x1d6: {  	[tilespmem:$0x1FF20] =	vst v32;
	v9 =	vmul.f32 v27, v27;
	v8 =	vadd.f32 v8, v7;
	v13 =	vmax.f32 v0, $0.0e+00  }
0x1d7: {  	v52 =	vor.u32 $0x28, v17;
	[tilespmem:$0x1FF30] =	vst v33;
	v57 =	vld.idx.msk [tilespmem:v25+s20+$0x0], $0xffff;
	v10 =	vshra.s32 v13, $0x1;
	v56 =	vmul.f32 $5.000000000e-01, v13  }
0x1d8: {  	[tilespmem:$0x1FE60] =	vst v50;
	v50 =	vld.idx.msk [tilespmem:v31+s20+$0x0], $0xffff;
	v9 =	vadd.f32 v9, v8;
	v11 =	vmul.f32 v48, v48;
	v12 =	vsub.s32 $0x5F3759DF, v10  }
0x1d9: {  	v53 =	vor.u32 $0x27, v17;
	[tilespmem:$0x1FF10] =	vst v35;
	v29 =	vor.u32 $0xA, v17;
	v58 =	vld.idx.msk [tilespmem:v26+s20+$0x0], $0xffff;
	v10 =	vmul.f32 v12, v56  }
0x1da: {  	[tilespmem:$0x1FEF0] =	vst v36;
	v54 =	vor.u32 $0x26, v17;
	v3 =	vld.idx.msk [tilespmem:v22+s14+$0x0], $0xffff;
	v15 =	vmul.f32 v49, v49;
	v11 =	vadd.f32 v11, v9  }
0x1db: {  	[tilespmem:$0x1FF00] =	vst v37;
	v55 =	vor.u32 $0x25, v17;
	v4 =	vor.u32 $0x24, v17;
	v59 =	vld.idx.msk [tilespmem:v28+s20+$0x0], $0xffff;
	v16 =	vmul.f32 v12, v10  }
0x1dc: {  	[tilespmem:$0x1FEC0] =	vst v40;
	v60 =	vld.idx.msk [tilespmem:v30+s20+$0x0], $0xffff;
	v9 =	vor.u32 $0xB, v17;
	v11 =	vadd.f32 v15, v11;
	v15 =	vmul.f32 v57, v57  }
0x1dd: {  	[tilespmem:$0x1FE00] =	vst v4;
	v4 =	vld.idx.msk [tilespmem:v17+s14+$0x0], $0xffff;
	v6 =	vor.u32 $0x22, v17;
	v40 =	vmul.f32 v50, v50;
	v16 =	vsub.f32 $1.500000000e+00, v16  }
0x1de: {  	[tilespmem:$0x1FDE0] =	vst v6;
	v6 =	vld.idx.msk [tilespmem:v18+s14+$0x0], $0xffff;
	v19 =	vmul.f32 v58, v58;
	v15 =	vadd.f32 v15, v11;
	v10 =	vor.u32 $0xC, v17  }
0x1df: {  	s26 =	sadd.s32 $0x10, s26;
	[tilespmem:$0x1FEE0] =	vst v39;
	v46 =	vmul.f32 v3, v46;
	v61 =	vld.idx.msk [tilespmem:v29+s20+$0x0], $0xffff;
	v7 =	vor.u32 $0x21, v17;
	v16 =	vmul.f32 v12, v16  }
0x1e0: {  	v34 =	vor.u32 $0x10, v17;
	[tilespmem:$0x1FDD0] =	vst v7;
	v7 =	vld [tilespmem:s26+$0x0];
	v15 =	vadd.f32 v19, v15;
	v19 =	vmul.f32 v59, v59  }
0x1e1: {  	[tilespmem:$0x1FEB0] =	vst v41;
	v21 =	vmul.f32 v60, v60;
	v5 =	vor.u32 $0x23, v17;
	v62 =	vld.idx.msk [tilespmem:v9+s20+$0x0], $0xffff;
	v20 =	vmul.f32 v16, v56  }
0x1e2: {  	v8 =	vmul.f32 v4, v4;
	[tilespmem:$0x1FDF0] =	vst v5;
	v5 =	vld.idx.msk [tilespmem:v14+s14+$0x0], $0xffff;
	v19 =	vadd.f32 v19, v15;
	v12 =	vor.u32 $0xE, v17  }
0x1e3: {  	[tilespmem:$0x1FE90] =	vst v42;
	v18 =	vor.u32 $0x13, v17;
	v4 =	vmul.f32 v4, v45;
	v63 =	vld.idx.msk [tilespmem:v10+s20+$0x0], $0xffff;
	v20 =	vmul.f32 v20, v16  }
0x1e4: {  	[tilespmem:$0x1FE80] =	vst v43;
	v24 =	vld.idx.msk [tilespmem:v24+s14+$0x0], $0xffff;
	v33 =	vmul.f32 v61, v61;
	v15 =	vor.u32 $0xF, v17;
	v21 =	vadd.f32 v21, v19  }
0x1e5: {  	[tilespmem:$0x1FE70] =	vst v44;
	v3 =	vmul.f32 v3, v3;
	v23 =	vld.idx.msk [tilespmem:v23+s14+$0x0], $0xffff;
	v4 =	vadd.f32 $0.0e+00, v4;
	v35 =	vsub.f32 $1.500000000e+00, v20  }
0x1e6: {  	[tilespmem:$0x1FE40] =	vst v52;
	v52 =	vld.idx.msk [tilespmem:v34+s20+$0x0], $0xffff;
	(erf) = vrcp.f32 v7;
	v36 =	vmul.f32 v62, v62;
	v21 =	vadd.f32 v33, v21  }
0x1e7: {  	v3 =	vadd.f32 v3, v8;
	v7 =	vmul.f32 v5, v5;
	v44 =	vld.idx.msk [tilespmem:v12+s20+$0x0], $0xffff;
	v43 =	vmul.f32 v35, v16  }
0x1e8: {  	[tilespmem:$0x1FE50] =	vst v51;
	v8 =	vld.idx.msk [tilespmem:v28+s14+$0x0], $0xffff;
	v21 =	vadd.f32 v36, v21;
	v20 =	vor.u32 $0x11, v17;
	v37 =	vmul.f32 v63, v63  }
0x1e9: {  	v4 =	vadd.f32 v46, v4;
	v5 =	vmul.f32 v5, v47;
	v51 =	vld.idx.msk [tilespmem:v15+s20+$0x0], $0xffff;
	v39 =	vmul.f32 v43, v56  }
0x1ea: {  	[tilespmem:$0x1FE30] =	vst v53;
	v45 =	vmul.f32 v6, v6;
	v28 =	vld [tilespmem:$0x1FE70];
	v16 =	vor.u32 $0x12, v17;
	v21 =	vadd.f32 v37, v21  }
0x1eb: {  	v9 =	vld.idx.msk [tilespmem:v9+s14+$0x0], $0xffff;
	v4 =	vadd.f32 v5, v4;
	v5 =	vmul.f32 v6, v27;
	v41 =	vmul.f32 v39, v43  }
0x1ec: {  	[tilespmem:$0x1FE20] =	vst v54;
	v14 =	vor.u32 $0x14, v17;
	v6 =	vld.idx.msk [tilespmem:v25+s14+$0x0], $0xffff;
	v21 =	vadd.f32 v40, v21;
	v42 =	vmul.f32 v44, v44  }
0x1ed: {  	[tilespmem:$0x1FE10] =	vst v55;
	v4 =	vadd.f32 v5, v4;
	v5 =	vmul.f32 v23, v48;
	v53 =	vld.idx.msk [tilespmem:v20+s20+$0x0], $0xffff;
	v55 =	vsub.f32 $1.500000000e+00, v41  }
0x1ee: {  	v25 =	vld.idx.msk [tilespmem:v26+s14+$0x0], $0xffff;
	v3 =	vadd.f32 v7, v3;
	v32 =	vmul.f32 v51, v51;
	v21 =	vadd.f32 v42, v21  }
0x1ef: {  	v4 =	vadd.f32 v5, v4;
	v5 =	vmul.f32 v24, v49;
	v54 =	vld.idx.msk [tilespmem:v16+s20+$0x0], $0xffff;
	v0 =	vmul.f32 v55, v43  }
0x1f0: {  	v7 =	vld.idx.msk [tilespmem:v30+s14+$0x0], $0xffff;
	v19 =	vor.u32 $0x15, v17;
	v35 =	vmul.f32 v52, v52;
	v33 =	vadd.f32 v32, v21  }
0x1f1: {  	v4 =	vadd.f32 v5, v4;
	v5 =	vmul.f32 v6, v57;
	v55 =	vld.idx.msk [tilespmem:v18+s20+$0x0], $0xffff;
	v22 =	vmul.f32 v0, v56  }
0x1f2: {  	v27 =	vld [tilespmem:$0x1FE20];
	v21 =	vor.u32 $0x16, v17;
	v1 =	vadd.f32 v35, v33;
	v2 =	vmul.f32 v53, v53  }
0x1f3: {  	v4 =	vadd.f32 v5, v4;
	v37 =	vor.u32 $0x1D, v17;
	v56 =	vld.idx.msk [tilespmem:v14+s20+$0x0], $0xffff;
	v22 =	vmul.f32 v22, v0  }
0x1f4: {  	v26 =	vld [tilespmem:$0x1FE40];
	v32 =	vor.u32 $0x17, v17;
	v2 =	vadd.f32 v2, v1;
	v1 =	vmul.f32 v54, v54  }
0x1f5: {  	v5 =	vmul.f32 v25, v58;
	v40 =	vor.u32 $0x1B, v17;
	v35 =	vld.idx.msk [tilespmem:v19+s20+$0x0], $0xffff;
	v22 =	vsub.f32 $1.500000000e+00, v22  }
0x1f6: {  	v10 =	vld.idx.msk [tilespmem:v10+s14+$0x0], $0xffff;
	v43 =	vor.u32 $0x18, v17;
	v2 =	vadd.f32 v1, v2;
	v1 =	vmul.f32 v55, v55  }
0x1f7: {  	v4 =	vadd.f32 v5, v4;
	v5 =	vmul.f32 v8, v59;
	v33 =	vld.idx.msk [tilespmem:v21+s20+$0x0], $0xffff;
	v0 =	vmul.f32 v22, v0  }
0x1f8: {  	v42 =	vor.u32 $0x19, v17;
	v59 =	vld.idx.msk [tilespmem:v37+s20+$0x0], $0xffff;
	v1 =	vadd.f32 v1, v2;
	v2 =	vmul.f32 v56, v56  }
0x1f9: {  	vm15 =	vge.f32 v13, $1.000000000e-30;
	v47 =	vld.idx.msk [tilespmem:v32+s20+$0x0], $0xffff;
	v22 =	vmul.f32 v0, v13  }
0x1fa: {  	v41 =	vor.u32 $0x1A, v17;
	v57 =	vld.idx.msk [tilespmem:v40+s20+$0x0], $0xffff;
	v46 =	vmul.f32 v35, v35;
	v1 =	vadd.f32 v2, v1  }
0x1fb: {  	v38 =	vor.u32 $0x30, v17;
	v39 =	vor.u32 $0x1C, v17;
	v0 =	vld.idx.msk [tilespmem:v43+s20+$0x0], $0xffff;
	v13 =	vpop (erf);
	v22 =	vnsel vm15, $0x0, v22  }
0x1fc: {  	v1 =	vadd.f32 v46, v1;
	v46 =	vmul.f32 v33, v33;
	v13 =	vmul.f32 v22, v13;
	v22 =	vld [tilespmem:$0x1FF70]  }
0x1fd: {  	[tilespmem:$0x1FED0] =	vst v38;
	v38 =	vor.u32 $0x1E, v17;
	v48 =	vld.idx.msk [tilespmem:v42+s20+$0x0], $0xffff  }
0x1fe: {  	v4 =	vadd.f32 v5, v4;
	v5 =	vld.idx.msk [tilespmem:v40+s14+$0x0], $0xffff;
	v1 =	vadd.f32 v46, v1;
	v46 =	vmul.f32 v47, v47  }
0x1ff: {  	v11 =	vor.u32 $0x1F, v17;
	v49 =	vld.idx.msk [tilespmem:v41+s20+$0x0], $0xffff  }
0x200: {  	v3 =	vadd.f32 v45, v3;
	v36 =	vor.u32 $0x20, v17;
	v17 =	vld [tilespmem:$0x1FDD0];
	v1 =	vadd.f32 v46, v1  }
0x201: {  	v45 =	vld.idx.msk [tilespmem:v39+s20+$0x0], $0xffff;
	v46 =	vmul.f32 v0, v0;
	v22 =	vadd.f32 v13, v22;
	v13 =	vmul.f32 v23, v23  }
0x202: {  	[tilespmem:$0x1FEA0] =	vst v39;
	v39 =	vmov v37;
	v37 =	vmul.f32 v7, v60;
	v60 =	vld.idx.msk [tilespmem:v38+s20+$0x0], $0xffff;
	v58 =	vmul.f32 v48, v48  }
0x203: {  	v1 =	vadd.f32 v46, v1;
	v23 =	vmul.f32 v24, v24;
	v24 =	vld [tilespmem:$0x1FE30];
	v3 =	vadd.f32 v13, v3  }
0x204: {  	v6 =	vmul.f32 v6, v6;
	v46 =	vmul.f32 v49, v49;
	[tilespmem:$0x1FF70] =	vst v22;
	v22 =	vld.idx.msk [tilespmem:v29+s14+$0x0], $0xffff  }
0x205: {  	v1 =	vadd.f32 v58, v1;
	v13 =	vmul.f32 v25, v25;
	v25 =	vld [tilespmem:$0x1FE50];
	v3 =	vadd.f32 v23, v3  }
0x206: {  	v29 =	vld [tilespmem:$0x1FE80]  }
0x207: {  	v1 =	vadd.f32 v46, v1;
	v46 =	vmul.f32 v57, v57;
	v3 =	vadd.f32 v6, v3;
	v6 =	vld.idx.msk [tilespmem:v31+s14+$0x0], $0xffff  }
0x208: {  	v31 =	vld [tilespmem:$0x1FED0]  }
0x209: {  	v1 =	vadd.f32 v46, v1;
	v46 =	vmul.f32 v45, v45;
	v58 =	vmul.f32 v22, v61;
	v61 =	vld.idx.msk [tilespmem:v11+s20+$0x0], $0xffff  }
0x20a: {  	v8 =	vmul.f32 v8, v8;
	v4 =	vadd.f32 v37, v4;
	v37 =	vmov v11;
	v11 =	vld.idx.msk [tilespmem:v12+s14+$0x0], $0xffff  }
0x20b: {  	v1 =	vadd.f32 v46, v1;
	v46 =	vmul.f32 v59, v59;
	v3 =	vadd.f32 v13, v3;
	v13 =	vld.idx.msk [tilespmem:v28+s20+$0x0], $0xffff  }
0x20c: {  	v7 =	vmul.f32 v7, v7;
	v4 =	vadd.f32 v58, v4;
	v58 =	vmul.f32 v9, v62;
	v62 =	vld.idx.msk [tilespmem:v36+s20+$0x0], $0xffff  }
0x20d: {  	v1 =	vadd.f32 v46, v1;
	v46 =	vmul.f32 v60, v60;
	v3 =	vadd.f32 v8, v3;
	v8 =	vld.idx.msk [tilespmem:v15+s14+$0x0], $0xffff  }
0x20e: {  	v4 =	vadd.f32 v58, v4;
	v58 =	vmul.f32 v10, v63;
	v63 =	vld.idx.msk [tilespmem:v17+s20+$0x0], $0xffff  }
0x20f: {  	v12 =	vmul.f32 v22, v22;
	v1 =	vadd.f32 v46, v1;
	v46 =	vld [tilespmem:$0x1FDE0];
	v3 =	vadd.f32 v7, v3  }
0x210: {  	v7 =	vld.idx.msk [tilespmem:v34+s14+$0x0], $0xffff  }
0x211: {  	v34 =	vmul.f32 v61, v61;
	v3 =	vadd.f32 v12, v3;
	v12 =	vld.idx.msk [tilespmem:v20+s14+$0x0], $0xffff  }
0x212: {  	v9 =	vmul.f32 v9, v9;
	v20 =	vld [tilespmem:$0x1FDF0]  }
0x213: {  	v10 =	vmul.f32 v10, v10;
	v1 =	vadd.f32 v34, v1;
	v34 =	vld [tilespmem:$0x1FE00]  }
0x214: {  	v4 =	vadd.f32 v58, v4;
	v58 =	vmul.f32 v6, v50;
	v3 =	vadd.f32 v9, v3;
	v9 =	vld.idx.msk [tilespmem:v16+s14+$0x0], $0xffff  }
0x215: {  	v16 =	vld.idx.msk [tilespmem:v36+s14+$0x0], $0xffff  }
0x216: {  	v44 =	vmul.f32 v11, v44;
	v4 =	vadd.f32 v58, v4;
	v3 =	vadd.f32 v10, v3;
	v10 =	vld.idx.msk [tilespmem:v18+s14+$0x0], $0xffff  }
0x217: {  	[tilespmem:$0x1FF60] =	vst v13;
	v18 =	vld.idx.msk [tilespmem:v17+s14+$0x0], $0xffff  }
0x218: {  	v58 =	vmul.f32 v8, v51;
	v4 =	vadd.f32 v44, v4;
	v17 =	vld [tilespmem:$0x1FF60]  }
0x219: {  	v6 =	vmul.f32 v6, v6;
	v22 =	vld.idx.msk [tilespmem:v46+s20+$0x0], $0xffff  }
0x21a: {  	v50 =	vmul.f32 v62, v62;
	v4 =	vadd.f32 v58, v4;
	v58 =	vld [tilespmem:$0x1FE10]  }
0x21b: {  	v3 =	vadd.f32 v6, v3;
	v6 =	vld.idx.msk [tilespmem:v14+s14+$0x0], $0xffff  }
0x21c: {  	v1 =	vadd.f32 v50, v1;
	v50 =	vmul.f32 v7, v52;
	v14 =	vld.idx.msk [tilespmem:v38+s14+$0x0], $0xffff  }
0x21d: {  	v38 =	vld [tilespmem:$0x1FFE0]  }
0x21e: {  	v4 =	vadd.f32 v50, v4;
	v50 =	vmul.f32 v12, v53;
	v53 =	vld.idx.msk [tilespmem:v27+s20+$0x0], $0xffff  }
0x21f: {  	v11 =	vmul.f32 v11, v11;
	v23 =	vld.idx.msk [tilespmem:v20+s20+$0x0], $0xffff  }
0x220: {  	v51 =	vld.idx.msk [tilespmem:v34+s20+$0x0], $0xffff  }
0x221: {  	v3 =	vadd.f32 v11, v3;
	v11 =	vld.idx.msk [tilespmem:v19+s14+$0x0], $0xffff  }
0x222: {  	v19 =	vld.idx.msk [tilespmem:v46+s14+$0x0], $0xffff  }
0x223: {  	v20 =	vld.idx.msk [tilespmem:v20+s14+$0x0], $0xffff  }
0x224: {  	v8 =	vmul.f32 v8, v8;
	v46 =	vld [tilespmem:$0x1FF20]  }
0x225: {  	v44 =	vmul.f32 v63, v63;
	v4 =	vadd.f32 v50, v4;
	v50 =	vmul.f32 v9, v54;
	v54 =	vld.idx.msk [tilespmem:v24+s20+$0x0], $0xffff  }
0x226: {  	v24 =	vld.idx.msk [tilespmem:v24+s14+$0x0], $0xffff  }
0x227: {  	v1 =	vadd.f32 v44, v1;
	v44 =	vmul.f32 v22, v22;
	v3 =	vadd.f32 v8, v3;
	v8 =	vld.idx.msk [tilespmem:v21+s14+$0x0], $0xffff  }
0x228: {  	v7 =	vmul.f32 v7, v7;
	v52 =	vld.idx.msk [tilespmem:v58+s20+$0x0], $0xffff  }
0x229: {  	v12 =	vmul.f32 v12, v12;
	v21 =	vld.idx.msk [tilespmem:v34+s14+$0x0], $0xffff;
	v1 =	vadd.f32 v44, v1;
	v44 =	vmul.f32 v23, v23  }
0x22a: {  	v4 =	vadd.f32 v50, v4;
	v50 =	vmul.f32 v10, v55;
	v55 =	vld.idx.msk [tilespmem:v26+s20+$0x0], $0xffff;
	v3 =	vadd.f32 v7, v3  }
0x22b: {  	v9 =	vmul.f32 v9, v9;
	v7 =	vld.idx.msk [tilespmem:v32+s14+$0x0], $0xffff;
	v1 =	vadd.f32 v44, v1;
	v44 =	vmul.f32 v51, v51  }
0x22c: {  	v4 =	vadd.f32 v50, v4;
	v50 =	vmul.f32 v6, v56;
	v56 =	vld.idx.msk [tilespmem:v25+s20+$0x0], $0xffff;
	v3 =	vadd.f32 v12, v3  }
0x22d: {  	v25 =	vld.idx.msk [tilespmem:v25+s14+$0x0], $0xffff;
	v1 =	vadd.f32 v44, v1;
	v44 =	vmul.f32 v52, v52  }
0x22e: {  	v10 =	vmul.f32 v10, v10;
	v32 =	vmul.f32 v53, v53;
	v12 =	vld.idx.msk [tilespmem:v43+s14+$0x0], $0xffff;
	v3 =	vadd.f32 v9, v3  }
0x22f: {  	v6 =	vmul.f32 v6, v6;
	v4 =	vadd.f32 v50, v4;
	v9 =	vld.idx.msk [tilespmem:v42+s14+$0x0], $0xffff;
	v1 =	vadd.f32 v44, v1  }
0x230: {  	v50 =	vmul.f32 v54, v54;
	v43 =	vmul.f32 v8, v33;
	v3 =	vadd.f32 v10, v3;
	v10 =	vld.idx.msk [tilespmem:v41+s14+$0x0], $0xffff  }
0x231: {  	v47 =	vmul.f32 v7, v47;
	v44 =	vmul.f32 v11, v35;
	v1 =	vadd.f32 v32, v1;
	v32 =	vld [tilespmem:$0x1FE60]  }
0x232: {  	v11 =	vmul.f32 v11, v11;
	v3 =	vadd.f32 v6, v3;
	v6 =	vmul.f32 v8, v8;
	v35 =	vld [tilespmem:$0x1FEA0]  }
0x233: {  	v41 =	vld.idx.msk [tilespmem:v29+s20+$0x0], $0xffff;
	v4 =	vadd.f32 v44, v4;
	v44 =	vmul.f32 v55, v55;
	v1 =	vadd.f32 v50, v1  }
0x234: {  	v29 =	vld.idx.msk [tilespmem:v29+s14+$0x0], $0xffff;
	v8 =	vmul.f32 v9, v48;
	v48 =	vmul.f32 v5, v57;
	v3 =	vadd.f32 v11, v3  }
0x235: {  	v57 =	vld [tilespmem:$0x1FEE0];
	v4 =	vadd.f32 v43, v4;
	v50 =	vmul.f32 v56, v56;
	v1 =	vadd.f32 v44, v1  }
0x236: {  	v7 =	vmul.f32 v7, v7;
	v3 =	vadd.f32 v6, v3;
	v43 =	vld [tilespmem:$0x1FEC0]  }
0x237: {  	v0 =	vmul.f32 v12, v0;
	v4 =	vadd.f32 v47, v4;
	v1 =	vadd.f32 v50, v1;
	v50 =	vld [tilespmem:$0x1FE90]  }
0x238: {  	v12 =	vmul.f32 v12, v12;
	v44 =	vld [tilespmem:$0x1FEB0];
	v3 =	vadd.f32 v7, v3  }
0x239: {  	v4 =	vadd.f32 v0, v4;
	v30 =	vld.idx.msk [tilespmem:v32+s20+$0x0], $0xffff  }
0x23a: {  	v9 =	vmul.f32 v9, v9;
	v11 =	vld.idx.msk [tilespmem:v35+s14+$0x0], $0xffff;
	v3 =	vadd.f32 v12, v3  }
0x23b: {  	v6 =	vld.idx.msk [tilespmem:v31+s20+$0x0], $0xffff;
	v47 =	vmul.f32 v10, v49;
	v4 =	vadd.f32 v8, v4  }
0x23c: {  	v10 =	vmul.f32 v10, v10;
	v8 =	vld.idx.msk [tilespmem:v39+s14+$0x0], $0xffff;
	v9 =	vadd.f32 v9, v3  }
0x23d: {  	v12 =	vld.idx.msk [tilespmem:v37+s14+$0x0], $0xffff;
	v4 =	vadd.f32 v47, v4  }
0x23e: {  	v9 =	vadd.f32 v10, v9;
	v10 =	vmul.f32 v14, v60;
	v60 =	vld [tilespmem:$0x1FF00];
	v33 =	vmul.f32 v30, v30  }
0x23f: {  	v49 =	vmul.f32 v11, v45;
	v4 =	vadd.f32 v48, v4;
	v42 =	vld.idx.msk [tilespmem:v50+s20+$0x0], $0xffff  }
0x240: {  	v40 =	vmul.f32 v13, v13;
	v0 =	vld.idx.msk [tilespmem:v44+s20+$0x0], $0xffff;
	v1 =	vadd.f32 v33, v1  }
0x241: {  	v59 =	vmul.f32 v8, v59;
	v4 =	vadd.f32 v49, v4;
	v49 =	vld [tilespmem:$0x1FEF0]  }
0x242: {  	v13 =	vmul.f32 v41, v41;
	v45 =	vld [tilespmem:$0x1FF30];
	v2 =	vadd.f32 v40, v1  }
0x243: {  	v5 =	vmul.f32 v5, v5;
	v7 =	vadd.f32 v59, v4;
	v1 =	vld.idx.msk [tilespmem:v43+s20+$0x0], $0xffff  }
0x244: {  	v11 =	vmul.f32 v11, v11;
	v59 =	vld [tilespmem:$0x1FF90];
	v2 =	vadd.f32 v13, v2;
	v13 =	vmul.f32 v42, v42  }
0x245: {  	v9 =	vadd.f32 v5, v9;
	v7 =	vadd.f32 v10, v7;
	v10 =	vmul.f32 v12, v61;
	v61 =	vld [tilespmem:$0x1FF10]  }
0x246: {  	v15 =	vmul.f32 v0, v0;
	v40 =	vld [tilespmem:$0x1FF40];
	v13 =	vadd.f32 v13, v2  }
0x247: {  	v9 =	vadd.f32 v11, v9;
	v11 =	vmul.f32 v16, v62;
	v10 =	vadd.f32 v10, v7;
	v2 =	vld.idx.msk [tilespmem:v57+s20+$0x0], $0xffff  }
0x248: {  	v8 =	vmul.f32 v8, v8;
	v4 =	vld.idx.msk [tilespmem:v60+s20+$0x0], $0xffff;
	v13 =	vadd.f32 v15, v13;
	v15 =	vmul.f32 v1, v1  }
0x249: {  	v14 =	vmul.f32 v14, v14;
	v3 =	vld.idx.msk [tilespmem:v49+s20+$0x0], $0xffff;
	v10 =	vadd.f32 v11, v10;
	v11 =	vmul.f32 v18, v63  }
0x24a: {  	v9 =	vadd.f32 v8, v9;
	v8 =	vld.idx.msk [tilespmem:v45+s20+$0x0], $0xffff;
	v13 =	vadd.f32 v15, v13;
	v15 =	vmul.f32 v6, v6  }
0x24b: {  	v12 =	vmul.f32 v12, v12;
	v7 =	vld.idx.msk [tilespmem:v46+s20+$0x0], $0xffff;
	v10 =	vadd.f32 v11, v10;
	v11 =	vmul.f32 v19, v22  }
0x24c: {  	v14 =	vadd.f32 v14, v9;
	v22 =	vld.idx.msk [tilespmem:v58+s14+$0x0], $0xffff;
	v13 =	vadd.f32 v15, v13;
	v15 =	vmul.f32 v2, v2  }
0x24d: {  	v16 =	vmul.f32 v16, v16;
	v5 =	vld.idx.msk [tilespmem:v61+s20+$0x0], $0xffff;
	v10 =	vadd.f32 v11, v10;
	v11 =	vmul.f32 v20, v23  }
0x24e: {  	v12 =	vadd.f32 v12, v14;
	v23 =	vld.idx.msk [tilespmem:v27+s14+$0x0], $0xffff;
	v13 =	vadd.f32 v15, v13;
	v15 =	vmul.f32 v3, v3  }
0x24f: {  	v18 =	vmul.f32 v18, v18;
	v10 =	vadd.f32 v11, v10;
	v11 =	vmul.f32 v21, v51;
	v51 =	vld [tilespmem:$0x1FFD0]  }
0x250: {  	v14 =	vld.idx.msk [tilespmem:v38+s20+$0x0], $0xffff;
	v12 =	vadd.f32 v16, v12;
	v13 =	vadd.f32 v15, v13;
	v15 =	vmul.f32 v4, v4  }
0x251: {  	v16 =	vmul.f32 v19, v19;
	v10 =	vadd.f32 v11, v10;
	v11 =	vmul.f32 v22, v52;
	v52 =	vld [tilespmem:$0x1FFC0]  }
0x252: {  	v12 =	vadd.f32 v18, v12;
	v9 =	vld.idx.msk [tilespmem:v40+s20+$0x0], $0xffff;
	v13 =	vadd.f32 v15, v13;
	v15 =	vmul.f32 v5, v5  }
0x253: {  	v20 =	vmul.f32 v20, v20;
	v10 =	vadd.f32 v11, v10;
	v11 =	vmul.f32 v23, v53;
	v53 =	vld [tilespmem:$0x1FFB0]  }
0x254: {  	v18 =	vld.idx.msk [tilespmem:v26+s14+$0x0], $0xffff;
	v12 =	vadd.f32 v16, v12;
	v13 =	vadd.f32 v15, v13;
	v15 =	vmul.f32 v7, v7  }
0x255: {  	v58 =	vld [tilespmem:$0x1FFA0]  }
0x256: {  	v12 =	vadd.f32 v20, v12;
	v20 =	vld.idx.msk [tilespmem:v32+s14+$0x0], $0xffff;
	v13 =	vadd.f32 v15, v13;
	v15 =	vmul.f32 v8, v8  }
0x257: {  	v21 =	vmul.f32 v21, v21;
	v19 =	vld.idx.msk [tilespmem:v51+s20+$0x0], $0xffff  }
0x258: {  	v32 =	vld [tilespmem:$0x1FF80];
	v22 =	vmul.f32 v22, v22;
	v13 =	vadd.f32 v15, v13;
	v15 =	vmul.f32 v9, v9  }
0x259: {  	v12 =	vadd.f32 v21, v12;
	v10 =	vadd.f32 v11, v10;
	v11 =	vmul.f32 v24, v54;
	v27 =	vld.idx.msk [tilespmem:v52+s20+$0x0], $0xffff  }
0x25a: {  	v39 =	vld [tilespmem:$0x1FF50];
	v23 =	vmul.f32 v23, v23;
	v13 =	vadd.f32 v15, v13;
	v15 =	vmul.f32 v14, v14  }
0x25b: {  	v22 =	vadd.f32 v22, v12;
	v10 =	vadd.f32 v11, v10;
	v11 =	vmul.f32 v18, v55;
	v26 =	vld.idx.msk [tilespmem:v53+s20+$0x0], $0xffff  }
0x25c: {  	v21 =	vld.idx.msk [tilespmem:v28+s14+$0x0], $0xffff;
	v13 =	vadd.f32 v15, v13;
	v15 =	vmul.f32 v19, v19  }
0x25d: {  	v16 =	vld.idx.msk [tilespmem:v58+s20+$0x0], $0xffff;
	v22 =	vadd.f32 v23, v22;
	v10 =	vadd.f32 v11, v10;
	v11 =	vmul.f32 v25, v56  }
0x25e: {  	v23 =	vmul.f32 v20, v30;
	v30 =	vld.idx.msk [tilespmem:v50+s14+$0x0], $0xffff;
	v28 =	vmul.f32 v27, v27;
	v15 =	vadd.f32 v15, v13  }
0x25f: {  	v24 =	vmul.f32 v24, v24;
	v11 =	vadd.f32 v11, v10;
	v13 =	vld.idx.msk [tilespmem:v59+s20+$0x0], $0xffff  }
0x260: {  	v12 =	vld.idx.msk [tilespmem:v32+s20+$0x0], $0xffff;
	v18 =	vmul.f32 v18, v18;
	v15 =	vadd.f32 v28, v15;
	v28 =	vmul.f32 v26, v26  }
0x261: {  	v22 =	vadd.f32 v24, v22;
	v24 =	vld.idx.msk [tilespmem:v44+s14+$0x0], $0xffff;
	v11 =	vadd.f32 v23, v11;
	v23 =	vmul.f32 v21, v17  }
0x262: {  	v25 =	vmul.f32 v25, v25;
	v15 =	vadd.f32 v28, v15;
	v28 =	vmul.f32 v16, v16  }
0x263: {  	v18 =	vadd.f32 v18, v22;
	v22 =	vmul.f32 v29, v41;
	v10 =	vld.idx.msk [tilespmem:v39+s20+$0x0], $0xffff;
	v11 =	vadd.f32 v23, v11  }
0x264: {  	v20 =	vmul.f32 v20, v20;
	v23 =	vld.idx.msk [tilespmem:v43+s14+$0x0], $0xffff;
	v15 =	vadd.f32 v28, v15;
	v28 =	vmul.f32 v13, v13  }
0x265: {  	v31 =	vld.idx.msk [tilespmem:v31+s14+$0x0], $0xffff;
	v18 =	vadd.f32 v25, v18;
	v17 =	vmul.f32 v30, v42;
	v11 =	vadd.f32 v22, v11  }
0x266: {  	v60 =	vld.idx.msk [tilespmem:v60+s14+$0x0], $0xffff;
	v0 =	vmul.f32 v24, v0;
	v15 =	vadd.f32 v28, v15;
	v28 =	vmul.f32 v12, v12  }
0x267: {  	v21 =	vmul.f32 v21, v21;
	v18 =	vadd.f32 v20, v18;
	v17 =	vadd.f32 v17, v11  }
0x268: {  	v25 =	vmul.f32 v29, v29;
	v20 =	vld.idx.msk [tilespmem:v57+s14+$0x0], $0xffff;
	v22 =	vmul.f32 v10, v10;
	v15 =	vadd.f32 v28, v15  }
0x269: {  	v18 =	vadd.f32 v21, v18;
	v1 =	vmul.f32 v23, v1;
	v0 =	vadd.f32 v0, v17  }
0x26a: {  	v6 =	vmul.f32 v31, v6;
	v21 =	vld.idx.msk [tilespmem:v49+s14+$0x0], $0xffff;
	v11 =	vadd.f32 v22, v15  }
0x26b: {  	v41 =	vmul.f32 v60, v4;
	v18 =	vadd.f32 v25, v18;
	v0 =	vadd.f32 v1, v0  }
0x26c: {  	v44 =	vld.idx.msk [tilespmem:v40+s14+$0x0], $0xffff;
	v28 =	vmul.f32 v30, v30;
	v17 =	vshra.s32 v11, $0x1;
	v15 =	vmul.f32 $5.000000000e-01, v11  }
0x26d: {  	v2 =	vmul.f32 v20, v2;
	v0 =	vadd.f32 v6, v0;
	v22 =	vsub.s32 $0x5F3759DF, v17  }
0x26e: {  	v61 =	vld.idx.msk [tilespmem:v61+s14+$0x0], $0xffff;
	v18 =	vadd.f32 v28, v18;
	v17 =	vmul.f32 v24, v24;
	v24 =	vmul.f32 v22, v15  }
0x26f: {  	v63 =	vld.idx.msk [tilespmem:v46+s14+$0x0], $0xffff;
	v25 =	vmov s28;
	v62 =	vmul.f32 v21, v3;
	v0 =	vadd.f32 v2, v0  }
0x270: {  	v42 =	vld.idx.msk [tilespmem:v45+s14+$0x0], $0xffff;
	v23 =	vmul.f32 v23, v23;
	v17 =	vadd.f32 v17, v18;
	v24 =	vmul.f32 v22, v24  }
0x271: {  	v48 =	vmul.f32 v44, v9;
	v0 =	vadd.f32 v62, v0;
	v18 =	vshll.u32 v25, $0x6  }
0x272: {  	v46 =	vld.idx.msk [tilespmem:v38+s14+$0x0], $0xffff;
	v25 =	vmul.f32 v31, v31;
	v23 =	vadd.f32 v23, v17;
	v24 =	vsub.f32 $1.500000000e+00, v24  }
0x273: {  	v54 =	vmul.f32 v44, v44;
	v43 =	vmul.f32 v61, v5;
	v0 =	vadd.f32 v41, v0  }
0x274: {  	v20 =	vmul.f32 v20, v20;
	v23 =	vadd.f32 v25, v23;
	v22 =	vmul.f32 v22, v24  }
0x275: {  	v45 =	vmul.f32 v63, v7;
	v47 =	vmul.f32 v42, v8;
	v8 =	vld.idx.msk [tilespmem:v51+s14+$0x0], $0xffff;
	v0 =	vadd.f32 v43, v0  }
0x276: {  	v21 =	vmul.f32 v21, v21;
	v17 =	vld [tilespmem:$0x1FFF0];
	v20 =	vadd.f32 v20, v23;
	v24 =	vmul.f32 v22, v15  }
0x277: {  	v49 =	vmul.f32 v46, v14;
	v4 =	vmul.f32 v42, v42;
	v0 =	vadd.f32 v45, v0  }
0x278: {  	v1 =	vmul.f32 v60, v60;
	v20 =	vadd.f32 v21, v20;
	v23 =	vmul.f32 v24, v22  }
0x279: {  	v3 =	vmul.f32 v63, v63;
	v60 =	vld.idx.msk [tilespmem:v58+s14+$0x0], $0xffff;
	v58 =	vmul.f32 v46, v46;
	v0 =	vadd.f32 v47, v0  }
0x27a: {  	v6 =	vmul.f32 v61, v61;
	v25 =	vld.idx.msk [tilespmem:v52+s14+$0x0], $0xffff;
	v1 =	vadd.f32 v1, v20;
	v21 =	vsub.f32 $1.500000000e+00, v23  }
0x27b: {  	v52 =	vmul.f32 v8, v19;
	v0 =	vadd.f32 v48, v0;
	v17 =	vor.u32 v17, v18  }
0x27c: {  	v28 =	vor.u32 $0x3E, v17;
	v1 =	vadd.f32 v6, v1;
	v22 =	vmul.f32 v21, v22  }
0x27d: {  	v9 =	vor.u32 $0x3C, v17;
	v50 =	vor.u32 $0x3B, v17;
	v0 =	vadd.f32 v49, v0;
	v24 =	vld.idx.msk [tilespmem:v53+s14+$0x0], $0xffff  }
0x27e: {  	v57 =	vor.u32 $0x39, v17;
	[tilespmem:$0x1FFB0] =	vst v50;
	v1 =	vadd.f32 v3, v1;
	v51 =	vmul.f32 v22, v15  }
0x27f: {  	p0 =	sne.s32 s28, $0x1F0;
	v62 =	vor.u32 $0x38, v17;
	v56 =	vmul.f32 v25, v27;
	[tilespmem:$0x1FFD0] =	vst v57;
	v0 =	vadd.f32 v52, v0  }
.Ltmp0:
0x280: {  	v19 =	vld.idx.msk [tilespmem:v39+s14+$0x0], $0xffff;
	v53 =	vor.u32 $0x3A, v17;
	[tilespmem:$0x1FFE0] =	vst v62;
	v1 =	vadd.f32 v4, v1;
	v55 =	vmul.f32 v51, v22;
	(pc) =	sbr.rel @p0 .LBB2_2-.Ltmp0, $4  }
0x281: {  	v18 =	vor.u32 $0x3F, v17;
	v29 =	vor.u32 $0x3D, v17;
	v63 =	vmovc v28;
	[tilespmem:$0x1FFC0] =	vst v53;
	v20 =	vld.idx.msk [tilespmem:v32+s14+$0x0], $0xffff;
	v0 =	vadd.f32 v56, v0  }
0x282: {  	[tilespmem:$0x1FF80] =	vst v63;
	v9 =	vmovc v9;
	v61 =	vmul.f32 v24, v26;
	v1 =	vadd.f32 v54, v1;
	v5 =	vsub.f32 $1.500000000e+00, v55  }
0x283: {  	v27 =	vmul.f32 v60, v16;
	[tilespmem:$0x1FFA0] =	vst v9;
	v21 =	vld.idx.msk [tilespmem:v59+s14+$0x0], $0xffff;
	v59 =	vmov v29;
	v29 =	vmul.f32 v8, v8  }
0x284: {  	s28 =	sadd.s32 $0x10, s28;
	[tilespmem:$0x1FF90] =	vst v59;
	v26 =	vadd.f32 v61, v0;
	v28 =	vadd.f32 v58, v1;
	v23 =	vmul.f32 v5, v22  }
0x285: {  	v0 =	vor.u32 $0x1, v17;
	_ =	sdelay $0x1  }
0x286: {  	v43 =	vor.u32 $0x2, v17;
	_ =	sdelay $0x1  }
0x287: {  	v2 =	vld.idx.msk [tilespmem:v17+s20+$0x0], $0xffff;
	v3 =	vor.u32 $0x3, v17  }
0x288: {  	v5 =	vld.idx.msk [tilespmem:v0+s20+$0x0], $0xffff  }
0x289: {  	v16 =	vor.u32 $0x4, v17  }
0x28a: {  	v22 =	vld.idx.msk [tilespmem:v43+s20+$0x0], $0xffff  }
0x28b: {  	v30 =	vor.u32 $0x5, v17  }
0x28c: {  	v31 =	vld.idx.msk [tilespmem:v3+s20+$0x0], $0xffff  }
0x28d: {  	v32 =	vor.u32 $0x6, v17;
	v9 =	vmul.f32 v2, v2;
	v14 =	vmul.f32 v5, v5  }
0x28e: {  	v33 =	vld.idx.msk [tilespmem:v16+s20+$0x0], $0xffff  }
0x28f: {  	v36 =	vor.u32 $0x7, v17;
	v53 =	vmul.f32 v22, v22;
	v9 =	vadd.f32 v14, v9  }
0x290: {  	v35 =	vld.idx.msk [tilespmem:v30+s20+$0x0], $0xffff  }
0x291: {  	v38 =	vor.u32 $0x8, v17;
	v54 =	vmul.f32 v31, v31;
	v9 =	vadd.f32 v53, v9  }
0x292: {  	v37 =	vld.idx.msk [tilespmem:v32+s20+$0x0], $0xffff  }
0x293: {  	v58 =	vor.u32 $0x9, v17;
	v55 =	vmul.f32 v33, v33;
	v9 =	vadd.f32 v54, v9  }
0x294: {  	v59 =	vld.idx.msk [tilespmem:v36+s20+$0x0], $0xffff  }
0x295: {  	v61 =	vor.u32 $0xA, v17;
	v1 =	vmul.f32 v35, v35;
	v9 =	vadd.f32 v55, v9  }
0x296: {  	v62 =	vld.idx.msk [tilespmem:v38+s20+$0x0], $0xffff  }
0x297: {  	v63 =	vor.u32 $0xB, v17;
	v4 =	vmul.f32 v37, v37;
	v9 =	vadd.f32 v1, v9  }
0x298: {  	v40 =	vld.idx.msk [tilespmem:v58+s20+$0x0], $0xffff  }
0x299: {  	v42 =	vor.u32 $0xC, v17;
	v34 =	vmul.f32 v59, v59;
	v14 =	vadd.f32 v4, v9  }
0x29a: {  	v41 =	vld.idx.msk [tilespmem:v61+s20+$0x0], $0xffff  }
0x29b: {  	v44 =	vor.u32 $0xD, v17;
	v6 =	vmul.f32 v62, v62;
	v14 =	vadd.f32 v34, v14  }
0x29c: {  	v57 =	vld.idx.msk [tilespmem:v63+s20+$0x0], $0xffff  }
0x29d: {  	v45 =	vor.u32 $0xE, v17;
	v7 =	vmul.f32 v40, v40;
	v14 =	vadd.f32 v6, v14  }
0x29e: {  	v46 =	vld.idx.msk [tilespmem:v42+s20+$0x0], $0xffff  }
0x29f: {  	v52 =	vor.u32 $0xF, v17;
	v8 =	vmul.f32 v41, v41;
	v14 =	vadd.f32 v7, v14  }
0x2a0: {  	v48 =	vor.u32 $0x10, v17;
	v54 =	vld.idx.msk [tilespmem:v44+s20+$0x0], $0xffff  }
0x2a1: {  	v9 =	vmul.f32 v57, v57;
	v14 =	vadd.f32 v8, v14  }
0x2a2: {  	v50 =	vor.u32 $0x11, v17;
	v47 =	vld.idx.msk [tilespmem:v45+s20+$0x0], $0xffff  }
0x2a3: {  	v39 =	vmul.f32 v46, v46;
	v1 =	vor.u32 $0x13, v17;
	v14 =	vadd.f32 v9, v14  }
0x2a4: {  	v51 =	vld.idx.msk [tilespmem:v52+s20+$0x0], $0xffff;
	v55 =	vor.u32 $0x12, v17  }
0x2a5: {  	v49 =	vld.idx.msk [tilespmem:v48+s20+$0x0], $0xffff;
	v56 =	vmul.f32 v54, v54;
	v14 =	vadd.f32 v39, v14  }
0x2a6: {  	v8 =	vor.u32 $0x14, v17;
	v39 =	vld.idx.msk [tilespmem:v17+s14+$0x0], $0xffff  }
0x2a7: {  	v53 =	vld.idx.msk [tilespmem:v50+s20+$0x0], $0xffff;
	v4 =	vmul.f32 v47, v47;
	v14 =	vadd.f32 v56, v14  }
0x2a8: {  	[tilespmem:$0x1FC60] =	vst v1;
	v1 =	vld.idx.msk [tilespmem:v1+s20+$0x0], $0xffff  }
0x2a9: {  	v6 =	vmul.f32 v51, v51;
	v56 =	vld.idx.msk [tilespmem:v55+s20+$0x0], $0xffff;
	v14 =	vadd.f32 v4, v14  }
0x2aa: {  	v7 =	vmul.f32 v49, v49;
	v4 =	vld.idx.msk [tilespmem:v0+s14+$0x0], $0xffff  }
0x2ab: {  	v9 =	vor.u32 $0x15, v17;
	v0 =	vmul.f32 v39, v2;
	v2 =	vld.idx.msk [tilespmem:v8+s20+$0x0], $0xffff;
	v14 =	vadd.f32 v6, v14  }
0x2ac: {  	[tilespmem:$0x1FC70] =	vst v8;
	v8 =	vld.idx.msk [tilespmem:v3+s14+$0x0], $0xffff  }
0x2ad: {  	v6 =	vld.idx.msk [tilespmem:v43+s14+$0x0], $0xffff;
	v43 =	vmul.f32 v53, v53;
	v14 =	vadd.f32 v7, v14  }
0x2ae: {  	v7 =	vor.u32 $0x16, v17  }
0x2af: {  	[tilespmem:$0x1FC80] =	vst v1;
	v14 =	vadd.f32 v43, v14;
	v43 =	vmul.f32 v56, v56  }
0x2b0: {  	[tilespmem:$0x1FC90] =	vst v9;
	v3 =	vadd.f32 $0.0e+00, v0;
	v0 =	vld.idx.msk [tilespmem:v9+s20+$0x0], $0xffff;
	v5 =	vmul.f32 v4, v5  }
0x2b1: {  	v34 =	vor.u32 $0x17, v17;
	v9 =	vld.idx.msk [tilespmem:v16+s14+$0x0], $0xffff;
	[tilespmem:$0x1FCB0] =	vst v7;
	v14 =	vadd.f32 v43, v14;
	v43 =	vmul.f32 v1, v1  }
0x2b2: {  	v31 =	vmul.f32 v8, v31;
	v3 =	vadd.f32 v5, v3;
	v16 =	vmul.f32 v6, v22;
	v5 =	vld.idx.msk [tilespmem:v30+s14+$0x0], $0xffff  }
0x2b3: {  	[tilespmem:$0x1FCA0] =	vst v2;
	v22 =	vmul.f32 v2, v2;
	v2 =	vor.u32 $0x19, v17;
	v1 =	vld.idx.msk [tilespmem:v7+s20+$0x0], $0xffff;
	v7 =	vadd.f32 v43, v14  }
0x2b4: {  	v3 =	vadd.f32 v16, v3;
	v16 =	vmul.f32 v39, v39;
	v39 =	vmul.f32 v4, v4  }
0x2b5: {  	v30 =	vld.idx.msk [tilespmem:v32+s14+$0x0], $0xffff;
	[tilespmem:$0x1FCC0] =	vst v0;
	v43 =	vor.u32 $0x18, v17;
	v7 =	vadd.f32 v22, v7;
	v22 =	vmul.f32 v0, v0  }
0x2b6: {  	v14 =	vld.idx.msk [tilespmem:v34+s20+$0x0], $0xffff;
	v0 =	vadd.f32 v31, v3;
	v3 =	vadd.f32 v39, v16;
	v16 =	vmul.f32 v6, v6  }
0x2b7: {  	v31 =	vld.idx.msk [tilespmem:v36+s14+$0x0], $0xffff;
	v36 =	vmul.f32 v5, v35;
	v6 =	vmul.f32 v8, v8  }
0x2b8: {  	v58 =	vld.idx.msk [tilespmem:v58+s14+$0x0], $0xffff;
	v8 =	vor.u32 $0x1C, v17;
	v32 =	vadd.f32 v22, v7;
	v7 =	vmul.f32 v9, v33  }
0x2b9: {  	v35 =	vld.idx.msk [tilespmem:v38+s14+$0x0], $0xffff;
	v38 =	vmul.f32 v9, v9;
	v5 =	vmul.f32 v5, v5;
	v3 =	vadd.f32 v16, v3  }
0x2ba: {  	[tilespmem:$0x1FCD0] =	vst v1;
	v33 =	vmul.f32 v1, v1;
	v22 =	vor.u32 $0x1A, v17;
	v16 =	vld.idx.msk [tilespmem:v2+s20+$0x0], $0xffff;
	v1 =	vadd.f32 v7, v0  }
0x2bb: {  	[tilespmem:$0x1FCE0] =	vst v2;
	v39 =	vld.idx.msk [tilespmem:v43+s20+$0x0], $0xffff;
	v2 =	vmul.f32 v14, v14;
	v7 =	vor.u32 $0x1B, v17;
	v4 =	vadd.f32 v6, v3  }
0x2bc: {  	v61 =	vld.idx.msk [tilespmem:v61+s14+$0x0], $0xffff;
	v0 =	vadd.f32 v33, v32;
	v32 =	vadd.f32 v36, v1;
	v36 =	vmul.f32 v30, v37  }
0x2bd: {  	v63 =	vld.idx.msk [tilespmem:v63+s14+$0x0], $0xffff;
	v33 =	vor.u32 $0x1D, v17;
	v9 =	vmul.f32 v31, v59;
	v4 =	vadd.f32 v38, v4  }
0x2be: {  	v3 =	vld.idx.msk [tilespmem:v8+s20+$0x0], $0xffff;
	v59 =	vmul.f32 v58, v40;
	v31 =	vmul.f32 v31, v31;
	v6 =	vadd.f32 v36, v32  }
0x2bf: {  	v0 =	vadd.f32 v2, v0;
	v30 =	vmul.f32 v30, v30;
	v36 =	vld.idx.msk [tilespmem:v22+s20+$0x0], $0xffff;
	v4 =	vadd.f32 v5, v4  }
0x2c0: {  	v38 =	vmul.f32 v35, v62;
	v37 =	vmul.f32 v39, v39;
	v1 =	vld.idx.msk [tilespmem:v7+s20+$0x0], $0xffff;
	v6 =	vadd.f32 v9, v6  }
0x2c1: {  	v62 =	vmul.f32 v61, v41;
	v35 =	vmul.f32 v35, v35;
	v30 =	vadd.f32 v30, v4  }
0x2c2: {  	v0 =	vadd.f32 v37, v0;
	v37 =	vmul.f32 v16, v16;
	v6 =	vadd.f32 v38, v6  }
0x2c3: {  	v32 =	vor.u32 $0x1E, v17;
	v5 =	vmul.f32 v63, v57;
	v30 =	vadd.f32 v31, v30  }
0x2c4: {  	[tilespmem:$0x1FCF0] =	vst v8;
	v0 =	vadd.f32 v37, v0;
	v2 =	vmul.f32 v36, v36;
	v6 =	vadd.f32 v59, v6  }
0x2c5: {  	v8 =	vld.idx.msk [tilespmem:v33+s20+$0x0], $0xffff;
	[tilespmem:$0x1FD10] =	vst v3;
	v38 =	vor.u32 $0x1F, v17;
	v40 =	vmul.f32 v1, v1;
	v30 =	vadd.f32 v35, v30  }
0x2c6: {  	v59 =	vld.idx.msk [tilespmem:v42+s14+$0x0], $0xffff;
	v0 =	vadd.f32 v2, v0;
	v6 =	vadd.f32 v62, v6;
	v62 =	vmul.f32 v58, v58  }
0x2c7: {  	v3 =	vmul.f32 v3, v3;
	[tilespmem:$0x1FD00] =	vst v1;
	v1 =	vor.u32 $0x20, v17;
	v35 =	vld.idx.msk [tilespmem:v45+s14+$0x0], $0xffff;
	v42 =	vor.u32 $0x21, v17  }
0x2c8: {  	v45 =	vmul.f32 v61, v61;
	v2 =	vld.idx.msk [tilespmem:v32+s20+$0x0], $0xffff;
	v0 =	vadd.f32 v40, v0;
	v30 =	vadd.f32 v62, v30  }
0x2c9: {  	v9 =	vld.idx.msk [tilespmem:v44+s14+$0x0], $0xffff;
	v6 =	vadd.f32 v5, v6;
	v5 =	vmul.f32 v63, v63  }
0x2ca: {  	v31 =	vld.idx.msk [tilespmem:v38+s20+$0x0], $0xffff;
	v0 =	vadd.f32 v3, v0;
	v3 =	vmul.f32 v8, v8;
	v30 =	vadd.f32 v45, v30  }
0x2cb: {  	v37 =	vor.u32 $0x22, v17;
	v58 =	vld.idx.msk [tilespmem:v52+s14+$0x0], $0xffff  }
0x2cc: {  	v52 =	vmul.f32 v59, v59;
	v0 =	vadd.f32 v3, v0;
	v3 =	vld.idx.msk [tilespmem:v1+s20+$0x0], $0xffff;
	v30 =	vadd.f32 v5, v30  }
0x2cd: {  	[tilespmem:$0x1FD20] =	vst v1;
	v44 =	vmul.f32 v59, v46;
	v46 =	vmul.f32 v2, v2;
	v1 =	vld.idx.msk [tilespmem:v42+s20+$0x0], $0xffff  }
0x2ce: {  	v61 =	vmul.f32 v9, v54;
	v30 =	vadd.f32 v52, v30;
	v52 =	vld [tilespmem:$0x1FC60]  }
0x2cf: {  	v6 =	vadd.f32 v44, v6;
	v62 =	vmul.f32 v31, v31;
	v0 =	vadd.f32 v46, v0  }
0x2d0: {  	v63 =	vld.idx.msk [tilespmem:v37+s20+$0x0], $0xffff  }
0x2d1: {  	v6 =	vadd.f32 v61, v6;
	v61 =	vld.idx.msk [tilespmem:v48+s14+$0x0], $0xffff;
	v0 =	vadd.f32 v62, v0;
	v48 =	vmul.f32 v3, v3  }
0x2d2: {  	v40 =	vmul.f32 v35, v47  }
0x2d3: {  	v59 =	vld.idx.msk [tilespmem:v50+s14+$0x0], $0xffff;
	v4 =	vmul.f32 v1, v1;
	v0 =	vadd.f32 v48, v0  }
0x2d4: {  	v9 =	vmul.f32 v9, v9;
	v6 =	vadd.f32 v40, v6;
	v62 =	vmul.f32 v58, v51  }
0x2d5: {  	v45 =	vld.idx.msk [tilespmem:v55+s14+$0x0], $0xffff;
	v50 =	vmul.f32 v63, v63;
	v0 =	vadd.f32 v4, v0  }
0x2d6: {  	v9 =	vadd.f32 v9, v30;
	v6 =	vadd.f32 v62, v6;
	v5 =	vmul.f32 v61, v49;
	v30 =	vld.idx.msk [tilespmem:v52+s14+$0x0], $0xffff  }
0x2d7: {  	v0 =	vadd.f32 v50, v0;
	v50 =	vld [tilespmem:$0x1FC80]  }
0x2d8: {  	v51 =	vmul.f32 v59, v53;
	v6 =	vadd.f32 v5, v6  }
0x2d9: {  	v35 =	vmul.f32 v35, v35  }
0x2da: {  	v56 =	vmul.f32 v45, v56;
	v6 =	vadd.f32 v51, v6  }
0x2db: {  	v62 =	vmul.f32 v58, v58;
	v9 =	vadd.f32 v35, v9  }
0x2dc: {  	[tilespmem:$0x1FD60] =	vst v63;
	v63 =	vld [tilespmem:$0x1FC70];
	v6 =	vadd.f32 v56, v6;
	v51 =	vmul.f32 v30, v50  }
0x2dd: {  	v54 =	vor.u32 $0x23, v17;
	v9 =	vadd.f32 v62, v9;
	v62 =	vld [tilespmem:$0x1FC90]  }
0x2de: {  	v6 =	vadd.f32 v51, v6;
	v51 =	vld [tilespmem:$0x1FCB0];
	_ =	sdelay $0x3  }
0x2df: {  	v47 =	vld.idx.msk [tilespmem:v54+s20+$0x0], $0xffff;
	v5 =	vmul.f32 v61, v61  }
0x2e0: {  	v46 =	vld [tilespmem:$0x1FCA0];
	v40 =	vor.u32 $0x24, v17  }
0x2e1: {  	v35 =	vld.idx.msk [tilespmem:v63+s14+$0x0], $0xffff;
	v63 =	vmul.f32 v59, v59;
	v9 =	vadd.f32 v5, v9  }
0x2e2: {  	v61 =	vld.idx.msk [tilespmem:v62+s14+$0x0], $0xffff  }
0x2e3: {  	v9 =	vadd.f32 v63, v9;
	v63 =	vld.idx.msk [tilespmem:v51+s14+$0x0], $0xffff  }
0x2e4: {  	v49 =	vor.u32 $0x25, v17;
	v51 =	vld [tilespmem:$0x1FCC0]  }
0x2e5: {  	v41 =	vor.u32 $0x26, v17;
	v48 =	vld.idx.msk [tilespmem:v40+s20+$0x0], $0xffff;
	_ =	sdelay $0x1  }
0x2e6: {  	v52 =	vmul.f32 v45, v45;
	v50 =	vmul.f32 v35, v46  }
0x2e7: {  	v57 =	vor.u32 $0x27, v17;
	[tilespmem:$0x1FD40] =	vst v3  }
0x2e8: {  	v44 =	vld.idx.msk [tilespmem:v49+s20+$0x0], $0xffff;
	v6 =	vadd.f32 v50, v6;
	v50 =	vadd.f32 v52, v9;
	v52 =	vmul.f32 v61, v51  }
0x2e9: {  	v53 =	vmul.f32 v47, v47;
	[tilespmem:$0x1FD70] =	vst v48;
	v3 =	vmul.f32 v48, v48;
	v48 =	vld.idx.msk [tilespmem:v41+s20+$0x0], $0xffff  }
0x2ea: {  	v6 =	vadd.f32 v52, v6;
	v52 =	vld [tilespmem:$0x1FCE0]  }
0x2eb: {  	v58 =	vor.u32 $0x28, v17;
	v0 =	vadd.f32 v53, v0  }
0x2ec: {  	v55 =	vld.idx.msk [tilespmem:v57+s20+$0x0], $0xffff;
	v56 =	vor.u32 $0x29, v17  }
0x2ed: {  	v5 =	vld.idx.msk [tilespmem:v43+s14+$0x0], $0xffff;
	v0 =	vadd.f32 v3, v0;
	v3 =	vmul.f32 v44, v44  }
0x2ee: {  	v43 =	vld [tilespmem:$0x1FCD0]  }
0x2ef: {  	[tilespmem:$0x1FD50] =	vst v1;
	v45 =	vor.u32 $0x2A, v17;
	v1 =	vadd.f32 v3, v0;
	v53 =	vmul.f32 v48, v48;
	v3 =	vld.idx.msk [tilespmem:v34+s14+$0x0], $0xffff  }
0x2f0: {  	v30 =	vmul.f32 v30, v30;
	v62 =	vld.idx.msk [tilespmem:v58+s20+$0x0], $0xffff  }
0x2f1: {  	v34 =	vor.u32 $0x2B, v17;
	v46 =	vadd.f32 v53, v1;
	v53 =	vld.idx.msk [tilespmem:v56+s20+$0x0], $0xffff  }
0x2f2: {  	v35 =	vmul.f32 v35, v35;
	v9 =	vmul.f32 v55, v55;
	v1 =	vadd.f32 v30, v50;
	v30 =	vld.idx.msk [tilespmem:v52+s14+$0x0], $0xffff  }
0x2f3: {  	[tilespmem:$0x1FD30] =	vst v2;
	v4 =	vmul.f32 v61, v61  }
0x2f4: {  	v50 =	vld.idx.msk [tilespmem:v45+s20+$0x0], $0xffff;
	v2 =	vadd.f32 v9, v46;
	v14 =	vmul.f32 v3, v14;
	v1 =	vadd.f32 v35, v1  }
0x2f5: {  	v46 =	vmul.f32 v63, v43;
	v43 =	vor.u32 $0x2C, v17;
	v51 =	vmul.f32 v62, v62  }
0x2f6: {  	v59 =	vor.u32 $0x2D, v17;
	v9 =	vld.idx.msk [tilespmem:v34+s20+$0x0], $0xffff;
	[tilespmem:$0x1FD80] =	vst v53;
	v53 =	vmul.f32 v53, v53;
	v1 =	vadd.f32 v4, v1  }
0x2f7: {  	v2 =	vadd.f32 v51, v2;
	v6 =	vadd.f32 v46, v6;
	v4 =	vmul.f32 v30, v16;
	v16 =	vld [tilespmem:$0x1FCF0]  }
0x2f8: {  	v39 =	vmul.f32 v5, v39  }
0x2f9: {  	v22 =	vld.idx.msk [tilespmem:v22+s14+$0x0], $0xffff;
	v2 =	vadd.f32 v53, v2;
	v46 =	vmul.f32 v50, v50;
	v6 =	vadd.f32 v14, v6  }
0x2fa: {  	v35 =	vor.u32 $0x2E, v17;
	[tilespmem:$0x1FD90] =	vst v50;
	v14 =	vld.idx.msk [tilespmem:v43+s20+$0x0], $0xffff  }
0x2fb: {  	v61 =	vld.idx.msk [tilespmem:v7+s14+$0x0], $0xffff;
	v7 =	vmul.f32 v9, v9;
	v2 =	vadd.f32 v46, v2;
	v6 =	vadd.f32 v39, v6  }
0x2fc: {  	[tilespmem:$0x1FDA0] =	vst v9;
	v9 =	vld.idx.msk [tilespmem:v59+s20+$0x0], $0xffff;
	v50 =	vmul.f32 v63, v63  }
0x2fd: {  	v39 =	vadd.f32 v4, v6;
	v4 =	vadd.f32 v7, v2;
	v7 =	vld.idx.msk [tilespmem:v33+s14+$0x0], $0xffff  }
0x2fe: {  	v1 =	vadd.f32 v50, v1;
	v46 =	vmul.f32 v3, v3;
	v52 =	vor.u32 $0x2F, v17;
	v33 =	vld [tilespmem:$0x1FD00]  }
0x2ff: {  	v5 =	vmul.f32 v5, v5;
	v63 =	vld.idx.msk [tilespmem:v16+s14+$0x0], $0xffff;
	v16 =	vmul.f32 v14, v14  }
0x300: {  	v53 =	vld.idx.msk [tilespmem:v35+s20+$0x0], $0xffff;
	v50 =	vmul.f32 v22, v36;
	v36 =	vor.u32 $0x30, v17;
	v1 =	vadd.f32 v46, v1  }
0x301: {  	v2 =	vadd.f32 v16, v4;
	v16 =	vmul.f32 v30, v30;
	v30 =	vld [tilespmem:$0x1FD10]  }
0x302: {  	v3 =	vadd.f32 v5, v1;
	v5 =	vld [tilespmem:$0x1FD20]  }
0x303: {  	v51 =	vld.idx.msk [tilespmem:v52+s20+$0x0], $0xffff;
	v39 =	vadd.f32 v50, v39;
	v46 =	vmul.f32 v61, v33  }
0x304: {  	[tilespmem:$0x1FDB0] =	vst v14;
	v14 =	vmul.f32 v9, v9  }
0x305: {  	v50 =	vld.idx.msk [tilespmem:v36+s20+$0x0], $0xffff;
	v33 =	vor.u32 $0x31, v17;
	v4 =	vadd.f32 v46, v39  }
0x306: {  	v39 =	vld.idx.msk [tilespmem:v32+s14+$0x0], $0xffff;
	v32 =	vmul.f32 v53, v53;
	v2 =	vadd.f32 v14, v2;
	v1 =	vmul.f32 v63, v30  }
0x307: {  	v0 =	vadd.f32 v16, v3;
	v14 =	vmul.f32 v22, v22;
	v16 =	vmul.f32 v7, v8  }
0x308: {  	[tilespmem:$0x1FDC0] =	vst v9;
	v8 =	vld [tilespmem:$0x1FD30];
	v2 =	vadd.f32 v32, v2;
	v30 =	vmul.f32 v51, v51;
	v9 =	vadd.f32 v1, v4  }
0x309: {  	v37 =	vld.idx.msk [tilespmem:v37+s14+$0x0], $0xffff;
	v46 =	vor.u32 $0x32, v17;
	v0 =	vadd.f32 v14, v0;
	v32 =	vmul.f32 v61, v61  }
0x30a: {  	v6 =	vld.idx.msk [tilespmem:v38+s14+$0x0], $0xffff;
	v2 =	vadd.f32 v30, v2;
	v3 =	vadd.f32 v16, v9;
	v9 =	vmul.f32 v50, v50  }
0x30b: {  	v38 =	vld.idx.msk [tilespmem:v5+s14+$0x0], $0xffff  }
0x30c: {  	v63 =	vmul.f32 v63, v63;
	v4 =	vadd.f32 v32, v0;
	v2 =	vadd.f32 v9, v2;
	v9 =	vld [tilespmem:$0x1FD40]  }
0x30d: {  	v14 =	vor.u32 $0x33, v17;
	v61 =	vld.idx.msk [tilespmem:v33+s20+$0x0], $0xffff;
	v1 =	vmul.f32 v39, v8  }
0x30e: {  	v7 =	vmul.f32 v7, v7;
	v22 =	vld.idx.msk [tilespmem:v46+s20+$0x0], $0xffff;
	v4 =	vadd.f32 v63, v4  }
0x30f: {  	v31 =	vmul.f32 v6, v31;
	v16 =	vor.u32 $0x34, v17;
	v1 =	vadd.f32 v1, v3;
	v3 =	vld.idx.msk [tilespmem:v42+s14+$0x0], $0xffff  }
0x310: {  	v4 =	vadd.f32 v7, v4;
	v7 =	vld.idx.msk [tilespmem:v54+s14+$0x0], $0xffff  }
0x311: {  	v8 =	vor.u32 $0x35, v17;
	v54 =	vld [tilespmem:$0x1FD50];
	v42 =	vadd.f32 v31, v1;
	v30 =	vmul.f32 v38, v9  }
0x312: {  	v5 =	vor.u32 $0x36, v17;
	v32 =	vld.idx.msk [tilespmem:v14+s20+$0x0], $0xffff;
	v31 =	vmul.f32 v61, v61  }
0x313: {  	v39 =	vmul.f32 v39, v39;
	v1 =	vadd.f32 v30, v42;
	v42 =	vor.u32 $0x37, v17;
	v17 =	vld [tilespmem:$0x1FD60]  }
0x314: {  	v63 =	vld.idx.msk [tilespmem:v16+s20+$0x0], $0xffff;
	v2 =	vadd.f32 v31, v2;
	v31 =	vmul.f32 v22, v22  }
0x315: {  	v4 =	vadd.f32 v39, v4;
	v39 =	vld.idx.msk [tilespmem:v40+s14+$0x0], $0xffff  }
0x316: {  	v0 =	vadd.f32 v31, v2;
	v2 =	vmul.f32 v3, v54;
	v31 =	vld.idx.msk [tilespmem:v8+s20+$0x0], $0xffff  }
0x317: {  	v40 =	vld.idx.msk [tilespmem:v5+s20+$0x0], $0xffff;
	v9 =	vmul.f32 v32, v32  }
0x318: {  	v1 =	vadd.f32 v2, v1;
	v2 =	vmul.f32 v37, v17;
	v17 =	vld [tilespmem:$0x1FD70]  }
0x319: {  	v0 =	vadd.f32 v9, v0;
	v30 =	vmul.f32 v63, v63  }
0x31a: {  	v6 =	vmul.f32 v6, v6  }
0x31b: {  	v0 =	vadd.f32 v30, v0;
	v9 =	vmul.f32 v31, v31  }
0x31c: {  	v4 =	vadd.f32 v6, v4  }
0x31d: {  	v30 =	vmul.f32 v40, v40;
	v0 =	vadd.f32 v9, v0;
	v6 =	vmul.f32 v39, v17;
	v17 =	vld [tilespmem:$0x1FFE0];
	_ =	sdelay $0x1  }
0x31e: {  	v0 =	vadd.f32 v30, v0;
	v30 =	vld [tilespmem:$0x1FFD0]  }
0x31f: {  	v38 =	vmul.f32 v38, v38;
	v9 =	vld [tilespmem:$0x1FFC0]  }
0x320: {  	v1 =	vadd.f32 v2, v1;
	v2 =	vld.idx.msk [tilespmem:v49+s14+$0x0], $0xffff  }
0x321: {  	v54 =	vmul.f32 v7, v47;
	v4 =	vadd.f32 v38, v4;
	v38 =	vld.idx.msk [tilespmem:v41+s14+$0x0], $0xffff  }
0x322: {  	v3 =	vmul.f32 v3, v3;
	v47 =	vld.idx.msk [tilespmem:v42+s20+$0x0], $0xffff  }
0x323: {  	v1 =	vadd.f32 v54, v1  }
0x324: {  	v3 =	vadd.f32 v3, v4;
	v37 =	vmul.f32 v37, v37;
	v41 =	vld.idx.msk [tilespmem:v17+s20+$0x0], $0xffff  }
0x325: {  	v4 =	vld.idx.msk [tilespmem:v57+s14+$0x0], $0xffff;
	v1 =	vadd.f32 v6, v1;
	v54 =	vmul.f32 v2, v44  }
0x326: {  	v7 =	vmul.f32 v7, v7;
	v3 =	vadd.f32 v37, v3;
	v44 =	vld.idx.msk [tilespmem:v30+s20+$0x0], $0xffff  }
0x327: {  	v37 =	vld.idx.msk [tilespmem:v58+s14+$0x0], $0xffff;
	v58 =	vmul.f32 v38, v48;
	v57 =	vmul.f32 v47, v47;
	v1 =	vadd.f32 v54, v1  }
0x328: {  	v3 =	vadd.f32 v7, v3;
	v39 =	vmul.f32 v39, v39;
	v48 =	vld.idx.msk [tilespmem:v9+s20+$0x0], $0xffff  }
0x329: {  	v0 =	vadd.f32 v57, v0;
	v1 =	vadd.f32 v58, v1;
	v58 =	vld [tilespmem:$0x1FFB0];
	v49 =	vmul.f32 v41, v41  }
0x32a: {  	v6 =	vld.idx.msk [tilespmem:v56+s14+$0x0], $0xffff;
	v3 =	vadd.f32 v39, v3  }
0x32b: {  	v39 =	vld.idx.msk [tilespmem:v45+s14+$0x0], $0xffff;
	v2 =	vmul.f32 v2, v2;
	v57 =	vmul.f32 v44, v44;
	v0 =	vadd.f32 v49, v0  }
0x32c: {  	v7 =	vmul.f32 v37, v62;
	v56 =	vld [tilespmem:$0x1FF90]  }
0x32d: {  	v2 =	vadd.f32 v2, v3;
	v3 =	vld.idx.msk [tilespmem:v34+s14+$0x0], $0xffff;
	v62 =	vmul.f32 v48, v48;
	v0 =	vadd.f32 v57, v0  }
0x32e: {  	v57 =	vld [tilespmem:$0x1FFA0]  }
0x32f: {  	v0 =	vadd.f32 v62, v0;
	v62 =	vld [tilespmem:$0x1FD80]  }
0x330: {  	v54 =	vmul.f32 v4, v55;
	v34 =	vld [tilespmem:$0x1FD90]  }
0x331: {  	v49 =	vld.idx.msk [tilespmem:v58+s20+$0x0], $0xffff  }
0x332: {  	v1 =	vadd.f32 v54, v1  }
0x333: {  	v38 =	vmul.f32 v38, v38;
	v54 =	vld [tilespmem:$0x1FDA0]  }
0x334: {  	v55 =	vld [tilespmem:$0x1FF80];
	v1 =	vadd.f32 v7, v1;
	v7 =	vmul.f32 v6, v62  }
0x335: {  	v2 =	vadd.f32 v38, v2  }
0x336: {  	v38 =	vld.idx.msk [tilespmem:v43+s14+$0x0], $0xffff;
	v43 =	vmul.f32 v49, v49;
	v1 =	vadd.f32 v7, v1;
	v7 =	vmul.f32 v39, v34  }
0x337: {  	v28 =	vadd.f32 v29, v28;
	v45 =	vld.idx.msk [tilespmem:v57+s20+$0x0], $0xffff  }
0x338: {  	v29 =	vld.idx.msk [tilespmem:v52+s14+$0x0], $0xffff;
	v0 =	vadd.f32 v43, v0;
	v43 =	vmul.f32 v3, v54;
	v1 =	vadd.f32 v7, v1  }
0x339: {  	v62 =	vld.idx.msk [tilespmem:v56+s20+$0x0], $0xffff  }
0x33a: {  	v4 =	vmul.f32 v4, v4;
	v1 =	vadd.f32 v43, v1;
	v43 =	vld [tilespmem:$0x1FDB0]  }
0x33b: {  	v46 =	vld.idx.msk [tilespmem:v46+s14+$0x0], $0xffff  }
0x33c: {  	v37 =	vmul.f32 v37, v37;
	v2 =	vadd.f32 v4, v2;
	v34 =	vld.idx.msk [tilespmem:v55+s20+$0x0], $0xffff;
	v4 =	vmul.f32 v45, v45  }
0x33d: {  	v24 =	vmul.f32 v24, v24;
	v7 =	vld.idx.msk [tilespmem:v59+s14+$0x0], $0xffff  }
0x33e: {  	v2 =	vadd.f32 v37, v2;
	v6 =	vmul.f32 v6, v6;
	v4 =	vadd.f32 v4, v0;
	v0 =	vld.idx.msk [tilespmem:v18+s20+$0x0], $0xffff  }
0x33f: {  	v59 =	vmul.f32 v62, v62;
	v37 =	vmul.f32 v38, v43;
	v43 =	vld [tilespmem:$0x1FDC0]  }
0x340: {  	v10 =	vmul.f32 v19, v10;
	v12 =	vmul.f32 v20, v12;
	v36 =	vld.idx.msk [tilespmem:v36+s14+$0x0], $0xffff;
	v2 =	vadd.f32 v6, v2  }
0x341: {  	v35 =	vld.idx.msk [tilespmem:v35+s14+$0x0], $0xffff;
	v54 =	vmul.f32 v34, v34;
	v4 =	vadd.f32 v59, v4;
	v59 =	vmul.f32 v39, v39  }
0x342: {  	v26 =	vadd.f32 v27, v26;
	v22 =	vmul.f32 v46, v22;
	v3 =	vmul.f32 v3, v3  }
0x343: {  	v39 =	vmul.f32 v29, v51;
	v4 =	vadd.f32 v54, v4;
	v2 =	vadd.f32 v59, v2  }
0x344: {  	v1 =	vadd.f32 v37, v1;
	v52 =	vmul.f32 v0, v0;
	v37 =	vmul.f32 v7, v43  }
0x345: {  	v51 =	vmul.f32 v36, v50;
	v59 =	vmul.f32 v38, v38;
	v2 =	vadd.f32 v3, v2  }
0x346: {  	v54 =	vmul.f32 v35, v53;
	v6 =	vadd.f32 v52, v4;
	v1 =	vadd.f32 v37, v1  }
0x347: {  	v29 =	vmul.f32 v29, v29;
	v38 =	vld.idx.msk [tilespmem:v33+s14+$0x0], $0xffff;
	v2 =	vadd.f32 v59, v2;
	v43 =	vmul.f32 v21, v13  }
0x348: {  	v7 =	vmul.f32 v7, v7;
	v52 =	vshra.s32 v6, $0x1;
	v1 =	vadd.f32 v54, v1  }
0x349: {  	v14 =	vld.idx.msk [tilespmem:v14+s14+$0x0], $0xffff;
	v37 =	vmul.f32 v25, v25;
	v3 =	vadd.f32 v43, v26;
	v26 =	vmul.f32 $5.000000000e-01, v6  }
0x34a: {  	v16 =	vld.idx.msk [tilespmem:v16+s14+$0x0], $0xffff;
	v2 =	vadd.f32 v7, v2;
	v7 =	vsub.s32 $0x5F3759DF, v52;
	v1 =	vadd.f32 v39, v1  }
0x34b: {  	vm0 =	vge.f32 v11, $1.000000020e-24;
	v53 =	vmul.f32 v35, v35;
	v59 =	vmul.f32 v7, v26  }
0x34c: {  	v4 =	vadd.f32 v37, v28;
	v54 =	vmul.f32 v38, v61;
	v1 =	vadd.f32 v51, v1  }
0x34d: {  	v50 =	vld.idx.msk [tilespmem:v9+s14+$0x0], $0xffff;
	v33 =	vmul.f32 v36, v36;
	v2 =	vadd.f32 v53, v2;
	v61 =	vmul.f32 v7, v59  }
0x34e: {  	v35 =	vmul.f32 v14, v32;
	v4 =	vadd.f32 v24, v4;
	v1 =	vadd.f32 v54, v1  }
0x34f: {  	v8 =	vld.idx.msk [tilespmem:v8+s14+$0x0], $0xffff;
	v36 =	vmul.f32 v16, v63;
	v2 =	vadd.f32 v29, v2;
	v24 =	vsub.f32 $1.500000000e+00, v61  }
0x350: {  	v5 =	vld.idx.msk [tilespmem:v5+s14+$0x0], $0xffff;
	v14 =	vmul.f32 v14, v14;
	v16 =	vmul.f32 v16, v16;
	v1 =	vadd.f32 v22, v1  }
0x351: {  	v25 =	vmul.f32 v38, v38;
	v2 =	vadd.f32 v33, v2;
	v7 =	vmul.f32 v7, v24  }
0x352: {  	v63 =	vmul.f32 v21, v21;
	v27 =	vmul.f32 v50, v50;
	v1 =	vadd.f32 v35, v1  }
0x353: {  	v13 =	vmul.f32 v46, v46;
	v37 =	vld.idx.msk [tilespmem:v42+s14+$0x0], $0xffff;
	v2 =	vadd.f32 v25, v2;
	v42 =	vmul.f32 v7, v26  }
0x354: {  	v17 =	vld.idx.msk [tilespmem:v17+s14+$0x0], $0xffff;
	vm13 =	vge.f32 v6, $1.000000020e-24;
	v39 =	vmul.f32 v8, v31;
	v1 =	vadd.f32 v36, v1  }
0x355: {  	v46 =	vld.idx.msk [tilespmem:v30+s14+$0x0], $0xffff;
	v43 =	vmul.f32 v5, v40;
	v2 =	vadd.f32 v13, v2;
	v13 =	vmul.f32 v42, v7  }
0x356: {  	v30 =	vld.idx.msk [tilespmem:v18+s14+$0x0], $0xffff;
	v5 =	vmul.f32 v5, v5;
	v3 =	vadd.f32 v12, v3;
	v1 =	vadd.f32 v39, v1  }
0x357: {  	v38 =	vmul.f32 v23, v15;
	v2 =	vadd.f32 v14, v2;
	v13 =	vsub.f32 $1.500000000e+00, v13  }
0x358: {  	v53 =	vmul.f32 v60, v60;
	v47 =	vmul.f32 v37, v47;
	v1 =	vadd.f32 v43, v1  }
0x359: {  	v8 =	vmul.f32 v8, v8;
	v2 =	vadd.f32 v16, v2;
	v7 =	vmul.f32 v13, v7  }
0x35a: {  	v52 =	vld.idx.msk [tilespmem:v58+s14+$0x0], $0xffff;
	v60 =	vmul.f32 v50, v48;
	v51 =	vmul.f32 v17, v41;
	v1 =	vadd.f32 v47, v1  }
0x35b: {  	v0 =	vmul.f32 v30, v0;
	v2 =	vadd.f32 v8, v2;
	v58 =	vmul.f32 v7, v26  }
0x35c: {  	v12 =	vmul.f32 v38, v23;
	v59 =	vld.idx.msk [tilespmem:v57+s14+$0x0], $0xffff;
	v54 =	vmul.f32 v46, v44;
	v1 =	vadd.f32 v51, v1  }
0x35d: {  	v29 =	vmul.f32 v20, v20;
	v2 =	vadd.f32 v5, v2;
	v5 =	vmul.f32 v58, v7  }
0x35e: {  	v3 =	vadd.f32 v10, v3;
	v22 =	vmul.f32 v37, v37;
	v1 =	vadd.f32 v54, v1  }
0x35f: {  	v9 =	vmul.f32 v52, v49;
	v12 =	vsub.f32 $1.500000000e+00, v12;
	v61 =	vld.idx.msk [tilespmem:v56+s14+$0x0], $0xffff;
	v5 =	vsub.f32 $1.500000000e+00, v5  }
0x360: {  	v17 =	vmul.f32 v17, v17;
	v24 =	vld.idx.msk [tilespmem:v55+s14+$0x0], $0xffff;
	v2 =	vadd.f32 v22, v2;
	v1 =	vadd.f32 v60, v1  }
0x361: {  	v4 =	vadd.f32 v53, v4;
	v25 =	vmul.f32 v59, v45;
	v5 =	vmul.f32 v5, v7  }
0x362: {  	v14 =	vmul.f32 v46, v46;
	v2 =	vadd.f32 v17, v2;
	v1 =	vadd.f32 v9, v1  }
0x363: {  	v3 =	vadd.f32 v3, v3;
	v12 =	vmul.f32 v12, v23;
	v31 =	vmul.f32 v5, v26  }
0x364: {  	v28 =	vmul.f32 v61, v62;
	v2 =	vadd.f32 v14, v2;
	v1 =	vadd.f32 v25, v1  }
0x365: {  	v4 =	vadd.f32 v63, v4;
	v32 =	vmul.f32 v24, v34;
	v33 =	vmul.f32 v31, v5  }
0x366: {  	v8 =	vmul.f32 v52, v52;
	v2 =	vadd.f32 v27, v2;
	v1 =	vadd.f32 v28, v1  }
0x367: {  	v37 =	vmul.f32 v61, v61;
	v35 =	vmul.f32 v59, v59;
	v7 =	vsub.f32 $1.500000000e+00, v33  }
0x368: {  	v34 =	vnsel vm0, $0x5368D4A5, v12;
	v2 =	vadd.f32 v8, v2;
	v1 =	vadd.f32 v32, v1  }
0x369: {  	v4 =	vadd.f32 v29, v4;
	v36 =	vmul.f32 v34, v11;
	v5 =	vmul.f32 v7, v5  }
0x36a: {  	v40 =	vmul.f32 v24, v24;
	v2 =	vadd.f32 v35, v2;
	v0 =	vadd.f32 v0, v1  }
0x36b: {  	v3 =	vsub.f32 v36, v3;
	v39 =	vmul.f32 v19, v19;
	v5 =	vnsel vm13, $0x5368D4A5, v5  }
0x36c: {  	v38 =	vadd.f32 v37, v2;
	v6 =	vmul.f32 v5, v6;
	v0 =	vadd.f32 v0, v0  }
0x36d: {  	v41 =	vmul.f32 v30, v30;
	v2 =	vadd.f32 v39, v4  }
0x36e: {  	v3 =	vmul.f32 v3, v34;
	v1 =	vadd.f32 v40, v38;
	v0 =	vsub.f32 v6, v0;
	_ =	sdelay $0x1  }
0x36f: {  	v2 =	vadd.f32 v3, v2;
	v1 =	vadd.f32 v41, v1;
	v0 =	vmul.f32 v0, v5;
	_ =	sdelay $0x1  }
0x370: {  	v2 =	vmax.f32 v2, $0.0e+00;
	v0 =	vadd.f32 v0, v1  }
0x371: {  	v42 =	vshra.s32 v2, $0x1;
	v43 =	vmul.f32 $5.000000000e-01, v2  }
0x372: {  	v1 =	vsub.s32 $0x5F3759DF, v42;
	v0 =	vmax.f32 v0, $0.0e+00  }
0x373: {  	v44 =	vmul.f32 v1, v43;
	v45 =	vshra.s32 v0, $0x1;
	v46 =	vmul.f32 $5.000000000e-01, v0  }
0x374: {  	v5 =	vsub.s32 $0x5F3759DF, v45  }
0x375: {  	v4 =	vmul.f32 v1, v44;
	v47 =	vmul.f32 v5, v46;
	_ =	sdelay $0x1  }
0x376: {  	v4 =	vsub.f32 $1.500000000e+00, v4;
	v7 =	vmul.f32 v5, v47;
	_ =	sdelay $0x1  }
0x377: {  	v1 =	vmul.f32 v1, v4;
	v48 =	vsub.f32 $1.500000000e+00, v7;
	_ =	sdelay $0x1  }
0x378: {  	v49 =	vmul.f32 v1, v43;
	v4 =	vmul.f32 v5, v48;
	_ =	sdelay $0x1  }
0x379: {  	v50 =	vmul.f32 v49, v1;
	v51 =	vmul.f32 v4, v46;
	_ =	sdelay $0x1  }
0x37a: {  	v5 =	vsub.f32 $1.500000000e+00, v50;
	v7 =	vmul.f32 v51, v4;
	_ =	sdelay $0x1  }
0x37b: {  	v1 =	vmul.f32 v5, v1;
	v52 =	vsub.f32 $1.500000000e+00, v7;
	_ =	sdelay $0x1  }
0x37c: {  	v53 =	vmul.f32 v1, v43;
	v4 =	vmul.f32 v52, v4;
	_ =	sdelay $0x1  }
0x37d: {  	v54 =	vmul.f32 v53, v1;
	v55 =	vmul.f32 v4, v46  }
0x37e: {  	s26 =	sadd.s32 $0x10, s26  }
0x37f: {  	v56 =	vld [tilespmem:s26+$0x0];
	v5 =	vsub.f32 $1.500000000e+00, v54;
	v7 =	vmul.f32 v55, v4  }
0x380: {  	s26 =	sadd.s32 $0x10, s26  }
0x381: {  	v57 =	vld [tilespmem:s26+$0x0];
	v1 =	vmul.f32 v5, v1;
	v7 =	vsub.f32 $1.500000000e+00, v7;
	_ =	sdelay $0x1  }
0x382: {  	v3 =	vmul.f32 v1, v43;
	v4 =	vmul.f32 v7, v4  }
0x383: {  	(erf) = vrcp.f32 v56  }
0x384: {  	v3 =	vmul.f32 v3, v1;
	v6 =	vmul.f32 v4, v46  }
0x385: {  	(erf) = vrcp.f32 v57  }
0x386: {  	v3 =	vsub.f32 $1.500000000e+00, v3;
	v58 =	vmul.f32 v6, v4;
	_ =	sdelay $0x1  }
0x387: {  	v1 =	vmul.f32 v3, v1;
	v59 =	vsub.f32 $1.500000000e+00, v58;
	_ =	sdelay $0x1  }
0x388: {  	v63 =	vld [tilespmem:$0x1FF70];
	v1 =	vmul.f32 v1, v2;
	v3 =	vmul.f32 v59, v4  }
0x389: {  	vm14 =	vge.f32 v2, $1.000000000e-30  }
0x38a: {  	v60 =	vpop (erf);
	v1 =	vnsel vm14, $0x0, v1;
	v3 =	vmul.f32 v3, v0  }
0x38b: {  	vm15 =	vge.f32 v0, $1.000000000e-30;
	v1 =	vmul.f32 v1, v60  }
0x38c: {  	v61 =	vpop (erf);
	v62 =	vnsel vm15, $0x0, v3  }
0x38d: {  	v1 =	vadd.f32 v1, v63;
	v0 =	vmul.f32 v62, v61;
	_ =	sdelay $0x1  }
0x38e: {  	s25 =	sadd.s32 $0x1, s25;
	v0 =	vadd.f32 v0, v1  }
0x38f: {  	p0 =	sne.s32 s25, s10  }
.Ltmp1:
0x390: {  	[tilespmem:$0x10880] =	vst v0;
	(pc) =	sbr.rel @p0 .LBB2_1-.Ltmp1, $4  }
0x391: {  	[hbm4b:s9+s3] =	stream.linear.scatter [tilespmem:s24], [sflag:$0x3], $0x10, $0x38;
	[tilespmem:$0x12100] =	vst v63  }
0x392: {  	_ =	swait.ge [sflag:s11], $0x10  }
0x393: {  	[sflag:s11] =	ssyncset.done $0x0  }
0x394: {  	v57 =	vld [tilespmem:$0x1FFF0];
	[sflag:s11] =	ssyncadd.s32 $0xFFFFFFF0  }
0x395: {  	_ =	sfence.sel $0x180000  }
0x396: {  	[bflag:$0x0] =	sbarrier.arrive $0xFFFF  }
0x397: {  	_ =	strace $0x90000047  }
0x398: {  	s0 =	stileid.u32;
	[bflag:$0x2] =	sbarrier.arrive $0xFFFF  }
0x399: {  	p0 =	sne.s32 s0, $0x0;
	s0 =	rddreg [dreg:$0x2]  }
0x39a: {  	s0 =	sadd.s32 @!p0 $0x100000, s0  }
0x39b: {  	[sflag:s0] =	ssyncadd.tile.s32 @!p0 $0x1;
	_ =	shalt  }
.Lfunc_end2:
_tile_overlayer_lowered:
.L_overlay_start_2:
0x39c: {  	(tag) =	ssettag $0x2  }
0x39d: {  	s0 =	rddreg [dreg:$0x0];
	s2 =	stileid.u32  }
0x39e: {  	s1 =	rddreg [dreg:$0x1];
	p0 =	sne.s32 s2, $0x0  }
0x39f: {  	s3 =	rddreg [dreg:$0x2];
	[bflag:$0x3] =	sbarrier.arrive $0xFFFF;
	s2 =	simm.s32 @!p0 $0x1C03  }
0x3a0: {  	[timem:s3], [sflag:s2] =	dma.local @!p0 [hbm:s0], s1  }
0x3a1: {  	s0 =	simm.s32 @!p0 $0x3  }
0x3a2: {  	_ =	swait.ge @!p0 [sflag:s0], s1  }
0x3a3: {  	s1 =	ssub.s32 @!p0 $0x0, s1;
	[sflag:s0] =	ssyncset.done @!p0 $0x0  }
0x3a4: {  	[sflag:s0] =	ssyncadd.s32 @!p0 s1  }
0x3a5: {  	[bflag:$0x3] =	sbarrier.arrive $0xFFFF  }
0x3a6: {  	_ =	shalt  }

</sc_bundles>
